<compile_context>
chip_gen: v7x
topology: tpu7x:2x2x1
jax: 0.10.2.dev20260603
libtpu: 0.0.44.dev20260713+nightly
codegen_flags: <defaults>
</compile_context>

<pallas_src>
import functools

import jax
import jax.numpy as jnp
from jax import lax
from jax.experimental import pallas as pl
from jax.experimental.pallas import tpu as pltpu
from jax.experimental.pallas import tpu_sc as plsc

N = 10000
E = 320000
D = 128
NT = 16
NW = 32
CHUNK = 128
NCH_TOT = 160
NCH0 = 80
SEG = 8
E_PAD = NT * NCH_TOT * CHUNK
NPAD = 10240
RPT = NPAD // NT

_mesh = plsc.VectorSubcoreMesh(core_axis_name="c", subcore_axis_name="s",
                               num_cores=2, num_subcores=16)


NHIST = NT * 640
STRIPE = NHIST // NT


@functools.partial(
    pl.kernel,
    out_type=jax.ShapeDtypeStruct((NHIST,), jnp.float32),
    mesh=_mesh,
    scratch_types=[
        pltpu.VMEM((NCH_TOT, CHUNK), jnp.int32),
        pltpu.VMEM((CHUNK,), jnp.float32),
        pltpu.VMEM_SHARED((NHIST,), jnp.float32),
    ],
)
def _deg_kernel(dst_hbm, init_hbm, ones_hbm, deg_out, dstv, onesbuf, deg_sh):
    c = lax.axis_index("c")
    s = lax.axis_index("s")

    @pl.when(c == 0)
    def _():
        rows = pl.ds(s * STRIPE, STRIPE)
        pltpu.sync_copy(init_hbm.at[rows], deg_sh.at[rows])
        pltpu.sync_copy(dst_hbm.at[s], dstv)
        pltpu.sync_copy(ones_hbm, onesbuf)
        plsc.subcore_barrier()

        def body(j, carry):
            pltpu.sync_copy(onesbuf, deg_sh.at[dstv.at[j]], add=True)
            return carry

        lax.fori_loop(0, NCH_TOT, body, 0)
        plsc.subcore_barrier()
        pltpu.sync_copy(deg_sh.at[rows], deg_out.at[rows])


@functools.partial(
    pl.kernel,
    out_type=[
        jax.ShapeDtypeStruct((NPAD, D), jnp.float32),
        jax.ShapeDtypeStruct((NPAD, D), jnp.float32),
    ],
    mesh=_mesh,
    scratch_types=[
        pltpu.VMEM((SEG, CHUNK), jnp.int32),
        pltpu.VMEM((SEG, CHUNK), jnp.int32),
        pltpu.VMEM((CHUNK, D), jnp.float32),
        pltpu.VMEM((CHUNK, D), jnp.float32),
        pltpu.SemaphoreType.DMA,
        pltpu.SemaphoreType.DMA,
        pltpu.VMEM_SHARED((NPAD, D), jnp.float32),
    ],
)
def _scat_kernel(g_hbm, zeros_hbm, src_hbm, dst_hbm, out0_hbm, out1_hbm,
                 srcv, dstv, gbuf0, gbuf1, sem0, sem1, acc_sh):
    c = lax.axis_index("c")
    s = lax.axis_index("s")

    def run(init_hbm, out_hbm, seg_lo, seg_hi):
        rows = pl.ds(s * RPT, RPT)
        pltpu.sync_copy(init_hbm.at[rows], acc_sh.at[rows])
        plsc.subcore_barrier()

        def gstart(j, gbuf, sem):
            pltpu.make_async_copy(g_hbm.at[srcv.at[j]], gbuf, sem).start()

        def gwait(gbuf, sem):
            pltpu.make_async_copy(g_hbm.at[srcv.at[0]], gbuf, sem).wait()

        def scat(j, gbuf):
            pltpu.sync_copy(gbuf, acc_sh.at[dstv.at[j]], add=True)

        def seg_body(seg, carry):
            c0 = seg * SEG
            pltpu.sync_copy(src_hbm.at[s, pl.ds(c0, SEG)], srcv)
            pltpu.sync_copy(dst_hbm.at[s, pl.ds(c0, SEG)], dstv)
            gstart(0, gbuf0, sem0)

            def body(i, carry2):
                j0 = 2 * i
                j1 = j0 + 1
                gwait(gbuf0, sem0)
                gstart(j1, gbuf1, sem1)
                scat(j0, gbuf0)
                gwait(gbuf1, sem1)

                @pl.when(j1 + 1 < SEG)
                def _():
                    gstart(j1 + 1, gbuf0, sem0)

                scat(j1, gbuf1)
                return carry2

            lax.fori_loop(0, SEG // 2, body, 0)
            return carry

        lax.fori_loop(seg_lo, seg_hi, seg_body, 0)
        plsc.subcore_barrier()
        pltpu.sync_copy(acc_sh.at[rows], out_hbm.at[rows])

    @pl.when(c == 0)
    def _():
        run(g_hbm, out0_hbm, 0, NCH0 // SEG)

    @pl.when(c == 1)
    def _():
        run(zeros_hbm, out1_hbm, NCH0 // SEG, NCH_TOT // SEG)


def _tc_pre_body(deg_ref, x_ref, w1_ref, g_ref, dinv_ref):
    dinv = lax.rsqrt(deg_ref[...])
    h = jnp.dot(x_ref[...], w1_ref[...],
                preferred_element_type=jnp.float32)
    zpad = jnp.zeros((NPAD - N, D), jnp.float32)
    g_ref[...] = jnp.concatenate([h * dinv, zpad], axis=0)
    dinv_ref[...] = dinv


_tc_pre = pl.pallas_call(
    _tc_pre_body,
    out_shape=[
        jax.ShapeDtypeStruct((NPAD, D), jnp.float32),
        jax.ShapeDtypeStruct((N, 1), jnp.float32),
    ],
)


def _tc_mid_body(s0_ref, s1_ref, dinv_ref, b1_ref, gm_ref, bt_ref, w2_ref,
                 g_ref):
    dinv = dinv_ref[...]
    pre = (s0_ref[0:N, :] + s1_ref[0:N, :]) * dinv + b1_ref[...]
    mean = jnp.mean(pre, axis=0, keepdims=True)
    cen = pre - mean
    var = jnp.mean(cen * cen, axis=0, keepdims=True)
    xn = cen * lax.rsqrt(var + 1e-5) * gm_ref[...] + bt_ref[...]
    r = jnp.maximum(xn, 0.0)
    h2 = jnp.dot(r, w2_ref[...], preferred_element_type=jnp.float32)
    zpad = jnp.zeros((NPAD - N, D), jnp.float32)
    g_ref[...] = jnp.concatenate([h2 * dinv, zpad], axis=0)


_tc_mid = pl.pallas_call(
    _tc_mid_body,
    out_shape=jax.ShapeDtypeStruct((NPAD, D), jnp.float32),
)


def _tc_post_body(t0_ref, t1_ref, dinv_ref, b2_ref, out_ref):
    out_ref[...] = ((t0_ref[0:N, :] + t1_ref[0:N, :])
                    * dinv_ref[...] + b2_ref[...])


_tc_post = pl.pallas_call(
    _tc_post_body,
    out_shape=jax.ShapeDtypeStruct((N, D), jnp.float32),
)


def kernel(x, edge_index, W1, b1, gamma1, beta1, W2, b2):
    src = edge_index[0]
    dst = edge_index[1]
    pad = E_PAD - E
    src_pad = jnp.arange(pad, dtype=jnp.int32) % N
    srcp = jnp.concatenate([src, src_pad])
    dst_pad = N + jnp.arange(pad, dtype=jnp.int32) % (NPAD - N)
    dstp = jnp.concatenate([dst, dst_pad])
    src_r = srcp.reshape(NT, NCH_TOT, CHUNK)
    dst_r = dstp.reshape(NT, NCH_TOT, CHUNK)

    init_h = jnp.zeros((NHIST,), jnp.float32).at[:N].set(1.0)
    ones_h = jnp.ones((CHUNK,), jnp.float32)
    zeros_nd = jnp.zeros((NPAD, D), jnp.float32)

    deg_full = _deg_kernel(dst_r, init_h, ones_h)
    deg = deg_full[:N]
    g, dinv = _tc_pre(deg.reshape(N, 1), x, W1)
    s0, s1 = _scat_kernel(g, zeros_nd, src_r, dst_r)
    g2 = _tc_mid(s0, s1, dinv, b1.reshape(1, D),
                 gamma1.reshape(1, D), beta1.reshape(1, D), W2)
    t0, t1 = _scat_kernel(g2, zeros_nd, src_r, dst_r)
    return _tc_post(t0, t1, dinv, b2.reshape(1, D))

# --- scband reference (transcript-rebuilt; emitter-appended) ---
"""Pipeline reference for scband-gcn-54958401519774 (READ-ONLY COPY).

The authoritative reference and input builder live on the scoring server;
editing this copy changes nothing except your own understanding.
"""

import jax, jax.numpy as jnp
import numpy as np

N = 10000
E = 320000
D = 128


def setup_inputs(seed: int = 0) -> dict:
    key = jax.random.key(seed)
    k1, k2, k3, k4 = jax.random.split(key, 4)
    x = jax.random.normal(k1, (N, D), dtype=jnp.float32)
    edge_index = jax.random.randint(k2, (2, E), 0, N, dtype=jnp.int32)
    W1 = jax.random.normal(k3, (D, D), dtype=jnp.float32) * 0.05
    b1 = jnp.zeros((D,), dtype=jnp.float32)
    gamma1 = jnp.ones((D,), dtype=jnp.float32)
    beta1 = jnp.zeros((D,), dtype=jnp.float32)
    W2 = jax.random.normal(k4, (D, D), dtype=jnp.float32) * 0.05
    b2 = jnp.zeros((D,), dtype=jnp.float32)
    return {"x": x, "edge_index": edge_index, "W1": W1, "b1": b1,
            "gamma1": gamma1, "beta1": beta1, "W2": W2, "b2": b2}


def gcn_conv(x, edge_index, W, b):
    # PyG GCNConv: add self-loops, symmetric normalization, linear transform
    n = x.shape[0]
    src = edge_index[0]
    dst = edge_index[1]
    loop = jnp.arange(n, dtype=src.dtype)
    src = jnp.concatenate([src, loop])
    dst = jnp.concatenate([dst, loop])
    h = x @ W
    ones = jnp.ones(src.shape[0], dtype=h.dtype)
    deg = jax.ops.segment_sum(ones, dst, num_segments=n)
    deg_inv_sqrt = jnp.where(deg > 0, 1.0 / jnp.sqrt(deg), 0.0)
    norm = deg_inv_sqrt[src] * deg_inv_sqrt[dst]
    msg = h[src] * norm[:, None]
    out = jax.ops.segment_sum(msg, dst, num_segments=n)
    return out + b


def batch_norm(x, gamma, beta, eps=1e-5):
    mean = jnp.mean(x, axis=0)
    var = jnp.var(x, axis=0)
    return (x - mean) / jnp.sqrt(var + eps) * gamma + beta


def reference(x, edge_index, W1, b1, gamma1, beta1, W2, b2):
    h = gcn_conv(x, edge_index, W1, b1)
    h = batch_norm(h, gamma1, beta1)
    h = jax.nn.relu(h)
    h = gcn_conv(h, edge_index, W2, b2)
    return h

if __name__ == "__main__":
    import jax
    _d = setup_inputs()
    print(jax.jit(kernel)(*tuple(_d.values())))

</pallas_src>

<mosaic_0001>
#map = affine_map<(d0, d1) -> (0, 0)>
#map1 = affine_map<(d0, d1) -> (0, 0, 0)>
module attributes {stable_mosaic.version = 14 : i64} {
  func.func @_scat_kernel(%arg0: i32, %arg1: i32, %arg2: memref<10240x128xf32, #tpu.memory_space<hbm>>, %arg3: memref<10240x128xf32, #tpu.memory_space<hbm>>, %arg4: memref<16x160x128xi32, #tpu.memory_space<hbm>>, %arg5: memref<16x160x128xi32, #tpu.memory_space<hbm>>, %arg6: memref<10240x128xf32, #tpu.memory_space<hbm>>, %arg7: memref<10240x128xf32, #tpu.memory_space<hbm>>, %arg8: memref<8x128xi32, #tpu.memory_space<vmem>>, %arg9: memref<8x128xi32, #tpu.memory_space<vmem>>, %arg10: memref<128x128xf32, #tpu.memory_space<vmem>>, %arg11: memref<128x128xf32, #tpu.memory_space<vmem>>, %arg12: memref<!tpu.dma_semaphore, #tpu.memory_space<semaphore_mem>>, %arg13: memref<!tpu.dma_semaphore, #tpu.memory_space<semaphore_mem>>, %arg14: memref<10240x128xf32, #tpu.memory_space<vmem_shared>>) attributes {dimension_semantics = [#tpu.dimension_semantics<core_parallel>, #tpu.dimension_semantics<subcore_parallel>], iteration_bounds = array<i64: 2, 16>, scalar_prefetch = 0 : i64, scratch_operands = 7 : i64, tpu.core_type = #tpu.core_type<sc_vector_subcore>, window_params = [{transform_indices = #map}, {transform_indices = #map}, {transform_indices = #map1}, {transform_indices = #map1}, {transform_indices = #map}, {transform_indices = #map}]} {
    %eq3A = arith.constant 0 : i32
    %eq3A_0 = arith.cmpi eq, %arg0, %eq3A : i32
    %convert_element_type3A = arith.extui %eq3A_0 : i1 to i32
    %cond3A = arith.constant 0 : i32
    %cond3A_1 = arith.cmpi ne, %convert_element_type3A, %cond3A : i32
    scf.if %cond3A_1 {
      %mul3A = arith.constant 640 : i32
      %mul3A_7 = arith.muli %arg1, %mul3A : i32
      "tpu.region"() ({
        %run_scoped3A = tpu.sem_alloc : memref<!tpu.dma_semaphore, #tpu.memory_space<semaphore_mem>>
        %dma_start3A = arith.constant 0 : i32
        %dma_start3A_14 = tpu.memref_slice %arg14[%mul3A_7, %dma_start3A] : memref<10240x128xf32, #tpu.memory_space<vmem_shared>> -> memref<640x128xf32, #tpu.memory_space<vmem_shared>>
        %dma_start3A_15 = arith.constant 0 : i32
        %dma_start3A_16 = tpu.memref_slice %arg2[%mul3A_7, %dma_start3A_15] : memref<10240x128xf32, #tpu.memory_space<hbm>> -> memref<640x128xf32, #tpu.memory_space<hbm>>
        tpu.enqueue_dma source(%dma_start3A_16 : memref<640x128xf32, #tpu.memory_space<hbm>>) target(%dma_start3A_14 : memref<640x128xf32, #tpu.memory_space<vmem_shared>>) target_semaphore(%run_scoped3A : memref<!tpu.dma_semaphore, #tpu.memory_space<semaphore_mem>>)
        %dma_wait3A = arith.constant 0 : i32
        %dma_wait3A_17 = tpu.memref_slice %arg14[%mul3A_7, %dma_wait3A] : memref<10240x128xf32, #tpu.memory_space<vmem_shared>> -> memref<640x128xf32, #tpu.memory_space<vmem_shared>>
        %dma_wait3A_18 = arith.constant 0 : i32
        %dma_wait3A_19 = tpu.memref_slice %arg2[%mul3A_7, %dma_wait3A_18] : memref<10240x128xf32, #tpu.memory_space<hbm>> -> memref<640x128xf32, #tpu.memory_space<hbm>>
        tpu.wait_dma2 semaphore(%run_scoped3A : memref<!tpu.dma_semaphore, #tpu.memory_space<semaphore_mem>>) src(%dma_wait3A_19 : memref<640x128xf32, #tpu.memory_space<hbm>>) dst(%dma_wait3A_17 : memref<640x128xf32, #tpu.memory_space<vmem_shared>>)
        tpu.yield
      }) : () -> ()
      %barrier3A = arith.constant 0 : index
      tpu.barrier barrier_id(%barrier3A)
      %scan3A = arith.constant 0 : i32
      %scan3A_8 = arith.constant 0 : i32
      %scan3A_9 = arith.constant 10 : i32
      %scan3A_10 = arith.addi %scan3A_8, %scan3A_9 : i32
      %scan3A_11 = arith.constant 1 : i32
      scf.for %scan3A_14 = %scan3A_8 to %scan3A_10 step %scan3A_11  : i32 {
        %mul3A_15 = arith.constant 8 : i32
        %mul3A_16 = arith.muli %scan3A_14, %mul3A_15 : i32
        "tpu.region"() ({
          %run_scoped3A = tpu.sem_alloc : memref<!tpu.dma_semaphore, #tpu.memory_space<semaphore_mem>>
          %dma_start3A_29 = arith.constant 0 : i32
          %dma_start3A_30 = tpu.memref_slice %arg4[%arg1, %mul3A_16, %dma_start3A_29] : memref<16x160x128xi32, #tpu.memory_space<hbm>> -> memref<1x8x128xi32, #tpu.memory_space<hbm>>
          %dma_start3A_31 = tpu.memref_squeeze %dma_start3A_30 : memref<1x8x128xi32, #tpu.memory_space<hbm>> -> memref<8x128xi32, #tpu.memory_space<hbm>>
          %dma_start3A_32 = arith.constant 0 : i32
          %dma_start3A_33 = tpu.memref_slice %arg4[%arg1, %mul3A_16, %dma_start3A_32] : memref<16x160x128xi32, #tpu.memory_space<hbm>> -> memref<1x8x128xi32, #tpu.memory_space<hbm>>
          %dma_start3A_34 = tpu.memref_squeeze %dma_start3A_33 : memref<1x8x128xi32, #tpu.memory_space<hbm>> -> memref<8x128xi32, #tpu.memory_space<hbm>>
          tpu.enqueue_dma source(%dma_start3A_34 : memref<8x128xi32, #tpu.memory_space<hbm>>) target(%arg8 : memref<8x128xi32, #tpu.memory_space<vmem>>) target_semaphore(%run_scoped3A : memref<!tpu.dma_semaphore, #tpu.memory_space<semaphore_mem>>)
          %dma_wait3A = arith.constant 0 : i32
          %dma_wait3A_35 = tpu.memref_slice %arg4[%arg1, %mul3A_16, %dma_wait3A] : memref<16x160x128xi32, #tpu.memory_space<hbm>> -> memref<1x8x128xi32, #tpu.memory_space<hbm>>
          %dma_wait3A_36 = tpu.memref_squeeze %dma_wait3A_35 : memref<1x8x128xi32, #tpu.memory_space<hbm>> -> memref<8x128xi32, #tpu.memory_space<hbm>>
          %dma_wait3A_37 = arith.constant 0 : i32
          %dma_wait3A_38 = tpu.memref_slice %arg4[%arg1, %mul3A_16, %dma_wait3A_37] : memref<16x160x128xi32, #tpu.memory_space<hbm>> -> memref<1x8x128xi32, #tpu.memory_space<hbm>>
          %dma_wait3A_39 = tpu.memref_squeeze %dma_wait3A_38 : memref<1x8x128xi32, #tpu.memory_space<hbm>> -> memref<8x128xi32, #tpu.memory_space<hbm>>
          tpu.wait_dma2 semaphore(%run_scoped3A : memref<!tpu.dma_semaphore, #tpu.memory_space<semaphore_mem>>) src(%dma_wait3A_39 : memref<8x128xi32, #tpu.memory_space<hbm>>) dst(%arg8 : memref<8x128xi32, #tpu.memory_space<vmem>>)
          tpu.yield
        }) : () -> ()
        "tpu.region"() ({
          %run_scoped3A = tpu.sem_alloc : memref<!tpu.dma_semaphore, #tpu.memory_space<semaphore_mem>>
          %dma_start3A_29 = arith.constant 0 : i32
          %dma_start3A_30 = tpu.memref_slice %arg5[%arg1, %mul3A_16, %dma_start3A_29] : memref<16x160x128xi32, #tpu.memory_space<hbm>> -> memref<1x8x128xi32, #tpu.memory_space<hbm>>
          %dma_start3A_31 = tpu.memref_squeeze %dma_start3A_30 : memref<1x8x128xi32, #tpu.memory_space<hbm>> -> memref<8x128xi32, #tpu.memory_space<hbm>>
          %dma_start3A_32 = arith.constant 0 : i32
          %dma_start3A_33 = tpu.memref_slice %arg5[%arg1, %mul3A_16, %dma_start3A_32] : memref<16x160x128xi32, #tpu.memory_space<hbm>> -> memref<1x8x128xi32, #tpu.memory_space<hbm>>
          %dma_start3A_34 = tpu.memref_squeeze %dma_start3A_33 : memref<1x8x128xi32, #tpu.memory_space<hbm>> -> memref<8x128xi32, #tpu.memory_space<hbm>>
          tpu.enqueue_dma source(%dma_start3A_34 : memref<8x128xi32, #tpu.memory_space<hbm>>) target(%arg9 : memref<8x128xi32, #tpu.memory_space<vmem>>) target_semaphore(%run_scoped3A : memref<!tpu.dma_semaphore, #tpu.memory_space<semaphore_mem>>)
          %dma_wait3A = arith.constant 0 : i32
          %dma_wait3A_35 = tpu.memref_slice %arg5[%arg1, %mul3A_16, %dma_wait3A] : memref<16x160x128xi32, #tpu.memory_space<hbm>> -> memref<1x8x128xi32, #tpu.memory_space<hbm>>
          %dma_wait3A_36 = tpu.memref_squeeze %dma_wait3A_35 : memref<1x8x128xi32, #tpu.memory_space<hbm>> -> memref<8x128xi32, #tpu.memory_space<hbm>>
          %dma_wait3A_37 = arith.constant 0 : i32
          %dma_wait3A_38 = tpu.memref_slice %arg5[%arg1, %mul3A_16, %dma_wait3A_37] : memref<16x160x128xi32, #tpu.memory_space<hbm>> -> memref<1x8x128xi32, #tpu.memory_space<hbm>>
          %dma_wait3A_39 = tpu.memref_squeeze %dma_wait3A_38 : memref<1x8x128xi32, #tpu.memory_space<hbm>> -> memref<8x128xi32, #tpu.memory_space<hbm>>
          tpu.wait_dma2 semaphore(%run_scoped3A : memref<!tpu.dma_semaphore, #tpu.memory_space<semaphore_mem>>) src(%dma_wait3A_39 : memref<8x128xi32, #tpu.memory_space<hbm>>) dst(%arg9 : memref<8x128xi32, #tpu.memory_space<vmem>>)
          tpu.yield
        }) : () -> ()
        %dma_start3A = arith.constant 0 : i32
        %dma_start3A_17 = arith.constant 0 : i32
        %dma_start3A_18 = tpu.memref_slice %arg8[%dma_start3A, %dma_start3A_17] : memref<8x128xi32, #tpu.memory_space<vmem>> -> memref<1x128xi32, #tpu.memory_space<vmem>>
        %dma_start3A_19 = tpu.memref_squeeze %dma_start3A_18 : memref<1x128xi32, #tpu.memory_space<vmem>> -> memref<128xi32, #tpu.memory_space<vmem>>
        %dma_start3A_20 = arith.constant 0 : i32
        %dma_start3A_21 = arith.constant 0 : i32
        %dma_start3A_22 = tpu.memref_slice %arg2[%dma_start3A_20, %dma_start3A_21] : memref<10240x128xf32, #tpu.memory_space<hbm>> -> memref<10240x128xf32, #tpu.memory_space<hbm>>
        tpu.enqueue_indirect_dma source(%dma_start3A_22 : memref<10240x128xf32, #tpu.memory_space<hbm>>) target(%arg10 : memref<128x128xf32, #tpu.memory_space<vmem>>) offsets(%dma_start3A_19 : memref<128xi32, #tpu.memory_space<vmem>>) semaphore(%arg12 : memref<!tpu.dma_semaphore, #tpu.memory_space<semaphore_mem>>)
        %scan3A_23 = arith.constant 0 : i32
        %scan3A_24 = arith.constant 0 : i32
        %scan3A_25 = arith.constant 4 : i32
        %scan3A_26 = arith.addi %scan3A_24, %scan3A_25 : i32
        %scan3A_27 = arith.constant 1 : i32
        scf.for %scan3A_29 = %scan3A_24 to %scan3A_26 step %scan3A_27  : i32 {
          %mul3A_30 = arith.constant 2 : i32
          %mul3A_31 = arith.muli %mul3A_30, %scan3A_29 : i32
          %add3A = arith.constant 1 : i32
          %add3A_32 = arith.addi %mul3A_31, %add3A : i32
          %dma_wait3A = arith.constant 0 : i32
          %dma_wait3A_33 = arith.constant 0 : i32
          %dma_wait3A_34 = tpu.memref_slice %arg8[%dma_wait3A, %dma_wait3A_33] : memref<8x128xi32, #tpu.memory_space<vmem>> -> memref<1x128xi32, #tpu.memory_space<vmem>>
          %dma_wait3A_35 = tpu.memref_squeeze %dma_wait3A_34 : memref<1x128xi32, #tpu.memory_space<vmem>> -> memref<128xi32, #tpu.memory_space<vmem>>
          %dma_wait3A_36 = arith.constant 0 : i32
          %dma_wait3A_37 = arith.constant 0 : i32
          %dma_wait3A_38 = tpu.memref_slice %arg2[%dma_wait3A_36, %dma_wait3A_37] : memref<10240x128xf32, #tpu.memory_space<hbm>> -> memref<10240x128xf32, #tpu.memory_space<hbm>>
          tpu.wait_indirect_dma semaphore(%arg12 : memref<!tpu.dma_semaphore, #tpu.memory_space<semaphore_mem>>) src(%dma_wait3A_38 : memref<10240x128xf32, #tpu.memory_space<hbm>>) dst(%arg10 : memref<128x128xf32, #tpu.memory_space<vmem>>)
          %dma_start3A_39 = arith.constant 0 : i32
          %dma_start3A_40 = tpu.memref_slice %arg8[%add3A_32, %dma_start3A_39] : memref<8x128xi32, #tpu.memory_space<vmem>> -> memref<1x128xi32, #tpu.memory_space<vmem>>
          %dma_start3A_41 = tpu.memref_squeeze %dma_start3A_40 : memref<1x128xi32, #tpu.memory_space<vmem>> -> memref<128xi32, #tpu.memory_space<vmem>>
          %dma_start3A_42 = arith.constant 0 : i32
          %dma_start3A_43 = arith.constant 0 : i32
          %dma_start3A_44 = tpu.memref_slice %arg2[%dma_start3A_42, %dma_start3A_43] : memref<10240x128xf32, #tpu.memory_space<hbm>> -> memref<10240x128xf32, #tpu.memory_space<hbm>>
          tpu.enqueue_indirect_dma source(%dma_start3A_44 : memref<10240x128xf32, #tpu.memory_space<hbm>>) target(%arg11 : memref<128x128xf32, #tpu.memory_space<vmem>>) offsets(%dma_start3A_41 : memref<128xi32, #tpu.memory_space<vmem>>) semaphore(%arg13 : memref<!tpu.dma_semaphore, #tpu.memory_space<semaphore_mem>>)
          "tpu.region"() ({
            %run_scoped3A = tpu.sem_alloc : memref<!tpu.dma_semaphore, #tpu.memory_space<semaphore_mem>>
            %dma_start3A_58 = arith.constant 0 : i32
            %dma_start3A_59 = tpu.memref_slice %arg9[%mul3A_31, %dma_start3A_58] : memref<8x128xi32, #tpu.memory_space<vmem>> -> memref<1x128xi32, #tpu.memory_space<vmem>>
            %dma_start3A_60 = tpu.memref_squeeze %dma_start3A_59 : memref<1x128xi32, #tpu.memory_space<vmem>> -> memref<128xi32, #tpu.memory_space<vmem>>
            %dma_start3A_61 = arith.constant 0 : i32
            %dma_start3A_62 = arith.constant 0 : i32
            %dma_start3A_63 = tpu.memref_slice %arg14[%dma_start3A_61, %dma_start3A_62] : memref<10240x128xf32, #tpu.memory_space<vmem_shared>> -> memref<10240x128xf32, #tpu.memory_space<vmem_shared>>
            tpu.enqueue_indirect_dma source(%arg10 : memref<128x128xf32, #tpu.memory_space<vmem>>) target(%dma_start3A_63 : memref<10240x128xf32, #tpu.memory_space<vmem_shared>>) offsets(%dma_start3A_60 : memref<128xi32, #tpu.memory_space<vmem>>) semaphore(%run_scoped3A : memref<!tpu.dma_semaphore, #tpu.memory_space<semaphore_mem>>) {add = true}
            %dma_wait3A_64 = arith.constant 0 : i32
            %dma_wait3A_65 = tpu.memref_slice %arg9[%mul3A_31, %dma_wait3A_64] : memref<8x128xi32, #tpu.memory_space<vmem>> -> memref<1x128xi32, #tpu.memory_space<vmem>>
            %dma_wait3A_66 = tpu.memref_squeeze %dma_wait3A_65 : memref<1x128xi32, #tpu.memory_space<vmem>> -> memref<128xi32, #tpu.memory_space<vmem>>
            %dma_wait3A_67 = arith.constant 0 : i32
            %dma_wait3A_68 = arith.constant 0 : i32
            %dma_wait3A_69 = tpu.memref_slice %arg14[%dma_wait3A_67, %dma_wait3A_68] : memref<10240x128xf32, #tpu.memory_space<vmem_shared>> -> memref<10240x128xf32, #tpu.memory_space<vmem_shared>>
            tpu.wait_indirect_dma semaphore(%run_scoped3A : memref<!tpu.dma_semaphore, #tpu.memory_space<semaphore_mem>>) src(%arg10 : memref<128x128xf32, #tpu.memory_space<vmem>>) dst(%dma_wait3A_69 : memref<10240x128xf32, #tpu.memory_space<vmem_shared>>)
            tpu.yield
          }) : () -> ()
          %dma_wait3A_45 = arith.constant 0 : i32
          %dma_wait3A_46 = arith.constant 0 : i32
          %dma_wait3A_47 = tpu.memref_slice %arg8[%dma_wait3A_45, %dma_wait3A_46] : memref<8x128xi32, #tpu.memory_space<vmem>> -> memref<1x128xi32, #tpu.memory_space<vmem>>
          %dma_wait3A_48 = tpu.memref_squeeze %dma_wait3A_47 : memref<1x128xi32, #tpu.memory_space<vmem>> -> memref<128xi32, #tpu.memory_space<vmem>>
          %dma_wait3A_49 = arith.constant 0 : i32
          %dma_wait3A_50 = arith.constant 0 : i32
          %dma_wait3A_51 = tpu.memref_slice %arg2[%dma_wait3A_49, %dma_wait3A_50] : memref<10240x128xf32, #tpu.memory_space<hbm>> -> memref<10240x128xf32, #tpu.memory_space<hbm>>
          tpu.wait_indirect_dma semaphore(%arg13 : memref<!tpu.dma_semaphore, #tpu.memory_space<semaphore_mem>>) src(%dma_wait3A_51 : memref<10240x128xf32, #tpu.memory_space<hbm>>) dst(%arg11 : memref<128x128xf32, #tpu.memory_space<vmem>>)
          %add3A_52 = arith.constant 1 : i32
          %add3A_53 = arith.addi %add3A_32, %add3A_52 : i32
          %lt3A = arith.constant 8 : i32
          %lt3A_54 = arith.cmpi slt, %add3A_53, %lt3A : i32
          %convert_element_type3A_55 = arith.extui %lt3A_54 : i1 to i32
          %cond3A_56 = arith.constant 0 : i32
          %cond3A_57 = arith.cmpi ne, %convert_element_type3A_55, %cond3A_56 : i32
          scf.if %cond3A_57 {
            %add3A_58 = arith.constant 1 : i32
            %add3A_59 = arith.addi %add3A_32, %add3A_58 : i32
            %dma_start3A_60 = arith.constant 0 : i32
            %dma_start3A_61 = tpu.memref_slice %arg8[%add3A_59, %dma_start3A_60] : memref<8x128xi32, #tpu.memory_space<vmem>> -> memref<1x128xi32, #tpu.memory_space<vmem>>
            %dma_start3A_62 = tpu.memref_squeeze %dma_start3A_61 : memref<1x128xi32, #tpu.memory_space<vmem>> -> memref<128xi32, #tpu.memory_space<vmem>>
            %dma_start3A_63 = arith.constant 0 : i32
            %dma_start3A_64 = arith.constant 0 : i32
            %dma_start3A_65 = tpu.memref_slice %arg2[%dma_start3A_63, %dma_start3A_64] : memref<10240x128xf32, #tpu.memory_space<hbm>> -> memref<10240x128xf32, #tpu.memory_space<hbm>>
            tpu.enqueue_indirect_dma source(%dma_start3A_65 : memref<10240x128xf32, #tpu.memory_space<hbm>>) target(%arg10 : memref<128x128xf32, #tpu.memory_space<vmem>>) offsets(%dma_start3A_62 : memref<128xi32, #tpu.memory_space<vmem>>) semaphore(%arg12 : memref<!tpu.dma_semaphore, #tpu.memory_space<semaphore_mem>>)
          } else {
          }
          "tpu.region"() ({
            %run_scoped3A = tpu.sem_alloc : memref<!tpu.dma_semaphore, #tpu.memory_space<semaphore_mem>>
            %dma_start3A_58 = arith.constant 0 : i32
            %dma_start3A_59 = tpu.memref_slice %arg9[%add3A_32, %dma_start3A_58] : memref<8x128xi32, #tpu.memory_space<vmem>> -> memref<1x128xi32, #tpu.memory_space<vmem>>
            %dma_start3A_60 = tpu.memref_squeeze %dma_start3A_59 : memref<1x128xi32, #tpu.memory_space<vmem>> -> memref<128xi32, #tpu.memory_space<vmem>>
            %dma_start3A_61 = arith.constant 0 : i32
            %dma_start3A_62 = arith.constant 0 : i32
            %dma_start3A_63 = tpu.memref_slice %arg14[%dma_start3A_61, %dma_start3A_62] : memref<10240x128xf32, #tpu.memory_space<vmem_shared>> -> memref<10240x128xf32, #tpu.memory_space<vmem_shared>>
            tpu.enqueue_indirect_dma source(%arg11 : memref<128x128xf32, #tpu.memory_space<vmem>>) target(%dma_start3A_63 : memref<10240x128xf32, #tpu.memory_space<vmem_shared>>) offsets(%dma_start3A_60 : memref<128xi32, #tpu.memory_space<vmem>>) semaphore(%run_scoped3A : memref<!tpu.dma_semaphore, #tpu.memory_space<semaphore_mem>>) {add = true}
            %dma_wait3A_64 = arith.constant 0 : i32
            %dma_wait3A_65 = tpu.memref_slice %arg9[%add3A_32, %dma_wait3A_64] : memref<8x128xi32, #tpu.memory_space<vmem>> -> memref<1x128xi32, #tpu.memory_space<vmem>>
            %dma_wait3A_66 = tpu.memref_squeeze %dma_wait3A_65 : memref<1x128xi32, #tpu.memory_space<vmem>> -> memref<128xi32, #tpu.memory_space<vmem>>
            %dma_wait3A_67 = arith.constant 0 : i32
            %dma_wait3A_68 = arith.constant 0 : i32
            %dma_wait3A_69 = tpu.memref_slice %arg14[%dma_wait3A_67, %dma_wait3A_68] : memref<10240x128xf32, #tpu.memory_space<vmem_shared>> -> memref<10240x128xf32, #tpu.memory_space<vmem_shared>>
            tpu.wait_indirect_dma semaphore(%run_scoped3A : memref<!tpu.dma_semaphore, #tpu.memory_space<semaphore_mem>>) src(%arg11 : memref<128x128xf32, #tpu.memory_space<vmem>>) dst(%dma_wait3A_69 : memref<10240x128xf32, #tpu.memory_space<vmem_shared>>)
            tpu.yield
          }) : () -> ()
        }
        %scan3A_28 = arith.constant 4 : i32
      }
      %scan3A_12 = arith.constant 10 : i32
      %barrier3A_13 = arith.constant 0 : index
      tpu.barrier barrier_id(%barrier3A_13)
      "tpu.region"() ({
        %run_scoped3A = tpu.sem_alloc : memref<!tpu.dma_semaphore, #tpu.memory_space<semaphore_mem>>
        %dma_start3A = arith.constant 0 : i32
        %dma_start3A_14 = tpu.memref_slice %arg6[%mul3A_7, %dma_start3A] : memref<10240x128xf32, #tpu.memory_space<hbm>> -> memref<640x128xf32, #tpu.memory_space<hbm>>
        %dma_start3A_15 = arith.constant 0 : i32
        %dma_start3A_16 = tpu.memref_slice %arg14[%mul3A_7, %dma_start3A_15] : memref<10240x128xf32, #tpu.memory_space<vmem_shared>> -> memref<640x128xf32, #tpu.memory_space<vmem_shared>>
        tpu.enqueue_dma source(%dma_start3A_16 : memref<640x128xf32, #tpu.memory_space<vmem_shared>>) target(%dma_start3A_14 : memref<640x128xf32, #tpu.memory_space<hbm>>) target_semaphore(%run_scoped3A : memref<!tpu.dma_semaphore, #tpu.memory_space<semaphore_mem>>)
        %dma_wait3A = arith.constant 0 : i32
        %dma_wait3A_17 = tpu.memref_slice %arg6[%mul3A_7, %dma_wait3A] : memref<10240x128xf32, #tpu.memory_space<hbm>> -> memref<640x128xf32, #tpu.memory_space<hbm>>
        %dma_wait3A_18 = arith.constant 0 : i32
        %dma_wait3A_19 = tpu.memref_slice %arg14[%mul3A_7, %dma_wait3A_18] : memref<10240x128xf32, #tpu.memory_space<vmem_shared>> -> memref<640x128xf32, #tpu.memory_space<vmem_shared>>
        tpu.wait_dma2 semaphore(%run_scoped3A : memref<!tpu.dma_semaphore, #tpu.memory_space<semaphore_mem>>) src(%dma_wait3A_19 : memref<640x128xf32, #tpu.memory_space<vmem_shared>>) dst(%dma_wait3A_17 : memref<640x128xf32, #tpu.memory_space<hbm>>)
        tpu.yield
      }) : () -> ()
    } else {
    }
    %eq3A_2 = arith.constant 1 : i32
    %eq3A_3 = arith.cmpi eq, %arg0, %eq3A_2 : i32
    %convert_element_type3A_4 = arith.extui %eq3A_3 : i1 to i32
    %cond3A_5 = arith.constant 0 : i32
    %cond3A_6 = arith.cmpi ne, %convert_element_type3A_4, %cond3A_5 : i32
    scf.if %cond3A_6 {
      %mul3A = arith.constant 640 : i32
      %mul3A_7 = arith.muli %arg1, %mul3A : i32
      "tpu.region"() ({
        %run_scoped3A = tpu.sem_alloc : memref<!tpu.dma_semaphore, #tpu.memory_space<semaphore_mem>>
        %dma_start3A = arith.constant 0 : i32
        %dma_start3A_14 = tpu.memref_slice %arg14[%mul3A_7, %dma_start3A] : memref<10240x128xf32, #tpu.memory_space<vmem_shared>> -> memref<640x128xf32, #tpu.memory_space<vmem_shared>>
        %dma_start3A_15 = arith.constant 0 : i32
        %dma_start3A_16 = tpu.memref_slice %arg3[%mul3A_7, %dma_start3A_15] : memref<10240x128xf32, #tpu.memory_space<hbm>> -> memref<640x128xf32, #tpu.memory_space<hbm>>
        tpu.enqueue_dma source(%dma_start3A_16 : memref<640x128xf32, #tpu.memory_space<hbm>>) target(%dma_start3A_14 : memref<640x128xf32, #tpu.memory_space<vmem_shared>>) target_semaphore(%run_scoped3A : memref<!tpu.dma_semaphore, #tpu.memory_space<semaphore_mem>>)
        %dma_wait3A = arith.constant 0 : i32
        %dma_wait3A_17 = tpu.memref_slice %arg14[%mul3A_7, %dma_wait3A] : memref<10240x128xf32, #tpu.memory_space<vmem_shared>> -> memref<640x128xf32, #tpu.memory_space<vmem_shared>>
        %dma_wait3A_18 = arith.constant 0 : i32
        %dma_wait3A_19 = tpu.memref_slice %arg3[%mul3A_7, %dma_wait3A_18] : memref<10240x128xf32, #tpu.memory_space<hbm>> -> memref<640x128xf32, #tpu.memory_space<hbm>>
        tpu.wait_dma2 semaphore(%run_scoped3A : memref<!tpu.dma_semaphore, #tpu.memory_space<semaphore_mem>>) src(%dma_wait3A_19 : memref<640x128xf32, #tpu.memory_space<hbm>>) dst(%dma_wait3A_17 : memref<640x128xf32, #tpu.memory_space<vmem_shared>>)
        tpu.yield
      }) : () -> ()
      %barrier3A = arith.constant 0 : index
      tpu.barrier barrier_id(%barrier3A)
      %scan3A = arith.constant 0 : i32
      %scan3A_8 = arith.constant 10 : i32
      %scan3A_9 = arith.constant 10 : i32
      %scan3A_10 = arith.addi %scan3A_8, %scan3A_9 : i32
      %scan3A_11 = arith.constant 1 : i32
      scf.for %scan3A_14 = %scan3A_8 to %scan3A_10 step %scan3A_11  : i32 {
        %mul3A_15 = arith.constant 8 : i32
        %mul3A_16 = arith.muli %scan3A_14, %mul3A_15 : i32
        "tpu.region"() ({
          %run_scoped3A = tpu.sem_alloc : memref<!tpu.dma_semaphore, #tpu.memory_space<semaphore_mem>>
          %dma_start3A_29 = arith.constant 0 : i32
          %dma_start3A_30 = tpu.memref_slice %arg4[%arg1, %mul3A_16, %dma_start3A_29] : memref<16x160x128xi32, #tpu.memory_space<hbm>> -> memref<1x8x128xi32, #tpu.memory_space<hbm>>
          %dma_start3A_31 = tpu.memref_squeeze %dma_start3A_30 : memref<1x8x128xi32, #tpu.memory_space<hbm>> -> memref<8x128xi32, #tpu.memory_space<hbm>>
          %dma_start3A_32 = arith.constant 0 : i32
          %dma_start3A_33 = tpu.memref_slice %arg4[%arg1, %mul3A_16, %dma_start3A_32] : memref<16x160x128xi32, #tpu.memory_space<hbm>> -> memref<1x8x128xi32, #tpu.memory_space<hbm>>
          %dma_start3A_34 = tpu.memref_squeeze %dma_start3A_33 : memref<1x8x128xi32, #tpu.memory_space<hbm>> -> memref<8x128xi32, #tpu.memory_space<hbm>>
          tpu.enqueue_dma source(%dma_start3A_34 : memref<8x128xi32, #tpu.memory_space<hbm>>) target(%arg8 : memref<8x128xi32, #tpu.memory_space<vmem>>) target_semaphore(%run_scoped3A : memref<!tpu.dma_semaphore, #tpu.memory_space<semaphore_mem>>)
          %dma_wait3A = arith.constant 0 : i32
          %dma_wait3A_35 = tpu.memref_slice %arg4[%arg1, %mul3A_16, %dma_wait3A] : memref<16x160x128xi32, #tpu.memory_space<hbm>> -> memref<1x8x128xi32, #tpu.memory_space<hbm>>
          %dma_wait3A_36 = tpu.memref_squeeze %dma_wait3A_35 : memref<1x8x128xi32, #tpu.memory_space<hbm>> -> memref<8x128xi32, #tpu.memory_space<hbm>>
          %dma_wait3A_37 = arith.constant 0 : i32
          %dma_wait3A_38 = tpu.memref_slice %arg4[%arg1, %mul3A_16, %dma_wait3A_37] : memref<16x160x128xi32, #tpu.memory_space<hbm>> -> memref<1x8x128xi32, #tpu.memory_space<hbm>>
          %dma_wait3A_39 = tpu.memref_squeeze %dma_wait3A_38 : memref<1x8x128xi32, #tpu.memory_space<hbm>> -> memref<8x128xi32, #tpu.memory_space<hbm>>
          tpu.wait_dma2 semaphore(%run_scoped3A : memref<!tpu.dma_semaphore, #tpu.memory_space<semaphore_mem>>) src(%dma_wait3A_39 : memref<8x128xi32, #tpu.memory_space<hbm>>) dst(%arg8 : memref<8x128xi32, #tpu.memory_space<vmem>>)
          tpu.yield
        }) : () -> ()
        "tpu.region"() ({
          %run_scoped3A = tpu.sem_alloc : memref<!tpu.dma_semaphore, #tpu.memory_space<semaphore_mem>>
          %dma_start3A_29 = arith.constant 0 : i32
          %dma_start3A_30 = tpu.memref_slice %arg5[%arg1, %mul3A_16, %dma_start3A_29] : memref<16x160x128xi32, #tpu.memory_space<hbm>> -> memref<1x8x128xi32, #tpu.memory_space<hbm>>
          %dma_start3A_31 = tpu.memref_squeeze %dma_start3A_30 : memref<1x8x128xi32, #tpu.memory_space<hbm>> -> memref<8x128xi32, #tpu.memory_space<hbm>>
          %dma_start3A_32 = arith.constant 0 : i32
          %dma_start3A_33 = tpu.memref_slice %arg5[%arg1, %mul3A_16, %dma_start3A_32] : memref<16x160x128xi32, #tpu.memory_space<hbm>> -> memref<1x8x128xi32, #tpu.memory_space<hbm>>
          %dma_start3A_34 = tpu.memref_squeeze %dma_start3A_33 : memref<1x8x128xi32, #tpu.memory_space<hbm>> -> memref<8x128xi32, #tpu.memory_space<hbm>>
          tpu.enqueue_dma source(%dma_start3A_34 : memref<8x128xi32, #tpu.memory_space<hbm>>) target(%arg9 : memref<8x128xi32, #tpu.memory_space<vmem>>) target_semaphore(%run_scoped3A : memref<!tpu.dma_semaphore, #tpu.memory_space<semaphore_mem>>)
          %dma_wait3A = arith.constant 0 : i32
          %dma_wait3A_35 = tpu.memref_slice %arg5[%arg1, %mul3A_16, %dma_wait3A] : memref<16x160x128xi32, #tpu.memory_space<hbm>> -> memref<1x8x128xi32, #tpu.memory_space<hbm>>
          %dma_wait3A_36 = tpu.memref_squeeze %dma_wait3A_35 : memref<1x8x128xi32, #tpu.memory_space<hbm>> -> memref<8x128xi32, #tpu.memory_space<hbm>>
          %dma_wait3A_37 = arith.constant 0 : i32
          %dma_wait3A_38 = tpu.memref_slice %arg5[%arg1, %mul3A_16, %dma_wait3A_37] : memref<16x160x128xi32, #tpu.memory_space<hbm>> -> memref<1x8x128xi32, #tpu.memory_space<hbm>>
          %dma_wait3A_39 = tpu.memref_squeeze %dma_wait3A_38 : memref<1x8x128xi32, #tpu.memory_space<hbm>> -> memref<8x128xi32, #tpu.memory_space<hbm>>
          tpu.wait_dma2 semaphore(%run_scoped3A : memref<!tpu.dma_semaphore, #tpu.memory_space<semaphore_mem>>) src(%dma_wait3A_39 : memref<8x128xi32, #tpu.memory_space<hbm>>) dst(%arg9 : memref<8x128xi32, #tpu.memory_space<vmem>>)
          tpu.yield
        }) : () -> ()
        %dma_start3A = arith.constant 0 : i32
        %dma_start3A_17 = arith.constant 0 : i32
        %dma_start3A_18 = tpu.memref_slice %arg8[%dma_start3A, %dma_start3A_17] : memref<8x128xi32, #tpu.memory_space<vmem>> -> memref<1x128xi32, #tpu.memory_space<vmem>>
        %dma_start3A_19 = tpu.memref_squeeze %dma_start3A_18 : memref<1x128xi32, #tpu.memory_space<vmem>> -> memref<128xi32, #tpu.memory_space<vmem>>
        %dma_start3A_20 = arith.constant 0 : i32
        %dma_start3A_21 = arith.constant 0 : i32
        %dma_start3A_22 = tpu.memref_slice %arg2[%dma_start3A_20, %dma_start3A_21] : memref<10240x128xf32, #tpu.memory_space<hbm>> -> memref<10240x128xf32, #tpu.memory_space<hbm>>
        tpu.enqueue_indirect_dma source(%dma_start3A_22 : memref<10240x128xf32, #tpu.memory_space<hbm>>) target(%arg10 : memref<128x128xf32, #tpu.memory_space<vmem>>) offsets(%dma_start3A_19 : memref<128xi32, #tpu.memory_space<vmem>>) semaphore(%arg12 : memref<!tpu.dma_semaphore, #tpu.memory_space<semaphore_mem>>)
        %scan3A_23 = arith.constant 0 : i32
        %scan3A_24 = arith.constant 0 : i32
        %scan3A_25 = arith.constant 4 : i32
        %scan3A_26 = arith.addi %scan3A_24, %scan3A_25 : i32
        %scan3A_27 = arith.constant 1 : i32
        scf.for %scan3A_29 = %scan3A_24 to %scan3A_26 step %scan3A_27  : i32 {
          %mul3A_30 = arith.constant 2 : i32
          %mul3A_31 = arith.muli %mul3A_30, %scan3A_29 : i32
          %add3A = arith.constant 1 : i32
          %add3A_32 = arith.addi %mul3A_31, %add3A : i32
          %dma_wait3A = arith.constant 0 : i32
          %dma_wait3A_33 = arith.constant 0 : i32
          %dma_wait3A_34 = tpu.memref_slice %arg8[%dma_wait3A, %dma_wait3A_33] : memref<8x128xi32, #tpu.memory_space<vmem>> -> memref<1x128xi32, #tpu.memory_space<vmem>>
          %dma_wait3A_35 = tpu.memref_squeeze %dma_wait3A_34 : memref<1x128xi32, #tpu.memory_space<vmem>> -> memref<128xi32, #tpu.memory_space<vmem>>
          %dma_wait3A_36 = arith.constant 0 : i32
          %dma_wait3A_37 = arith.constant 0 : i32
          %dma_wait3A_38 = tpu.memref_slice %arg2[%dma_wait3A_36, %dma_wait3A_37] : memref<10240x128xf32, #tpu.memory_space<hbm>> -> memref<10240x128xf32, #tpu.memory_space<hbm>>
          tpu.wait_indirect_dma semaphore(%arg12 : memref<!tpu.dma_semaphore, #tpu.memory_space<semaphore_mem>>) src(%dma_wait3A_38 : memref<10240x128xf32, #tpu.memory_space<hbm>>) dst(%arg10 : memref<128x128xf32, #tpu.memory_space<vmem>>)
          %dma_start3A_39 = arith.constant 0 : i32
          %dma_start3A_40 = tpu.memref_slice %arg8[%add3A_32, %dma_start3A_39] : memref<8x128xi32, #tpu.memory_space<vmem>> -> memref<1x128xi32, #tpu.memory_space<vmem>>
          %dma_start3A_41 = tpu.memref_squeeze %dma_start3A_40 : memref<1x128xi32, #tpu.memory_space<vmem>> -> memref<128xi32, #tpu.memory_space<vmem>>
          %dma_start3A_42 = arith.constant 0 : i32
          %dma_start3A_43 = arith.constant 0 : i32
          %dma_start3A_44 = tpu.memref_slice %arg2[%dma_start3A_42, %dma_start3A_43] : memref<10240x128xf32, #tpu.memory_space<hbm>> -> memref<10240x128xf32, #tpu.memory_space<hbm>>
          tpu.enqueue_indirect_dma source(%dma_start3A_44 : memref<10240x128xf32, #tpu.memory_space<hbm>>) target(%arg11 : memref<128x128xf32, #tpu.memory_space<vmem>>) offsets(%dma_start3A_41 : memref<128xi32, #tpu.memory_space<vmem>>) semaphore(%arg13 : memref<!tpu.dma_semaphore, #tpu.memory_space<semaphore_mem>>)
          "tpu.region"() ({
            %run_scoped3A = tpu.sem_alloc : memref<!tpu.dma_semaphore, #tpu.memory_space<semaphore_mem>>
            %dma_start3A_58 = arith.constant 0 : i32
            %dma_start3A_59 = tpu.memref_slice %arg9[%mul3A_31, %dma_start3A_58] : memref<8x128xi32, #tpu.memory_space<vmem>> -> memref<1x128xi32, #tpu.memory_space<vmem>>
            %dma_start3A_60 = tpu.memref_squeeze %dma_start3A_59 : memref<1x128xi32, #tpu.memory_space<vmem>> -> memref<128xi32, #tpu.memory_space<vmem>>
            %dma_start3A_61 = arith.constant 0 : i32
            %dma_start3A_62 = arith.constant 0 : i32
            %dma_start3A_63 = tpu.memref_slice %arg14[%dma_start3A_61, %dma_start3A_62] : memref<10240x128xf32, #tpu.memory_space<vmem_shared>> -> memref<10240x128xf32, #tpu.memory_space<vmem_shared>>
            tpu.enqueue_indirect_dma source(%arg10 : memref<128x128xf32, #tpu.memory_space<vmem>>) target(%dma_start3A_63 : memref<10240x128xf32, #tpu.memory_space<vmem_shared>>) offsets(%dma_start3A_60 : memref<128xi32, #tpu.memory_space<vmem>>) semaphore(%run_scoped3A : memref<!tpu.dma_semaphore, #tpu.memory_space<semaphore_mem>>) {add = true}
            %dma_wait3A_64 = arith.constant 0 : i32
            %dma_wait3A_65 = tpu.memref_slice %arg9[%mul3A_31, %dma_wait3A_64] : memref<8x128xi32, #tpu.memory_space<vmem>> -> memref<1x128xi32, #tpu.memory_space<vmem>>
            %dma_wait3A_66 = tpu.memref_squeeze %dma_wait3A_65 : memref<1x128xi32, #tpu.memory_space<vmem>> -> memref<128xi32, #tpu.memory_space<vmem>>
            %dma_wait3A_67 = arith.constant 0 : i32
            %dma_wait3A_68 = arith.constant 0 : i32
            %dma_wait3A_69 = tpu.memref_slice %arg14[%dma_wait3A_67, %dma_wait3A_68] : memref<10240x128xf32, #tpu.memory_space<vmem_shared>> -> memref<10240x128xf32, #tpu.memory_space<vmem_shared>>
            tpu.wait_indirect_dma semaphore(%run_scoped3A : memref<!tpu.dma_semaphore, #tpu.memory_space<semaphore_mem>>) src(%arg10 : memref<128x128xf32, #tpu.memory_space<vmem>>) dst(%dma_wait3A_69 : memref<10240x128xf32, #tpu.memory_space<vmem_shared>>)
            tpu.yield
          }) : () -> ()
          %dma_wait3A_45 = arith.constant 0 : i32
          %dma_wait3A_46 = arith.constant 0 : i32
          %dma_wait3A_47 = tpu.memref_slice %arg8[%dma_wait3A_45, %dma_wait3A_46] : memref<8x128xi32, #tpu.memory_space<vmem>> -> memref<1x128xi32, #tpu.memory_space<vmem>>
          %dma_wait3A_48 = tpu.memref_squeeze %dma_wait3A_47 : memref<1x128xi32, #tpu.memory_space<vmem>> -> memref<128xi32, #tpu.memory_space<vmem>>
          %dma_wait3A_49 = arith.constant 0 : i32
          %dma_wait3A_50 = arith.constant 0 : i32
          %dma_wait3A_51 = tpu.memref_slice %arg2[%dma_wait3A_49, %dma_wait3A_50] : memref<10240x128xf32, #tpu.memory_space<hbm>> -> memref<10240x128xf32, #tpu.memory_space<hbm>>
          tpu.wait_indirect_dma semaphore(%arg13 : memref<!tpu.dma_semaphore, #tpu.memory_space<semaphore_mem>>) src(%dma_wait3A_51 : memref<10240x128xf32, #tpu.memory_space<hbm>>) dst(%arg11 : memref<128x128xf32, #tpu.memory_space<vmem>>)
          %add3A_52 = arith.constant 1 : i32
          %add3A_53 = arith.addi %add3A_32, %add3A_52 : i32
          %lt3A = arith.constant 8 : i32
          %lt3A_54 = arith.cmpi slt, %add3A_53, %lt3A : i32
          %convert_element_type3A_55 = arith.extui %lt3A_54 : i1 to i32
          %cond3A_56 = arith.constant 0 : i32
          %cond3A_57 = arith.cmpi ne, %convert_element_type3A_55, %cond3A_56 : i32
          scf.if %cond3A_57 {
            %add3A_58 = arith.constant 1 : i32
            %add3A_59 = arith.addi %add3A_32, %add3A_58 : i32
            %dma_start3A_60 = arith.constant 0 : i32
            %dma_start3A_61 = tpu.memref_slice %arg8[%add3A_59, %dma_start3A_60] : memref<8x128xi32, #tpu.memory_space<vmem>> -> memref<1x128xi32, #tpu.memory_space<vmem>>
            %dma_start3A_62 = tpu.memref_squeeze %dma_start3A_61 : memref<1x128xi32, #tpu.memory_space<vmem>> -> memref<128xi32, #tpu.memory_space<vmem>>
            %dma_start3A_63 = arith.constant 0 : i32
            %dma_start3A_64 = arith.constant 0 : i32
            %dma_start3A_65 = tpu.memref_slice %arg2[%dma_start3A_63, %dma_start3A_64] : memref<10240x128xf32, #tpu.memory_space<hbm>> -> memref<10240x128xf32, #tpu.memory_space<hbm>>
            tpu.enqueue_indirect_dma source(%dma_start3A_65 : memref<10240x128xf32, #tpu.memory_space<hbm>>) target(%arg10 : memref<128x128xf32, #tpu.memory_space<vmem>>) offsets(%dma_start3A_62 : memref<128xi32, #tpu.memory_space<vmem>>) semaphore(%arg12 : memref<!tpu.dma_semaphore, #tpu.memory_space<semaphore_mem>>)
          } else {
          }
          "tpu.region"() ({
            %run_scoped3A = tpu.sem_alloc : memref<!tpu.dma_semaphore, #tpu.memory_space<semaphore_mem>>
            %dma_start3A_58 = arith.constant 0 : i32
            %dma_start3A_59 = tpu.memref_slice %arg9[%add3A_32, %dma_start3A_58] : memref<8x128xi32, #tpu.memory_space<vmem>> -> memref<1x128xi32, #tpu.memory_space<vmem>>
            %dma_start3A_60 = tpu.memref_squeeze %dma_start3A_59 : memref<1x128xi32, #tpu.memory_space<vmem>> -> memref<128xi32, #tpu.memory_space<vmem>>
            %dma_start3A_61 = arith.constant 0 : i32
            %dma_start3A_62 = arith.constant 0 : i32
            %dma_start3A_63 = tpu.memref_slice %arg14[%dma_start3A_61, %dma_start3A_62] : memref<10240x128xf32, #tpu.memory_space<vmem_shared>> -> memref<10240x128xf32, #tpu.memory_space<vmem_shared>>
            tpu.enqueue_indirect_dma source(%arg11 : memref<128x128xf32, #tpu.memory_space<vmem>>) target(%dma_start3A_63 : memref<10240x128xf32, #tpu.memory_space<vmem_shared>>) offsets(%dma_start3A_60 : memref<128xi32, #tpu.memory_space<vmem>>) semaphore(%run_scoped3A : memref<!tpu.dma_semaphore, #tpu.memory_space<semaphore_mem>>) {add = true}
            %dma_wait3A_64 = arith.constant 0 : i32
            %dma_wait3A_65 = tpu.memref_slice %arg9[%add3A_32, %dma_wait3A_64] : memref<8x128xi32, #tpu.memory_space<vmem>> -> memref<1x128xi32, #tpu.memory_space<vmem>>
            %dma_wait3A_66 = tpu.memref_squeeze %dma_wait3A_65 : memref<1x128xi32, #tpu.memory_space<vmem>> -> memref<128xi32, #tpu.memory_space<vmem>>
            %dma_wait3A_67 = arith.constant 0 : i32
            %dma_wait3A_68 = arith.constant 0 : i32
            %dma_wait3A_69 = tpu.memref_slice %arg14[%dma_wait3A_67, %dma_wait3A_68] : memref<10240x128xf32, #tpu.memory_space<vmem_shared>> -> memref<10240x128xf32, #tpu.memory_space<vmem_shared>>
            tpu.wait_indirect_dma semaphore(%run_scoped3A : memref<!tpu.dma_semaphore, #tpu.memory_space<semaphore_mem>>) src(%arg11 : memref<128x128xf32, #tpu.memory_space<vmem>>) dst(%dma_wait3A_69 : memref<10240x128xf32, #tpu.memory_space<vmem_shared>>)
            tpu.yield
          }) : () -> ()
        }
        %scan3A_28 = arith.constant 4 : i32
      }
      %scan3A_12 = arith.constant 10 : i32
      %barrier3A_13 = arith.constant 0 : index
      tpu.barrier barrier_id(%barrier3A_13)
      "tpu.region"() ({
        %run_scoped3A = tpu.sem_alloc : memref<!tpu.dma_semaphore, #tpu.memory_space<semaphore_mem>>
        %dma_start3A = arith.constant 0 : i32
        %dma_start3A_14 = tpu.memref_slice %arg7[%mul3A_7, %dma_start3A] : memref<10240x128xf32, #tpu.memory_space<hbm>> -> memref<640x128xf32, #tpu.memory_space<hbm>>
        %dma_start3A_15 = arith.constant 0 : i32
        %dma_start3A_16 = tpu.memref_slice %arg14[%mul3A_7, %dma_start3A_15] : memref<10240x128xf32, #tpu.memory_space<vmem_shared>> -> memref<640x128xf32, #tpu.memory_space<vmem_shared>>
        tpu.enqueue_dma source(%dma_start3A_16 : memref<640x128xf32, #tpu.memory_space<vmem_shared>>) target(%dma_start3A_14 : memref<640x128xf32, #tpu.memory_space<hbm>>) target_semaphore(%run_scoped3A : memref<!tpu.dma_semaphore, #tpu.memory_space<semaphore_mem>>)
        %dma_wait3A = arith.constant 0 : i32
        %dma_wait3A_17 = tpu.memref_slice %arg7[%mul3A_7, %dma_wait3A] : memref<10240x128xf32, #tpu.memory_space<hbm>> -> memref<640x128xf32, #tpu.memory_space<hbm>>
        %dma_wait3A_18 = arith.constant 0 : i32
        %dma_wait3A_19 = tpu.memref_slice %arg14[%mul3A_7, %dma_wait3A_18] : memref<10240x128xf32, #tpu.memory_space<vmem_shared>> -> memref<640x128xf32, #tpu.memory_space<vmem_shared>>
        tpu.wait_dma2 semaphore(%run_scoped3A : memref<!tpu.dma_semaphore, #tpu.memory_space<semaphore_mem>>) src(%dma_wait3A_19 : memref<640x128xf32, #tpu.memory_space<vmem_shared>>) dst(%dma_wait3A_17 : memref<640x128xf32, #tpu.memory_space<hbm>>)
        tpu.yield
      }) : () -> ()
    } else {
    }
    return
  }
}

#map = affine_map<(d0, d1) -> (0, 0)>
#map1 = affine_map<(d0, d1) -> (0, 0, 0)>
module attributes {stable_mosaic.version = 14 : i64} {
  func.func @_scat_kernel(%arg0: i32, %arg1: i32, %arg2: memref<10240x128xf32, #tpu.memory_space<hbm>>, %arg3: memref<10240x128xf32, #tpu.memory_space<hbm>>, %arg4: memref<16x160x128xi32, #tpu.memory_space<hbm>>, %arg5: memref<16x160x128xi32, #tpu.memory_space<hbm>>, %arg6: memref<10240x128xf32, #tpu.memory_space<hbm>>, %arg7: memref<10240x128xf32, #tpu.memory_space<hbm>>, %arg8: memref<8x128xi32, #tpu.memory_space<vmem>>, %arg9: memref<8x128xi32, #tpu.memory_space<vmem>>, %arg10: memref<128x128xf32, #tpu.memory_space<vmem>>, %arg11: memref<128x128xf32, #tpu.memory_space<vmem>>, %arg12: memref<!tpu.dma_semaphore, #tpu.memory_space<semaphore_mem>>, %arg13: memref<!tpu.dma_semaphore, #tpu.memory_space<semaphore_mem>>, %arg14: memref<10240x128xf32, #tpu.memory_space<vmem_shared>>) attributes {dimension_semantics = [#tpu.dimension_semantics<core_parallel>, #tpu.dimension_semantics<subcore_parallel>], iteration_bounds = array<i64: 2, 16>, scalar_prefetch = 0 : i64, scratch_operands = 7 : i64, tpu.core_type = #tpu.core_type<sc_vector_subcore>, window_params = [{transform_indices = #map}, {transform_indices = #map}, {transform_indices = #map1}, {transform_indices = #map1}, {transform_indices = #map}, {transform_indices = #map}]} {
    %eq3A = arith.constant 0 : i32
    %eq3A_0 = arith.cmpi eq, %arg0, %eq3A : i32
    %convert_element_type3A = arith.extui %eq3A_0 : i1 to i32
    %cond3A = arith.constant 0 : i32
    %cond3A_1 = arith.cmpi ne, %convert_element_type3A, %cond3A : i32
    scf.if %cond3A_1 {
      %mul3A = arith.constant 640 : i32
      %mul3A_7 = arith.muli %arg1, %mul3A : i32
      "tpu.region"() ({
        %run_scoped3A = tpu.sem_alloc : memref<!tpu.dma_semaphore, #tpu.memory_space<semaphore_mem>>
        %dma_start3A = arith.constant 0 : i32
        %dma_start3A_14 = tpu.memref_slice %arg14[%mul3A_7, %dma_start3A] : memref<10240x128xf32, #tpu.memory_space<vmem_shared>> -> memref<640x128xf32, #tpu.memory_space<vmem_shared>>
        %dma_start3A_15 = arith.constant 0 : i32
        %dma_start3A_16 = tpu.memref_slice %arg2[%mul3A_7, %dma_start3A_15] : memref<10240x128xf32, #tpu.memory_space<hbm>> -> memref<640x128xf32, #tpu.memory_space<hbm>>
        tpu.enqueue_dma source(%dma_start3A_16 : memref<640x128xf32, #tpu.memory_space<hbm>>) target(%dma_start3A_14 : memref<640x128xf32, #tpu.memory_space<vmem_shared>>) target_semaphore(%run_scoped3A : memref<!tpu.dma_semaphore, #tpu.memory_space<semaphore_mem>>)
        %dma_wait3A = arith.constant 0 : i32
        %dma_wait3A_17 = tpu.memref_slice %arg14[%mul3A_7, %dma_wait3A] : memref<10240x128xf32, #tpu.memory_space<vmem_shared>> -> memref<640x128xf32, #tpu.memory_space<vmem_shared>>
        %dma_wait3A_18 = arith.constant 0 : i32
        %dma_wait3A_19 = tpu.memref_slice %arg2[%mul3A_7, %dma_wait3A_18] : memref<10240x128xf32, #tpu.memory_space<hbm>> -> memref<640x128xf32, #tpu.memory_space<hbm>>
        tpu.wait_dma2 semaphore(%run_scoped3A : memref<!tpu.dma_semaphore, #tpu.memory_space<semaphore_mem>>) src(%dma_wait3A_19 : memref<640x128xf32, #tpu.memory_space<hbm>>) dst(%dma_wait3A_17 : memref<640x128xf32, #tpu.memory_space<vmem_shared>>)
        tpu.yield
      }) : () -> ()
      %barrier3A = arith.constant 0 : index
      tpu.barrier barrier_id(%barrier3A)
      %scan3A = arith.constant 0 : i32
      %scan3A_8 = arith.constant 0 : i32
      %scan3A_9 = arith.constant 10 : i32
      %scan3A_10 = arith.addi %scan3A_8, %scan3A_9 : i32
      %scan3A_11 = arith.constant 1 : i32
      scf.for %scan3A_14 = %scan3A_8 to %scan3A_10 step %scan3A_11  : i32 {
        %mul3A_15 = arith.constant 8 : i32
        %mul3A_16 = arith.muli %scan3A_14, %mul3A_15 : i32
        "tpu.region"() ({
          %run_scoped3A = tpu.sem_alloc : memref<!tpu.dma_semaphore, #tpu.memory_space<semaphore_mem>>
          %dma_start3A_29 = arith.constant 0 : i32
          %dma_start3A_30 = tpu.memref_slice %arg4[%arg1, %mul3A_16, %dma_start3A_29] : memref<16x160x128xi32, #tpu.memory_space<hbm>> -> memref<1x8x128xi32, #tpu.memory_space<hbm>>
          %dma_start3A_31 = tpu.memref_squeeze %dma_start3A_30 : memref<1x8x128xi32, #tpu.memory_space<hbm>> -> memref<8x128xi32, #tpu.memory_space<hbm>>
          %dma_start3A_32 = arith.constant 0 : i32
          %dma_start3A_33 = tpu.memref_slice %arg4[%arg1, %mul3A_16, %dma_start3A_32] : memref<16x160x128xi32, #tpu.memory_space<hbm>> -> memref<1x8x128xi32, #tpu.memory_space<hbm>>
          %dma_start3A_34 = tpu.memref_squeeze %dma_start3A_33 : memref<1x8x128xi32, #tpu.memory_space<hbm>> -> memref<8x128xi32, #tpu.memory_space<hbm>>
          tpu.enqueue_dma source(%dma_start3A_34 : memref<8x128xi32, #tpu.memory_space<hbm>>) target(%arg8 : memref<8x128xi32, #tpu.memory_space<vmem>>) target_semaphore(%run_scoped3A : memref<!tpu.dma_semaphore, #tpu.memory_space<semaphore_mem>>)
          %dma_wait3A = arith.constant 0 : i32
          %dma_wait3A_35 = tpu.memref_slice %arg4[%arg1, %mul3A_16, %dma_wait3A] : memref<16x160x128xi32, #tpu.memory_space<hbm>> -> memref<1x8x128xi32, #tpu.memory_space<hbm>>
          %dma_wait3A_36 = tpu.memref_squeeze %dma_wait3A_35 : memref<1x8x128xi32, #tpu.memory_space<hbm>> -> memref<8x128xi32, #tpu.memory_space<hbm>>
          %dma_wait3A_37 = arith.constant 0 : i32
          %dma_wait3A_38 = tpu.memref_slice %arg4[%arg1, %mul3A_16, %dma_wait3A_37] : memref<16x160x128xi32, #tpu.memory_space<hbm>> -> memref<1x8x128xi32, #tpu.memory_space<hbm>>
          %dma_wait3A_39 = tpu.memref_squeeze %dma_wait3A_38 : memref<1x8x128xi32, #tpu.memory_space<hbm>> -> memref<8x128xi32, #tpu.memory_space<hbm>>
          tpu.wait_dma2 semaphore(%run_scoped3A : memref<!tpu.dma_semaphore, #tpu.memory_space<semaphore_mem>>) src(%dma_wait3A_39 : memref<8x128xi32, #tpu.memory_space<hbm>>) dst(%arg8 : memref<8x128xi32, #tpu.memory_space<vmem>>)
          tpu.yield
        }) : () -> ()
        "tpu.region"() ({
          %run_scoped3A = tpu.sem_alloc : memref<!tpu.dma_semaphore, #tpu.memory_space<semaphore_mem>>
          %dma_start3A_29 = arith.constant 0 : i32
          %dma_start3A_30 = tpu.memref_slice %arg5[%arg1, %mul3A_16, %dma_start3A_29] : memref<16x160x128xi32, #tpu.memory_space<hbm>> -> memref<1x8x128xi32, #tpu.memory_space<hbm>>
          %dma_start3A_31 = tpu.memref_squeeze %dma_start3A_30 : memref<1x8x128xi32, #tpu.memory_space<hbm>> -> memref<8x128xi32, #tpu.memory_space<hbm>>
          %dma_start3A_32 = arith.constant 0 : i32
          %dma_start3A_33 = tpu.memref_slice %arg5[%arg1, %mul3A_16, %dma_start3A_32] : memref<16x160x128xi32, #tpu.memory_space<hbm>> -> memref<1x8x128xi32, #tpu.memory_space<hbm>>
          %dma_start3A_34 = tpu.memref_squeeze %dma_start3A_33 : memref<1x8x128xi32, #tpu.memory_space<hbm>> -> memref<8x128xi32, #tpu.memory_space<hbm>>
          tpu.enqueue_dma source(%dma_start3A_34 : memref<8x128xi32, #tpu.memory_space<hbm>>) target(%arg9 : memref<8x128xi32, #tpu.memory_space<vmem>>) target_semaphore(%run_scoped3A : memref<!tpu.dma_semaphore, #tpu.memory_space<semaphore_mem>>)
          %dma_wait3A = arith.constant 0 : i32
          %dma_wait3A_35 = tpu.memref_slice %arg5[%arg1, %mul3A_16, %dma_wait3A] : memref<16x160x128xi32, #tpu.memory_space<hbm>> -> memref<1x8x128xi32, #tpu.memory_space<hbm>>
          %dma_wait3A_36 = tpu.memref_squeeze %dma_wait3A_35 : memref<1x8x128xi32, #tpu.memory_space<hbm>> -> memref<8x128xi32, #tpu.memory_space<hbm>>
          %dma_wait3A_37 = arith.constant 0 : i32
          %dma_wait3A_38 = tpu.memref_slice %arg5[%arg1, %mul3A_16, %dma_wait3A_37] : memref<16x160x128xi32, #tpu.memory_space<hbm>> -> memref<1x8x128xi32, #tpu.memory_space<hbm>>
          %dma_wait3A_39 = tpu.memref_squeeze %dma_wait3A_38 : memref<1x8x128xi32, #tpu.memory_space<hbm>> -> memref<8x128xi32, #tpu.memory_space<hbm>>
          tpu.wait_dma2 semaphore(%run_scoped3A : memref<!tpu.dma_semaphore, #tpu.memory_space<semaphore_mem>>) src(%dma_wait3A_39 : memref<8x128xi32, #tpu.memory_space<hbm>>) dst(%arg9 : memref<8x128xi32, #tpu.memory_space<vmem>>)
          tpu.yield
        }) : () -> ()
        %dma_start3A = arith.constant 0 : i32
        %dma_start3A_17 = arith.constant 0 : i32
        %dma_start3A_18 = tpu.memref_slice %arg8[%dma_start3A, %dma_start3A_17] : memref<8x128xi32, #tpu.memory_space<vmem>> -> memref<1x128xi32, #tpu.memory_space<vmem>>
        %dma_start3A_19 = tpu.memref_squeeze %dma_start3A_18 : memref<1x128xi32, #tpu.memory_space<vmem>> -> memref<128xi32, #tpu.memory_space<vmem>>
        %dma_start3A_20 = arith.constant 0 : i32
        %dma_start3A_21 = arith.constant 0 : i32
        %dma_start3A_22 = tpu.memref_slice %arg2[%dma_start3A_20, %dma_start3A_21] : memref<10240x128xf32, #tpu.memory_space<hbm>> -> memref<10240x128xf32, #tpu.memory_space<hbm>>
        tpu.enqueue_indirect_dma source(%dma_start3A_22 : memref<10240x128xf32, #tpu.memory_space<hbm>>) target(%arg10 : memref<128x128xf32, #tpu.memory_space<vmem>>) offsets(%dma_start3A_19 : memref<128xi32, #tpu.memory_space<vmem>>) semaphore(%arg12 : memref<!tpu.dma_semaphore, #tpu.memory_space<semaphore_mem>>)
        %scan3A_23 = arith.constant 0 : i32
        %scan3A_24 = arith.constant 0 : i32
        %scan3A_25 = arith.constant 4 : i32
        %scan3A_26 = arith.addi %scan3A_24, %scan3A_25 : i32
        %scan3A_27 = arith.constant 1 : i32
        scf.for %scan3A_29 = %scan3A_24 to %scan3A_26 step %scan3A_27  : i32 {
          %mul3A_30 = arith.constant 2 : i32
          %mul3A_31 = arith.muli %mul3A_30, %scan3A_29 : i32
          %add3A = arith.constant 1 : i32
          %add3A_32 = arith.addi %mul3A_31, %add3A : i32
          %dma_wait3A = arith.constant 0 : i32
          %dma_wait3A_33 = arith.constant 0 : i32
          %dma_wait3A_34 = tpu.memref_slice %arg8[%dma_wait3A, %dma_wait3A_33] : memref<8x128xi32, #tpu.memory_space<vmem>> -> memref<1x128xi32, #tpu.memory_space<vmem>>
          %dma_wait3A_35 = tpu.memref_squeeze %dma_wait3A_34 : memref<1x128xi32, #tpu.memory_space<vmem>> -> memref<128xi32, #tpu.memory_space<vmem>>
          %dma_wait3A_36 = arith.constant 0 : i32
          %dma_wait3A_37 = arith.constant 0 : i32
          %dma_wait3A_38 = tpu.memref_slice %arg2[%dma_wait3A_36, %dma_wait3A_37] : memref<10240x128xf32, #tpu.memory_space<hbm>> -> memref<10240x128xf32, #tpu.memory_space<hbm>>
          tpu.wait_indirect_dma semaphore(%arg12 : memref<!tpu.dma_semaphore, #tpu.memory_space<semaphore_mem>>) src(%dma_wait3A_38 : memref<10240x128xf32, #tpu.memory_space<hbm>>) dst(%arg10 : memref<128x128xf32, #tpu.memory_space<vmem>>)
          %dma_start3A_39 = arith.constant 0 : i32
          %dma_start3A_40 = tpu.memref_slice %arg8[%add3A_32, %dma_start3A_39] : memref<8x128xi32, #tpu.memory_space<vmem>> -> memref<1x128xi32, #tpu.memory_space<vmem>>
          %dma_start3A_41 = tpu.memref_squeeze %dma_start3A_40 : memref<1x128xi32, #tpu.memory_space<vmem>> -> memref<128xi32, #tpu.memory_space<vmem>>
          %dma_start3A_42 = arith.constant 0 : i32
          %dma_start3A_43 = arith.constant 0 : i32
          %dma_start3A_44 = tpu.memref_slice %arg2[%dma_start3A_42, %dma_start3A_43] : memref<10240x128xf32, #tpu.memory_space<hbm>> -> memref<10240x128xf32, #tpu.memory_space<hbm>>
          tpu.enqueue_indirect_dma source(%dma_start3A_44 : memref<10240x128xf32, #tpu.memory_space<hbm>>) target(%arg11 : memref<128x128xf32, #tpu.memory_space<vmem>>) offsets(%dma_start3A_41 : memref<128xi32, #tpu.memory_space<vmem>>) semaphore(%arg13 : memref<!tpu.dma_semaphore, #tpu.memory_space<semaphore_mem>>)
          "tpu.region"() ({
            %run_scoped3A = tpu.sem_alloc : memref<!tpu.dma_semaphore, #tpu.memory_space<semaphore_mem>>
            %dma_start3A_58 = arith.constant 0 : i32
            %dma_start3A_59 = tpu.memref_slice %arg9[%mul3A_31, %dma_start3A_58] : memref<8x128xi32, #tpu.memory_space<vmem>> -> memref<1x128xi32, #tpu.memory_space<vmem>>
            %dma_start3A_60 = tpu.memref_squeeze %dma_start3A_59 : memref<1x128xi32, #tpu.memory_space<vmem>> -> memref<128xi32, #tpu.memory_space<vmem>>
            %dma_start3A_61 = arith.constant 0 : i32
            %dma_start3A_62 = arith.constant 0 : i32
            %dma_start3A_63 = tpu.memref_slice %arg14[%dma_start3A_61, %dma_start3A_62] : memref<10240x128xf32, #tpu.memory_space<vmem_shared>> -> memref<10240x128xf32, #tpu.memory_space<vmem_shared>>
            tpu.enqueue_indirect_dma source(%arg10 : memref<128x128xf32, #tpu.memory_space<vmem>>) target(%dma_start3A_63 : memref<10240x128xf32, #tpu.memory_space<vmem_shared>>) offsets(%dma_start3A_60 : memref<128xi32, #tpu.memory_space<vmem>>) semaphore(%run_scoped3A : memref<!tpu.dma_semaphore, #tpu.memory_space<semaphore_mem>>) {add = true}
            %dma_wait3A_64 = arith.constant 0 : i32
            %dma_wait3A_65 = tpu.memref_slice %arg9[%mul3A_31, %dma_wait3A_64] : memref<8x128xi32, #tpu.memory_space<vmem>> -> memref<1x128xi32, #tpu.memory_space<vmem>>
            %dma_wait3A_66 = tpu.memref_squeeze %dma_wait3A_65 : memref<1x128xi32, #tpu.memory_space<vmem>> -> memref<128xi32, #tpu.memory_space<vmem>>
            %dma_wait3A_67 = arith.constant 0 : i32
            %dma_wait3A_68 = arith.constant 0 : i32
            %dma_wait3A_69 = tpu.memref_slice %arg14[%dma_wait3A_67, %dma_wait3A_68] : memref<10240x128xf32, #tpu.memory_space<vmem_shared>> -> memref<10240x128xf32, #tpu.memory_space<vmem_shared>>
            tpu.wait_indirect_dma semaphore(%run_scoped3A : memref<!tpu.dma_semaphore, #tpu.memory_space<semaphore_mem>>) src(%arg10 : memref<128x128xf32, #tpu.memory_space<vmem>>) dst(%dma_wait3A_69 : memref<10240x128xf32, #tpu.memory_space<vmem_shared>>)
            tpu.yield
          }) : () -> ()
          %dma_wait3A_45 = arith.constant 0 : i32
          %dma_wait3A_46 = arith.constant 0 : i32
          %dma_wait3A_47 = tpu.memref_slice %arg8[%dma_wait3A_45, %dma_wait3A_46] : memref<8x128xi32, #tpu.memory_space<vmem>> -> memref<1x128xi32, #tpu.memory_space<vmem>>
          %dma_wait3A_48 = tpu.memref_squeeze %dma_wait3A_47 : memref<1x128xi32, #tpu.memory_space<vmem>> -> memref<128xi32, #tpu.memory_space<vmem>>
          %dma_wait3A_49 = arith.constant 0 : i32
          %dma_wait3A_50 = arith.constant 0 : i32
          %dma_wait3A_51 = tpu.memref_slice %arg2[%dma_wait3A_49, %dma_wait3A_50] : memref<10240x128xf32, #tpu.memory_space<hbm>> -> memref<10240x128xf32, #tpu.memory_space<hbm>>
          tpu.wait_indirect_dma semaphore(%arg13 : memref<!tpu.dma_semaphore, #tpu.memory_space<semaphore_mem>>) src(%dma_wait3A_51 : memref<10240x128xf32, #tpu.memory_space<hbm>>) dst(%arg11 : memref<128x128xf32, #tpu.memory_space<vmem>>)
          %add3A_52 = arith.constant 1 : i32
          %add3A_53 = arith.addi %add3A_32, %add3A_52 : i32
          %lt3A = arith.constant 8 : i32
          %lt3A_54 = arith.cmpi slt, %add3A_53, %lt3A : i32
          %convert_element_type3A_55 = arith.extui %lt3A_54 : i1 to i32
          %cond3A_56 = arith.constant 0 : i32
          %cond3A_57 = arith.cmpi ne, %convert_element_type3A_55, %cond3A_56 : i32
          scf.if %cond3A_57 {
            %add3A_58 = arith.constant 1 : i32
            %add3A_59 = arith.addi %add3A_32, %add3A_58 : i32
            %dma_start3A_60 = arith.constant 0 : i32
            %dma_start3A_61 = tpu.memref_slice %arg8[%add3A_59, %dma_start3A_60] : memref<8x128xi32, #tpu.memory_space<vmem>> -> memref<1x128xi32, #tpu.memory_space<vmem>>
            %dma_start3A_62 = tpu.memref_squeeze %dma_start3A_61 : memref<1x128xi32, #tpu.memory_space<vmem>> -> memref<128xi32, #tpu.memory_space<vmem>>
            %dma_start3A_63 = arith.constant 0 : i32
            %dma_start3A_64 = arith.constant 0 : i32
            %dma_start3A_65 = tpu.memref_slice %arg2[%dma_start3A_63, %dma_start3A_64] : memref<10240x128xf32, #tpu.memory_space<hbm>> -> memref<10240x128xf32, #tpu.memory_space<hbm>>
            tpu.enqueue_indirect_dma source(%dma_start3A_65 : memref<10240x128xf32, #tpu.memory_space<hbm>>) target(%arg10 : memref<128x128xf32, #tpu.memory_space<vmem>>) offsets(%dma_start3A_62 : memref<128xi32, #tpu.memory_space<vmem>>) semaphore(%arg12 : memref<!tpu.dma_semaphore, #tpu.memory_space<semaphore_mem>>)
          } else {
          }
          "tpu.region"() ({
            %run_scoped3A = tpu.sem_alloc : memref<!tpu.dma_semaphore, #tpu.memory_space<semaphore_mem>>
            %dma_start3A_58 = arith.constant 0 : i32
            %dma_start3A_59 = tpu.memref_slice %arg9[%add3A_32, %dma_start3A_58] : memref<8x128xi32, #tpu.memory_space<vmem>> -> memref<1x128xi32, #tpu.memory_space<vmem>>
            %dma_start3A_60 = tpu.memref_squeeze %dma_start3A_59 : memref<1x128xi32, #tpu.memory_space<vmem>> -> memref<128xi32, #tpu.memory_space<vmem>>
            %dma_start3A_61 = arith.constant 0 : i32
            %dma_start3A_62 = arith.constant 0 : i32
            %dma_start3A_63 = tpu.memref_slice %arg14[%dma_start3A_61, %dma_start3A_62] : memref<10240x128xf32, #tpu.memory_space<vmem_shared>> -> memref<10240x128xf32, #tpu.memory_space<vmem_shared>>
            tpu.enqueue_indirect_dma source(%arg11 : memref<128x128xf32, #tpu.memory_space<vmem>>) target(%dma_start3A_63 : memref<10240x128xf32, #tpu.memory_space<vmem_shared>>) offsets(%dma_start3A_60 : memref<128xi32, #tpu.memory_space<vmem>>) semaphore(%run_scoped3A : memref<!tpu.dma_semaphore, #tpu.memory_space<semaphore_mem>>) {add = true}
            %dma_wait3A_64 = arith.constant 0 : i32
            %dma_wait3A_65 = tpu.memref_slice %arg9[%add3A_32, %dma_wait3A_64] : memref<8x128xi32, #tpu.memory_space<vmem>> -> memref<1x128xi32, #tpu.memory_space<vmem>>
            %dma_wait3A_66 = tpu.memref_squeeze %dma_wait3A_65 : memref<1x128xi32, #tpu.memory_space<vmem>> -> memref<128xi32, #tpu.memory_space<vmem>>
            %dma_wait3A_67 = arith.constant 0 : i32
            %dma_wait3A_68 = arith.constant 0 : i32
            %dma_wait3A_69 = tpu.memref_slice %arg14[%dma_wait3A_67, %dma_wait3A_68] : memref<10240x128xf32, #tpu.memory_space<vmem_shared>> -> memref<10240x128xf32, #tpu.memory_space<vmem_shared>>
            tpu.wait_indirect_dma semaphore(%run_scoped3A : memref<!tpu.dma_semaphore, #tpu.memory_space<semaphore_mem>>) src(%arg11 : memref<128x128xf32, #tpu.memory_space<vmem>>) dst(%dma_wait3A_69 : memref<10240x128xf32, #tpu.memory_space<vmem_shared>>)
            tpu.yield
          }) : () -> ()
        }
        %scan3A_28 = arith.constant 4 : i32
      }
      %scan3A_12 = arith.constant 10 : i32
      %barrier3A_13 = arith.constant 0 : index
      tpu.barrier barrier_id(%barrier3A_13)
      "tpu.region"() ({
        %run_scoped3A = tpu.sem_alloc : memref<!tpu.dma_semaphore, #tpu.memory_space<semaphore_mem>>
        %dma_start3A = arith.constant 0 : i32
        %dma_start3A_14 = tpu.memref_slice %arg6[%mul3A_7, %dma_start3A] : memref<10240x128xf32, #tpu.memory_space<hbm>> -> memref<640x128xf32, #tpu.memory_space<hbm>>
        %dma_start3A_15 = arith.constant 0 : i32
        %dma_start3A_16 = tpu.memref_slice %arg14[%mul3A_7, %dma_start3A_15] : memref<10240x128xf32, #tpu.memory_space<vmem_shared>> -> memref<640x128xf32, #tpu.memory_space<vmem_shared>>
        tpu.enqueue_dma source(%dma_start3A_16 : memref<640x128xf32, #tpu.memory_space<vmem_shared>>) target(%dma_start3A_14 : memref<640x128xf32, #tpu.memory_space<hbm>>) target_semaphore(%run_scoped3A : memref<!tpu.dma_semaphore, #tpu.memory_space<semaphore_mem>>)
        %dma_wait3A = arith.constant 0 : i32
        %dma_wait3A_17 = tpu.memref_slice %arg6[%mul3A_7, %dma_wait3A] : memref<10240x128xf32, #tpu.memory_space<hbm>> -> memref<640x128xf32, #tpu.memory_space<hbm>>
        %dma_wait3A_18 = arith.constant 0 : i32
        %dma_wait3A_19 = tpu.memref_slice %arg14[%mul3A_7, %dma_wait3A_18] : memref<10240x128xf32, #tpu.memory_space<vmem_shared>> -> memref<640x128xf32, #tpu.memory_space<vmem_shared>>
        tpu.wait_dma2 semaphore(%run_scoped3A : memref<!tpu.dma_semaphore, #tpu.memory_space<semaphore_mem>>) src(%dma_wait3A_19 : memref<640x128xf32, #tpu.memory_space<vmem_shared>>) dst(%dma_wait3A_17 : memref<640x128xf32, #tpu.memory_space<hbm>>)
        tpu.yield
      }) : () -> ()
    } else {
    }
    %eq3A_2 = arith.constant 1 : i32
    %eq3A_3 = arith.cmpi eq, %arg0, %eq3A_2 : i32
    %convert_element_type3A_4 = arith.extui %eq3A_3 : i1 to i32
    %cond3A_5 = arith.constant 0 : i32
    %cond3A_6 = arith.cmpi ne, %convert_element_type3A_4, %cond3A_5 : i32
    scf.if %cond3A_6 {
      %mul3A = arith.constant 640 : i32
      %mul3A_7 = arith.muli %arg1, %mul3A : i32
      "tpu.region"() ({
        %run_scoped3A = tpu.sem_alloc : memref<!tpu.dma_semaphore, #tpu.memory_space<semaphore_mem>>
        %dma_start3A = arith.constant 0 : i32
        %dma_start3A_14 = tpu.memref_slice %arg14[%mul3A_7, %dma_start3A] : memref<10240x128xf32, #tpu.memory_space<vmem_shared>> -> memref<640x128xf32, #tpu.memory_space<vmem_shared>>
        %dma_start3A_15 = arith.constant 0 : i32
        %dma_start3A_16 = tpu.memref_slice %arg3[%mul3A_7, %dma_start3A_15] : memref<10240x128xf32, #tpu.memory_space<hbm>> -> memref<640x128xf32, #tpu.memory_space<hbm>>
        tpu.enqueue_dma source(%dma_start3A_16 : memref<640x128xf32, #tpu.memory_space<hbm>>) target(%dma_start3A_14 : memref<640x128xf32, #tpu.memory_space<vmem_shared>>) target_semaphore(%run_scoped3A : memref<!tpu.dma_semaphore, #tpu.memory_space<semaphore_mem>>)
        %dma_wait3A = arith.constant 0 : i32
        %dma_wait3A_17 = tpu.memref_slice %arg14[%mul3A_7, %dma_wait3A] : memref<10240x128xf32, #tpu.memory_space<vmem_shared>> -> memref<640x128xf32, #tpu.memory_space<vmem_shared>>
        %dma_wait3A_18 = arith.constant 0 : i32
        %dma_wait3A_19 = tpu.memref_slice %arg3[%mul3A_7, %dma_wait3A_18] : memref<10240x128xf32, #tpu.memory_space<hbm>> -> memref<640x128xf32, #tpu.memory_space<hbm>>
        tpu.wait_dma2 semaphore(%run_scoped3A : memref<!tpu.dma_semaphore, #tpu.memory_space<semaphore_mem>>) src(%dma_wait3A_19 : memref<640x128xf32, #tpu.memory_space<hbm>>) dst(%dma_wait3A_17 : memref<640x128xf32, #tpu.memory_space<vmem_shared>>)
        tpu.yield
      }) : () -> ()
      %barrier3A = arith.constant 0 : index
      tpu.barrier barrier_id(%barrier3A)
      %scan3A = arith.constant 0 : i32
      %scan3A_8 = arith.constant 10 : i32
      %scan3A_9 = arith.constant 10 : i32
      %scan3A_10 = arith.addi %scan3A_8, %scan3A_9 : i32
      %scan3A_11 = arith.constant 1 : i32
      scf.for %scan3A_14 = %scan3A_8 to %scan3A_10 step %scan3A_11  : i32 {
        %mul3A_15 = arith.constant 8 : i32
        %mul3A_16 = arith.muli %scan3A_14, %mul3A_15 : i32
        "tpu.region"() ({
          %run_scoped3A = tpu.sem_alloc : memref<!tpu.dma_semaphore, #tpu.memory_space<semaphore_mem>>
          %dma_start3A_29 = arith.constant 0 : i32
          %dma_start3A_30 = tpu.memref_slice %arg4[%arg1, %mul3A_16, %dma_start3A_29] : memref<16x160x128xi32, #tpu.memory_space<hbm>> -> memref<1x8x128xi32, #tpu.memory_space<hbm>>
          %dma_start3A_31 = tpu.memref_squeeze %dma_start3A_30 : memref<1x8x128xi32, #tpu.memory_space<hbm>> -> memref<8x128xi32, #tpu.memory_space<hbm>>
          %dma_start3A_32 = arith.constant 0 : i32
          %dma_start3A_33 = tpu.memref_slice %arg4[%arg1, %mul3A_16, %dma_start3A_32] : memref<16x160x128xi32, #tpu.memory_space<hbm>> -> memref<1x8x128xi32, #tpu.memory_space<hbm>>
          %dma_start3A_34 = tpu.memref_squeeze %dma_start3A_33 : memref<1x8x128xi32, #tpu.memory_space<hbm>> -> memref<8x128xi32, #tpu.memory_space<hbm>>
          tpu.enqueue_dma source(%dma_start3A_34 : memref<8x128xi32, #tpu.memory_space<hbm>>) target(%arg8 : memref<8x128xi32, #tpu.memory_space<vmem>>) target_semaphore(%run_scoped3A : memref<!tpu.dma_semaphore, #tpu.memory_space<semaphore_mem>>)
          %dma_wait3A = arith.constant 0 : i32
          %dma_wait3A_35 = tpu.memref_slice %arg4[%arg1, %mul3A_16, %dma_wait3A] : memref<16x160x128xi32, #tpu.memory_space<hbm>> -> memref<1x8x128xi32, #tpu.memory_space<hbm>>
          %dma_wait3A_36 = tpu.memref_squeeze %dma_wait3A_35 : memref<1x8x128xi32, #tpu.memory_space<hbm>> -> memref<8x128xi32, #tpu.memory_space<hbm>>
          %dma_wait3A_37 = arith.constant 0 : i32
          %dma_wait3A_38 = tpu.memref_slice %arg4[%arg1, %mul3A_16, %dma_wait3A_37] : memref<16x160x128xi32, #tpu.memory_space<hbm>> -> memref<1x8x128xi32, #tpu.memory_space<hbm>>
          %dma_wait3A_39 = tpu.memref_squeeze %dma_wait3A_38 : memref<1x8x128xi32, #tpu.memory_space<hbm>> -> memref<8x128xi32, #tpu.memory_space<hbm>>
          tpu.wait_dma2 semaphore(%run_scoped3A : memref<!tpu.dma_semaphore, #tpu.memory_space<semaphore_mem>>) src(%dma_wait3A_39 : memref<8x128xi32, #tpu.memory_space<hbm>>) dst(%arg8 : memref<8x128xi32, #tpu.memory_space<vmem>>)
          tpu.yield
        }) : () -> ()
        "tpu.region"() ({
          %run_scoped3A = tpu.sem_alloc : memref<!tpu.dma_semaphore, #tpu.memory_space<semaphore_mem>>
          %dma_start3A_29 = arith.constant 0 : i32
          %dma_start3A_30 = tpu.memref_slice %arg5[%arg1, %mul3A_16, %dma_start3A_29] : memref<16x160x128xi32, #tpu.memory_space<hbm>> -> memref<1x8x128xi32, #tpu.memory_space<hbm>>
          %dma_start3A_31 = tpu.memref_squeeze %dma_start3A_30 : memref<1x8x128xi32, #tpu.memory_space<hbm>> -> memref<8x128xi32, #tpu.memory_space<hbm>>
          %dma_start3A_32 = arith.constant 0 : i32
          %dma_start3A_33 = tpu.memref_slice %arg5[%arg1, %mul3A_16, %dma_start3A_32] : memref<16x160x128xi32, #tpu.memory_space<hbm>> -> memref<1x8x128xi32, #tpu.memory_space<hbm>>
          %dma_start3A_34 = tpu.memref_squeeze %dma_start3A_33 : memref<1x8x128xi32, #tpu.memory_space<hbm>> -> memref<8x128xi32, #tpu.memory_space<hbm>>
          tpu.enqueue_dma source(%dma_start3A_34 : memref<8x128xi32, #tpu.memory_space<hbm>>) target(%arg9 : memref<8x128xi32, #tpu.memory_space<vmem>>) target_semaphore(%run_scoped3A : memref<!tpu.dma_semaphore, #tpu.memory_space<semaphore_mem>>)
          %dma_wait3A = arith.constant 0 : i32
          %dma_wait3A_35 = tpu.memref_slice %arg5[%arg1, %mul3A_16, %dma_wait3A] : memref<16x160x128xi32, #tpu.memory_space<hbm>> -> memref<1x8x128xi32, #tpu.memory_space<hbm>>
          %dma_wait3A_36 = tpu.memref_squeeze %dma_wait3A_35 : memref<1x8x128xi32, #tpu.memory_space<hbm>> -> memref<8x128xi32, #tpu.memory_space<hbm>>
          %dma_wait3A_37 = arith.constant 0 : i32
          %dma_wait3A_38 = tpu.memref_slice %arg5[%arg1, %mul3A_16, %dma_wait3A_37] : memref<16x160x128xi32, #tpu.memory_space<hbm>> -> memref<1x8x128xi32, #tpu.memory_space<hbm>>
          %dma_wait3A_39 = tpu.memref_squeeze %dma_wait3A_38 : memref<1x8x128xi32, #tpu.memory_space<hbm>> -> memref<8x128xi32, #tpu.memory_space<hbm>>
          tpu.wait_dma2 semaphore(%run_scoped3A : memref<!tpu.dma_semaphore, #tpu.memory_space<semaphore_mem>>) src(%dma_wait3A_39 : memref<8x128xi32, #tpu.memory_space<hbm>>) dst(%arg9 : memref<8x128xi32, #tpu.memory_space<vmem>>)
          tpu.yield
        }) : () -> ()
        %dma_start3A = arith.constant 0 : i32
        %dma_start3A_17 = arith.constant 0 : i32
        %dma_start3A_18 = tpu.memref_slice %arg8[%dma_start3A, %dma_start3A_17] : memref<8x128xi32, #tpu.memory_space<vmem>> -> memref<1x128xi32, #tpu.memory_space<vmem>>
        %dma_start3A_19 = tpu.memref_squeeze %dma_start3A_18 : memref<1x128xi32, #tpu.memory_space<vmem>> -> memref<128xi32, #tpu.memory_space<vmem>>
        %dma_start3A_20 = arith.constant 0 : i32
        %dma_start3A_21 = arith.constant 0 : i32
        %dma_start3A_22 = tpu.memref_slice %arg2[%dma_start3A_20, %dma_start3A_21] : memref<10240x128xf32, #tpu.memory_space<hbm>> -> memref<10240x128xf32, #tpu.memory_space<hbm>>
        tpu.enqueue_indirect_dma source(%dma_start3A_22 : memref<10240x128xf32, #tpu.memory_space<hbm>>) target(%arg10 : memref<128x128xf32, #tpu.memory_space<vmem>>) offsets(%dma_start3A_19 : memref<128xi32, #tpu.memory_space<vmem>>) semaphore(%arg12 : memref<!tpu.dma_semaphore, #tpu.memory_space<semaphore_mem>>)
        %scan3A_23 = arith.constant 0 : i32
        %scan3A_24 = arith.constant 0 : i32
        %scan3A_25 = arith.constant 4 : i32
        %scan3A_26 = arith.addi %scan3A_24, %scan3A_25 : i32
        %scan3A_27 = arith.constant 1 : i32
        scf.for %scan3A_29 = %scan3A_24 to %scan3A_26 step %scan3A_27  : i32 {
          %mul3A_30 = arith.constant 2 : i32
          %mul3A_31 = arith.muli %mul3A_30, %scan3A_29 : i32
          %add3A = arith.constant 1 : i32
          %add3A_32 = arith.addi %mul3A_31, %add3A : i32
          %dma_wait3A = arith.constant 0 : i32
          %dma_wait3A_33 = arith.constant 0 : i32
          %dma_wait3A_34 = tpu.memref_slice %arg8[%dma_wait3A, %dma_wait3A_33] : memref<8x128xi32, #tpu.memory_space<vmem>> -> memref<1x128xi32, #tpu.memory_space<vmem>>
          %dma_wait3A_35 = tpu.memref_squeeze %dma_wait3A_34 : memref<1x128xi32, #tpu.memory_space<vmem>> -> memref<128xi32, #tpu.memory_space<vmem>>
          %dma_wait3A_36 = arith.constant 0 : i32
          %dma_wait3A_37 = arith.constant 0 : i32
          %dma_wait3A_38 = tpu.memref_slice %arg2[%dma_wait3A_36, %dma_wait3A_37] : memref<10240x128xf32, #tpu.memory_space<hbm>> -> memref<10240x128xf32, #tpu.memory_space<hbm>>
          tpu.wait_indirect_dma semaphore(%arg12 : memref<!tpu.dma_semaphore, #tpu.memory_space<semaphore_mem>>) src(%dma_wait3A_38 : memref<10240x128xf32, #tpu.memory_space<hbm>>) dst(%arg10 : memref<128x128xf32, #tpu.memory_space<vmem>>)
          %dma_start3A_39 = arith.constant 0 : i32
          %dma_start3A_40 = tpu.memref_slice %arg8[%add3A_32, %dma_start3A_39] : memref<8x128xi32, #tpu.memory_space<vmem>> -> memref<1x128xi32, #tpu.memory_space<vmem>>
          %dma_start3A_41 = tpu.memref_squeeze %dma_start3A_40 : memref<1x128xi32, #tpu.memory_space<vmem>> -> memref<128xi32, #tpu.memory_space<vmem>>
          %dma_start3A_42 = arith.constant 0 : i32
          %dma_start3A_43 = arith.constant 0 : i32
          %dma_start3A_44 = tpu.memref_slice %arg2[%dma_start3A_42, %dma_start3A_43] : memref<10240x128xf32, #tpu.memory_space<hbm>> -> memref<10240x128xf32, #tpu.memory_space<hbm>>
          tpu.enqueue_indirect_dma source(%dma_start3A_44 : memref<10240x128xf32, #tpu.memory_space<hbm>>) target(%arg11 : memref<128x128xf32, #tpu.memory_space<vmem>>) offsets(%dma_start3A_41 : memref<128xi32, #tpu.memory_space<vmem>>) semaphore(%arg13 : memref<!tpu.dma_semaphore, #tpu.memory_space<semaphore_mem>>)
          "tpu.region"() ({
            %run_scoped3A = tpu.sem_alloc : memref<!tpu.dma_semaphore, #tpu.memory_space<semaphore_mem>>
            %dma_start3A_58 = arith.constant 0 : i32
            %dma_start3A_59 = tpu.memref_slice %arg9[%mul3A_31, %dma_start3A_58] : memref<8x128xi32, #tpu.memory_space<vmem>> -> memref<1x128xi32, #tpu.memory_space<vmem>>
            %dma_start3A_60 = tpu.memref_squeeze %dma_start3A_59 : memref<1x128xi32, #tpu.memory_space<vmem>> -> memref<128xi32, #tpu.memory_space<vmem>>
            %dma_start3A_61 = arith.constant 0 : i32
            %dma_start3A_62 = arith.constant 0 : i32
            %dma_start3A_63 = tpu.memref_slice %arg14[%dma_start3A_61, %dma_start3A_62] : memref<10240x128xf32, #tpu.memory_space<vmem_shared>> -> memref<10240x128xf32, #tpu.memory_space<vmem_shared>>
            tpu.enqueue_indirect_dma source(%arg10 : memref<128x128xf32, #tpu.memory_space<vmem>>) target(%dma_start3A_63 : memref<10240x128xf32, #tpu.memory_space<vmem_shared>>) offsets(%dma_start3A_60 : memref<128xi32, #tpu.memory_space<vmem>>) semaphore(%run_scoped3A : memref<!tpu.dma_semaphore, #tpu.memory_space<semaphore_mem>>) {add = true}
            %dma_wait3A_64 = arith.constant 0 : i32
            %dma_wait3A_65 = tpu.memref_slice %arg9[%mul3A_31, %dma_wait3A_64] : memref<8x128xi32, #tpu.memory_space<vmem>> -> memref<1x128xi32, #tpu.memory_space<vmem>>
            %dma_wait3A_66 = tpu.memref_squeeze %dma_wait3A_65 : memref<1x128xi32, #tpu.memory_space<vmem>> -> memref<128xi32, #tpu.memory_space<vmem>>
            %dma_wait3A_67 = arith.constant 0 : i32
            %dma_wait3A_68 = arith.constant 0 : i32
            %dma_wait3A_69 = tpu.memref_slice %arg14[%dma_wait3A_67, %dma_wait3A_68] : memref<10240x128xf32, #tpu.memory_space<vmem_shared>> -> memref<10240x128xf32, #tpu.memory_space<vmem_shared>>
            tpu.wait_indirect_dma semaphore(%run_scoped3A : memref<!tpu.dma_semaphore, #tpu.memory_space<semaphore_mem>>) src(%arg10 : memref<128x128xf32, #tpu.memory_space<vmem>>) dst(%dma_wait3A_69 : memref<10240x128xf32, #tpu.memory_space<vmem_shared>>)
            tpu.yield
          }) : () -> ()
          %dma_wait3A_45 = arith.constant 0 : i32
          %dma_wait3A_46 = arith.constant 0 : i32
          %dma_wait3A_47 = tpu.memref_slice %arg8[%dma_wait3A_45, %dma_wait3A_46] : memref<8x128xi32, #tpu.memory_space<vmem>> -> memref<1x128xi32, #tpu.memory_space<vmem>>
          %dma_wait3A_48 = tpu.memref_squeeze %dma_wait3A_47 : memref<1x128xi32, #tpu.memory_space<vmem>> -> memref<128xi32, #tpu.memory_space<vmem>>
          %dma_wait3A_49 = arith.constant 0 : i32
          %dma_wait3A_50 = arith.constant 0 : i32
          %dma_wait3A_51 = tpu.memref_slice %arg2[%dma_wait3A_49, %dma_wait3A_50] : memref<10240x128xf32, #tpu.memory_space<hbm>> -> memref<10240x128xf32, #tpu.memory_space<hbm>>
          tpu.wait_indirect_dma semaphore(%arg13 : memref<!tpu.dma_semaphore, #tpu.memory_space<semaphore_mem>>) src(%dma_wait3A_51 : memref<10240x128xf32, #tpu.memory_space<hbm>>) dst(%arg11 : memref<128x128xf32, #tpu.memory_space<vmem>>)
          %add3A_52 = arith.constant 1 : i32
          %add3A_53 = arith.addi %add3A_32, %add3A_52 : i32
          %lt3A = arith.constant 8 : i32
          %lt3A_54 = arith.cmpi slt, %add3A_53, %lt3A : i32
          %convert_element_type3A_55 = arith.extui %lt3A_54 : i1 to i32
          %cond3A_56 = arith.constant 0 : i32
          %cond3A_57 = arith.cmpi ne, %convert_element_type3A_55, %cond3A_56 : i32
          scf.if %cond3A_57 {
            %add3A_58 = arith.constant 1 : i32
            %add3A_59 = arith.addi %add3A_32, %add3A_58 : i32
            %dma_start3A_60 = arith.constant 0 : i32
            %dma_start3A_61 = tpu.memref_slice %arg8[%add3A_59, %dma_start3A_60] : memref<8x128xi32, #tpu.memory_space<vmem>> -> memref<1x128xi32, #tpu.memory_space<vmem>>
            %dma_start3A_62 = tpu.memref_squeeze %dma_start3A_61 : memref<1x128xi32, #tpu.memory_space<vmem>> -> memref<128xi32, #tpu.memory_space<vmem>>
            %dma_start3A_63 = arith.constant 0 : i32
            %dma_start3A_64 = arith.constant 0 : i32
            %dma_start3A_65 = tpu.memref_slice %arg2[%dma_start3A_63, %dma_start3A_64] : memref<10240x128xf32, #tpu.memory_space<hbm>> -> memref<10240x128xf32, #tpu.memory_space<hbm>>
            tpu.enqueue_indirect_dma source(%dma_start3A_65 : memref<10240x128xf32, #tpu.memory_space<hbm>>) target(%arg10 : memref<128x128xf32, #tpu.memory_space<vmem>>) offsets(%dma_start3A_62 : memref<128xi32, #tpu.memory_space<vmem>>) semaphore(%arg12 : memref<!tpu.dma_semaphore, #tpu.memory_space<semaphore_mem>>)
          } else {
          }
          "tpu.region"() ({
            %run_scoped3A = tpu.sem_alloc : memref<!tpu.dma_semaphore, #tpu.memory_space<semaphore_mem>>
            %dma_start3A_58 = arith.constant 0 : i32
            %dma_start3A_59 = tpu.memref_slice %arg9[%add3A_32, %dma_start3A_58] : memref<8x128xi32, #tpu.memory_space<vmem>> -> memref<1x128xi32, #tpu.memory_space<vmem>>
            %dma_start3A_60 = tpu.memref_squeeze %dma_start3A_59 : memref<1x128xi32, #tpu.memory_space<vmem>> -> memref<128xi32, #tpu.memory_space<vmem>>
            %dma_start3A_61 = arith.constant 0 : i32
            %dma_start3A_62 = arith.constant 0 : i32
            %dma_start3A_63 = tpu.memref_slice %arg14[%dma_start3A_61, %dma_start3A_62] : memref<10240x128xf32, #tpu.memory_space<vmem_shared>> -> memref<10240x128xf32, #tpu.memory_space<vmem_shared>>
            tpu.enqueue_indirect_dma source(%arg11 : memref<128x128xf32, #tpu.memory_space<vmem>>) target(%dma_start3A_63 : memref<10240x128xf32, #tpu.memory_space<vmem_shared>>) offsets(%dma_start3A_60 : memref<128xi32, #tpu.memory_space<vmem>>) semaphore(%run_scoped3A : memref<!tpu.dma_semaphore, #tpu.memory_space<semaphore_mem>>) {add = true}
            %dma_wait3A_64 = arith.constant 0 : i32
            %dma_wait3A_65 = tpu.memref_slice %arg9[%add3A_32, %dma_wait3A_64] : memref<8x128xi32, #tpu.memory_space<vmem>> -> memref<1x128xi32, #tpu.memory_space<vmem>>
            %dma_wait3A_66 = tpu.memref_squeeze %dma_wait3A_65 : memref<1x128xi32, #tpu.memory_space<vmem>> -> memref<128xi32, #tpu.memory_space<vmem>>
            %dma_wait3A_67 = arith.constant 0 : i32
            %dma_wait3A_68 = arith.constant 0 : i32
            %dma_wait3A_69 = tpu.memref_slice %arg14[%dma_wait3A_67, %dma_wait3A_68] : memref<10240x128xf32, #tpu.memory_space<vmem_shared>> -> memref<10240x128xf32, #tpu.memory_space<vmem_shared>>
            tpu.wait_indirect_dma semaphore(%run_scoped3A : memref<!tpu.dma_semaphore, #tpu.memory_space<semaphore_mem>>) src(%arg11 : memref<128x128xf32, #tpu.memory_space<vmem>>) dst(%dma_wait3A_69 : memref<10240x128xf32, #tpu.memory_space<vmem_shared>>)
            tpu.yield
          }) : () -> ()
        }
        %scan3A_28 = arith.constant 4 : i32
      }
      %scan3A_12 = arith.constant 10 : i32
      %barrier3A_13 = arith.constant 0 : index
      tpu.barrier barrier_id(%barrier3A_13)
      "tpu.region"() ({
        %run_scoped3A = tpu.sem_alloc : memref<!tpu.dma_semaphore, #tpu.memory_space<semaphore_mem>>
        %dma_start3A = arith.constant 0 : i32
        %dma_start3A_14 = tpu.memref_slice %arg7[%mul3A_7, %dma_start3A] : memref<10240x128xf32, #tpu.memory_space<hbm>> -> memref<640x128xf32, #tpu.memory_space<hbm>>
        %dma_start3A_15 = arith.constant 0 : i32
        %dma_start3A_16 = tpu.memref_slice %arg14[%mul3A_7, %dma_start3A_15] : memref<10240x128xf32, #tpu.memory_space<vmem_shared>> -> memref<640x128xf32, #tpu.memory_space<vmem_shared>>
        tpu.enqueue_dma source(%dma_start3A_16 : memref<640x128xf32, #tpu.memory_space<vmem_shared>>) target(%dma_start3A_14 : memref<640x128xf32, #tpu.memory_space<hbm>>) target_semaphore(%run_scoped3A : memref<!tpu.dma_semaphore, #tpu.memory_space<semaphore_mem>>)
        %dma_wait3A = arith.constant 0 : i32
        %dma_wait3A_17 = tpu.memref_slice %arg7[%mul3A_7, %dma_wait3A] : memref<10240x128xf32, #tpu.memory_space<hbm>> -> memref<640x128xf32, #tpu.memory_space<hbm>>
        %dma_wait3A_18 = arith.constant 0 : i32
        %dma_wait3A_19 = tpu.memref_slice %arg14[%mul3A_7, %dma_wait3A_18] : memref<10240x128xf32, #tpu.memory_space<vmem_shared>> -> memref<640x128xf32, #tpu.memory_space<vmem_shared>>
        tpu.wait_dma2 semaphore(%run_scoped3A : memref<!tpu.dma_semaphore, #tpu.memory_space<semaphore_mem>>) src(%dma_wait3A_19 : memref<640x128xf32, #tpu.memory_space<vmem_shared>>) dst(%dma_wait3A_17 : memref<640x128xf32, #tpu.memory_space<hbm>>)
        tpu.yield
      }) : () -> ()
    } else {
    }
    return
  }
}

#map = affine_map<(d0, d1) -> (0, 0, 0)>
#map1 = affine_map<(d0, d1) -> (0)>
module attributes {stable_mosaic.version = 14 : i64} {
  func.func @_deg_kernel(%arg0: i32, %arg1: i32, %arg2: memref<16x160x128xi32, #tpu.memory_space<hbm>>, %arg3: memref<10240xf32, #tpu.memory_space<hbm>>, %arg4: memref<128xf32, #tpu.memory_space<hbm>>, %arg5: memref<10240xf32, #tpu.memory_space<hbm>>, %arg6: memref<160x128xi32, #tpu.memory_space<vmem>>, %arg7: memref<128xf32, #tpu.memory_space<vmem>>, %arg8: memref<10240xf32, #tpu.memory_space<vmem_shared>>) attributes {dimension_semantics = [#tpu.dimension_semantics<core_parallel>, #tpu.dimension_semantics<subcore_parallel>], iteration_bounds = array<i64: 2, 16>, scalar_prefetch = 0 : i64, scratch_operands = 3 : i64, tpu.core_type = #tpu.core_type<sc_vector_subcore>, window_params = [{transform_indices = #map}, {transform_indices = #map1}, {transform_indices = #map1}, {transform_indices = #map1}]} {
    %eq3A = arith.constant 0 : i32
    %eq3A_0 = arith.cmpi eq, %arg0, %eq3A : i32
    %convert_element_type3A = arith.extui %eq3A_0 : i1 to i32
    %cond3A = arith.constant 0 : i32
    %cond3A_1 = arith.cmpi ne, %convert_element_type3A, %cond3A : i32
    scf.if %cond3A_1 {
      %mul3A = arith.constant 640 : i32
      %mul3A_2 = arith.muli %arg1, %mul3A : i32
      "tpu.region"() ({
        %run_scoped3A = tpu.sem_alloc : memref<!tpu.dma_semaphore, #tpu.memory_space<semaphore_mem>>
        %dma_start3A = tpu.memref_slice %arg8[%mul3A_2] : memref<10240xf32, #tpu.memory_space<vmem_shared>> -> memref<640xf32, #tpu.memory_space<vmem_shared>>
        %dma_start3A_9 = tpu.memref_slice %arg3[%mul3A_2] : memref<10240xf32, #tpu.memory_space<hbm>> -> memref<640xf32, #tpu.memory_space<hbm>>
        tpu.enqueue_dma source(%dma_start3A_9 : memref<640xf32, #tpu.memory_space<hbm>>) target(%dma_start3A : memref<640xf32, #tpu.memory_space<vmem_shared>>) target_semaphore(%run_scoped3A : memref<!tpu.dma_semaphore, #tpu.memory_space<semaphore_mem>>)
        %dma_wait3A = tpu.memref_slice %arg8[%mul3A_2] : memref<10240xf32, #tpu.memory_space<vmem_shared>> -> memref<640xf32, #tpu.memory_space<vmem_shared>>
        %dma_wait3A_10 = tpu.memref_slice %arg3[%mul3A_2] : memref<10240xf32, #tpu.memory_space<hbm>> -> memref<640xf32, #tpu.memory_space<hbm>>
        tpu.wait_dma2 semaphore(%run_scoped3A : memref<!tpu.dma_semaphore, #tpu.memory_space<semaphore_mem>>) src(%dma_wait3A_10 : memref<640xf32, #tpu.memory_space<hbm>>) dst(%dma_wait3A : memref<640xf32, #tpu.memory_space<vmem_shared>>)
        tpu.yield
      }) : () -> ()
      "tpu.region"() ({
        %run_scoped3A = tpu.sem_alloc : memref<!tpu.dma_semaphore, #tpu.memory_space<semaphore_mem>>
        %dma_start3A = arith.constant 0 : i32
        %dma_start3A_9 = arith.constant 0 : i32
        %dma_start3A_10 = tpu.memref_slice %arg2[%arg1, %dma_start3A, %dma_start3A_9] : memref<16x160x128xi32, #tpu.memory_space<hbm>> -> memref<1x160x128xi32, #tpu.memory_space<hbm>>
        %dma_start3A_11 = tpu.memref_squeeze %dma_start3A_10 : memref<1x160x128xi32, #tpu.memory_space<hbm>> -> memref<160x128xi32, #tpu.memory_space<hbm>>
        %dma_start3A_12 = arith.constant 0 : i32
        %dma_start3A_13 = arith.constant 0 : i32
        %dma_start3A_14 = tpu.memref_slice %arg2[%arg1, %dma_start3A_12, %dma_start3A_13] : memref<16x160x128xi32, #tpu.memory_space<hbm>> -> memref<1x160x128xi32, #tpu.memory_space<hbm>>
        %dma_start3A_15 = tpu.memref_squeeze %dma_start3A_14 : memref<1x160x128xi32, #tpu.memory_space<hbm>> -> memref<160x128xi32, #tpu.memory_space<hbm>>
        tpu.enqueue_dma source(%dma_start3A_15 : memref<160x128xi32, #tpu.memory_space<hbm>>) target(%arg6 : memref<160x128xi32, #tpu.memory_space<vmem>>) target_semaphore(%run_scoped3A : memref<!tpu.dma_semaphore, #tpu.memory_space<semaphore_mem>>)
        %dma_wait3A = arith.constant 0 : i32
        %dma_wait3A_16 = arith.constant 0 : i32
        %dma_wait3A_17 = tpu.memref_slice %arg2[%arg1, %dma_wait3A, %dma_wait3A_16] : memref<16x160x128xi32, #tpu.memory_space<hbm>> -> memref<1x160x128xi32, #tpu.memory_space<hbm>>
        %dma_wait3A_18 = tpu.memref_squeeze %dma_wait3A_17 : memref<1x160x128xi32, #tpu.memory_space<hbm>> -> memref<160x128xi32, #tpu.memory_space<hbm>>
        %dma_wait3A_19 = arith.constant 0 : i32
        %dma_wait3A_20 = arith.constant 0 : i32
        %dma_wait3A_21 = tpu.memref_slice %arg2[%arg1, %dma_wait3A_19, %dma_wait3A_20] : memref<16x160x128xi32, #tpu.memory_space<hbm>> -> memref<1x160x128xi32, #tpu.memory_space<hbm>>
        %dma_wait3A_22 = tpu.memref_squeeze %dma_wait3A_21 : memref<1x160x128xi32, #tpu.memory_space<hbm>> -> memref<160x128xi32, #tpu.memory_space<hbm>>
        tpu.wait_dma2 semaphore(%run_scoped3A : memref<!tpu.dma_semaphore, #tpu.memory_space<semaphore_mem>>) src(%dma_wait3A_22 : memref<160x128xi32, #tpu.memory_space<hbm>>) dst(%arg6 : memref<160x128xi32, #tpu.memory_space<vmem>>)
        tpu.yield
      }) : () -> ()
      "tpu.region"() ({
        %run_scoped3A = tpu.sem_alloc : memref<!tpu.dma_semaphore, #tpu.memory_space<semaphore_mem>>
        tpu.enqueue_dma source(%arg4 : memref<128xf32, #tpu.memory_space<hbm>>) target(%arg7 : memref<128xf32, #tpu.memory_space<vmem>>) target_semaphore(%run_scoped3A : memref<!tpu.dma_semaphore, #tpu.memory_space<semaphore_mem>>)
        tpu.wait_dma2 semaphore(%run_scoped3A : memref<!tpu.dma_semaphore, #tpu.memory_space<semaphore_mem>>) src(%arg4 : memref<128xf32, #tpu.memory_space<hbm>>) dst(%arg7 : memref<128xf32, #tpu.memory_space<vmem>>)
        tpu.yield
      }) : () -> ()
      %barrier3A = arith.constant 0 : index
      tpu.barrier barrier_id(%barrier3A)
      %scan3A = arith.constant 0 : i32
      %scan3A_3 = arith.constant 0 : i32
      %scan3A_4 = arith.constant 160 : i32
      %scan3A_5 = arith.addi %scan3A_3, %scan3A_4 : i32
      %scan3A_6 = arith.constant 1 : i32
      scf.for %scan3A_9 = %scan3A_3 to %scan3A_5 step %scan3A_6  : i32 {
        "tpu.region"() ({
          %run_scoped3A = tpu.sem_alloc : memref<!tpu.dma_semaphore, #tpu.memory_space<semaphore_mem>>
          %dma_start3A = arith.constant 0 : i32
          %dma_start3A_10 = tpu.memref_slice %arg6[%scan3A_9, %dma_start3A] : memref<160x128xi32, #tpu.memory_space<vmem>> -> memref<1x128xi32, #tpu.memory_space<vmem>>
          %dma_start3A_11 = tpu.memref_squeeze %dma_start3A_10 : memref<1x128xi32, #tpu.memory_space<vmem>> -> memref<128xi32, #tpu.memory_space<vmem>>
          %dma_start3A_12 = arith.constant 0 : i32
          %dma_start3A_13 = tpu.memref_slice %arg8[%dma_start3A_12] : memref<10240xf32, #tpu.memory_space<vmem_shared>> -> memref<10240xf32, #tpu.memory_space<vmem_shared>>
          tpu.enqueue_indirect_dma source(%arg7 : memref<128xf32, #tpu.memory_space<vmem>>) target(%dma_start3A_13 : memref<10240xf32, #tpu.memory_space<vmem_shared>>) offsets(%dma_start3A_11 : memref<128xi32, #tpu.memory_space<vmem>>) semaphore(%run_scoped3A : memref<!tpu.dma_semaphore, #tpu.memory_space<semaphore_mem>>) {add = true}
          %dma_wait3A = arith.constant 0 : i32
          %dma_wait3A_14 = tpu.memref_slice %arg6[%scan3A_9, %dma_wait3A] : memref<160x128xi32, #tpu.memory_space<vmem>> -> memref<1x128xi32, #tpu.memory_space<vmem>>
          %dma_wait3A_15 = tpu.memref_squeeze %dma_wait3A_14 : memref<1x128xi32, #tpu.memory_space<vmem>> -> memref<128xi32, #tpu.memory_space<vmem>>
          %dma_wait3A_16 = arith.constant 0 : i32
          %dma_wait3A_17 = tpu.memref_slice %arg8[%dma_wait3A_16] : memref<10240xf32, #tpu.memory_space<vmem_shared>> -> memref<10240xf32, #tpu.memory_space<vmem_shared>>
          tpu.wait_indirect_dma semaphore(%run_scoped3A : memref<!tpu.dma_semaphore, #tpu.memory_space<semaphore_mem>>) src(%arg7 : memref<128xf32, #tpu.memory_space<vmem>>) dst(%dma_wait3A_17 : memref<10240xf32, #tpu.memory_space<vmem_shared>>)
          tpu.yield
        }) : () -> ()
      }
      %scan3A_7 = arith.constant 160 : i32
      %barrier3A_8 = arith.constant 0 : index
      tpu.barrier barrier_id(%barrier3A_8)
      "tpu.region"() ({
        %run_scoped3A = tpu.sem_alloc : memref<!tpu.dma_semaphore, #tpu.memory_space<semaphore_mem>>
        %dma_start3A = tpu.memref_slice %arg5[%mul3A_2] : memref<10240xf32, #tpu.memory_space<hbm>> -> memref<640xf32, #tpu.memory_space<hbm>>
        %dma_start3A_9 = tpu.memref_slice %arg8[%mul3A_2] : memref<10240xf32, #tpu.memory_space<vmem_shared>> -> memref<640xf32, #tpu.memory_space<vmem_shared>>
        tpu.enqueue_dma source(%dma_start3A_9 : memref<640xf32, #tpu.memory_space<vmem_shared>>) target(%dma_start3A : memref<640xf32, #tpu.memory_space<hbm>>) target_semaphore(%run_scoped3A : memref<!tpu.dma_semaphore, #tpu.memory_space<semaphore_mem>>)
        %dma_wait3A = tpu.memref_slice %arg5[%mul3A_2] : memref<10240xf32, #tpu.memory_space<hbm>> -> memref<640xf32, #tpu.memory_space<hbm>>
        %dma_wait3A_10 = tpu.memref_slice %arg8[%mul3A_2] : memref<10240xf32, #tpu.memory_space<vmem_shared>> -> memref<640xf32, #tpu.memory_space<vmem_shared>>
        tpu.wait_dma2 semaphore(%run_scoped3A : memref<!tpu.dma_semaphore, #tpu.memory_space<semaphore_mem>>) src(%dma_wait3A_10 : memref<640xf32, #tpu.memory_space<vmem_shared>>) dst(%dma_wait3A : memref<640xf32, #tpu.memory_space<hbm>>)
        tpu.yield
      }) : () -> ()
    } else {
    }
    return
  }
}

module attributes {stable_mosaic.version = 14 : i64} {
  func.func @_tc_pre_body(%arg0: memref<10000x1xf32, #tpu.memory_space<vmem>>, %arg1: memref<10000x128xf32, #tpu.memory_space<vmem>>, %arg2: memref<128x128xf32, #tpu.memory_space<vmem>>, %arg3: memref<10240x128xf32, #tpu.memory_space<vmem>>, %arg4: memref<10000x1xf32, #tpu.memory_space<vmem>>) attributes {dimension_semantics = [], scalar_prefetch = 0 : i64, scratch_operands = 0 : i64, tpu.core_type = #tpu.core_type<tc>} {
    %get3A = arith.constant 0 : index
    %get3A_0 = arith.constant 0 : index
    %get3A_1 = vector.load %arg0[%get3A, %get3A_0] : memref<10000x1xf32, #tpu.memory_space<vmem>>, vector<10000x1xf32>
    %rsqrt3A = math.rsqrt %get3A_1 : vector<10000x1xf32>
    %get3A_2 = arith.constant 0 : index
    %get3A_3 = arith.constant 0 : index
    %get3A_4 = vector.load %arg1[%get3A_2, %get3A_3] : memref<10000x128xf32, #tpu.memory_space<vmem>>, vector<10000x128xf32>
    %get3A_5 = arith.constant 0 : index
    %get3A_6 = arith.constant 0 : index
    %get3A_7 = vector.load %arg2[%get3A_5, %get3A_6] : memref<128x128xf32, #tpu.memory_space<vmem>>, vector<128x128xf32>
    %dot_general3A = arith.constant dense<0.000000e+00> : vector<10000x128xf32>
    %dot_general3A_8 = tpu.matmul %get3A_4, %get3A_7, %dot_general3A {dimension_numbers = #tpu.dot_dimension_numbers<[1], [0], [0], [1], [0, 0, 1, 1], [], []>, transpose_lhs_hint = false} : vector<10000x128xf32>, vector<128x128xf32>, vector<10000x128xf32> -> vector<10000x128xf32>
    %broadcast_in_dim3A = arith.constant 0.000000e+00 : f32
    %broadcast_in_dim3A_9 = vector.broadcast %broadcast_in_dim3A : f32 to vector<240x128xf32>
    %mul3A = vector.broadcast %rsqrt3A : vector<10000x1xf32> to vector<10000x128xf32>
    %mul3A_10 = arith.mulf %dot_general3A_8, %mul3A : vector<10000x128xf32>
    %concatenate3A = tpu.concatenate %mul3A_10, %broadcast_in_dim3A_9 in 0 : vector<10000x128xf32>, vector<240x128xf32> -> vector<10240x128xf32>
    %swap3A = arith.constant 0 : index
    %swap3A_11 = arith.constant 0 : index
    %swap3A_12 = vector.load %arg3[%swap3A, %swap3A_11] : memref<10240x128xf32, #tpu.memory_space<vmem>>, vector<10240x128xf32>
    tpu.vector_store %arg3[%swap3A, %swap3A_11], %concatenate3A {strides = array<i32>} : memref<10240x128xf32, #tpu.memory_space<vmem>>, vector<10240x128xf32>,
    %swap3A_13 = arith.constant 0 : index
    %swap3A_14 = arith.constant 0 : index
    %swap3A_15 = vector.load %arg4[%swap3A_13, %swap3A_14] : memref<10000x1xf32, #tpu.memory_space<vmem>>, vector<10000x1xf32>
    tpu.vector_store %arg4[%swap3A_13, %swap3A_14], %rsqrt3A {strides = array<i32>} : memref<10000x1xf32, #tpu.memory_space<vmem>>, vector<10000x1xf32>,
    return
  }
}

module attributes {stable_mosaic.version = 14 : i64} {
  func.func @_tc_mid_body(%arg0: memref<10240x128xf32, #tpu.memory_space<vmem>>, %arg1: memref<10240x128xf32, #tpu.memory_space<vmem>>, %arg2: memref<10000x1xf32, #tpu.memory_space<vmem>>, %arg3: memref<1x128xf32, #tpu.memory_space<vmem>>, %arg4: memref<1x128xf32, #tpu.memory_space<vmem>>, %arg5: memref<1x128xf32, #tpu.memory_space<vmem>>, %arg6: memref<128x128xf32, #tpu.memory_space<vmem>>, %arg7: memref<10240x128xf32, #tpu.memory_space<vmem>>) attributes {dimension_semantics = [], scalar_prefetch = 0 : i64, scratch_operands = 0 : i64, tpu.core_type = #tpu.core_type<tc>} {
    %get3A = arith.constant 0 : index
    %get3A_0 = arith.constant 0 : index
    %get3A_1 = vector.load %arg2[%get3A, %get3A_0] : memref<10000x1xf32, #tpu.memory_space<vmem>>, vector<10000x1xf32>
    %get3A_2 = arith.constant 0 : index
    %get3A_3 = arith.constant 0 : index
    %get3A_4 = vector.load %arg0[%get3A_2, %get3A_3] : memref<10240x128xf32, #tpu.memory_space<vmem>>, vector<10000x128xf32>
    %get3A_5 = arith.constant 0 : index
    %get3A_6 = arith.constant 0 : index
    %get3A_7 = vector.load %arg1[%get3A_5, %get3A_6] : memref<10240x128xf32, #tpu.memory_space<vmem>>, vector<10000x128xf32>
    %add3A = arith.addf %get3A_4, %get3A_7 : vector<10000x128xf32>
    %mul3A = vector.broadcast %get3A_1 : vector<10000x1xf32> to vector<10000x128xf32>
    %mul3A_8 = arith.mulf %add3A, %mul3A : vector<10000x128xf32>
    %get3A_9 = arith.constant 0 : index
    %get3A_10 = arith.constant 0 : index
    %get3A_11 = vector.load %arg3[%get3A_9, %get3A_10] : memref<1x128xf32, #tpu.memory_space<vmem>>, vector<1x128xf32>
    %add3A_12 = vector.broadcast %get3A_11 : vector<1x128xf32> to vector<10000x128xf32>
    %add3A_13 = arith.addf %mul3A_8, %add3A_12 : vector<10000x128xf32>
    %reduce_sum3A = arith.constant dense<0.000000e+00> : vector<128xf32>
    %reduce_sum3A_14 = vector.multi_reduction <add>, %add3A_13, %reduce_sum3A [0] : vector<10000x128xf32> to vector<128xf32>
    %broadcast_in_dim3A = vector.shape_cast %reduce_sum3A_14 : vector<128xf32> to vector<1x128xf32>
    %div3A = arith.constant 1.000000e+04 : f32
    %div3A_15 = vector.broadcast %div3A : f32 to vector<1x128xf32>
    %div3A_16 = arith.divf %broadcast_in_dim3A, %div3A_15 : vector<1x128xf32>
    %sub3A = vector.broadcast %div3A_16 : vector<1x128xf32> to vector<10000x128xf32>
    %sub3A_17 = arith.subf %add3A_13, %sub3A : vector<10000x128xf32>
    %mul3A_18 = arith.mulf %sub3A_17, %sub3A_17 : vector<10000x128xf32>
    %reduce_sum3A_19 = arith.constant dense<0.000000e+00> : vector<128xf32>
    %reduce_sum3A_20 = vector.multi_reduction <add>, %mul3A_18, %reduce_sum3A_19 [0] : vector<10000x128xf32> to vector<128xf32>
    %broadcast_in_dim3A_21 = vector.shape_cast %reduce_sum3A_20 : vector<128xf32> to vector<1x128xf32>
    %div3A_22 = arith.constant 1.000000e+04 : f32
    %div3A_23 = vector.broadcast %div3A_22 : f32 to vector<1x128xf32>
    %div3A_24 = arith.divf %broadcast_in_dim3A_21, %div3A_23 : vector<1x128xf32>
    %add3A_25 = arith.constant 9.99999974E-6 : f32
    %add3A_26 = vector.broadcast %add3A_25 : f32 to vector<1x128xf32>
    %add3A_27 = arith.addf %div3A_24, %add3A_26 : vector<1x128xf32>
    %rsqrt3A = math.rsqrt %add3A_27 : vector<1x128xf32>
    %mul3A_28 = vector.broadcast %rsqrt3A : vector<1x128xf32> to vector<10000x128xf32>
    %mul3A_29 = arith.mulf %sub3A_17, %mul3A_28 : vector<10000x128xf32>
    %get3A_30 = arith.constant 0 : index
    %get3A_31 = arith.constant 0 : index
    %get3A_32 = vector.load %arg4[%get3A_30, %get3A_31] : memref<1x128xf32, #tpu.memory_space<vmem>>, vector<1x128xf32>
    %mul3A_33 = vector.broadcast %get3A_32 : vector<1x128xf32> to vector<10000x128xf32>
    %mul3A_34 = arith.mulf %mul3A_29, %mul3A_33 : vector<10000x128xf32>
    %get3A_35 = arith.constant 0 : index
    %get3A_36 = arith.constant 0 : index
    %get3A_37 = vector.load %arg5[%get3A_35, %get3A_36] : memref<1x128xf32, #tpu.memory_space<vmem>>, vector<1x128xf32>
    %add3A_38 = vector.broadcast %get3A_37 : vector<1x128xf32> to vector<10000x128xf32>
    %add3A_39 = arith.addf %mul3A_34, %add3A_38 : vector<10000x128xf32>
    %max3A = arith.constant 0.000000e+00 : f32
    %max3A_40 = vector.broadcast %max3A : f32 to vector<10000x128xf32>
    %max3A_41 = arith.maximumf %add3A_39, %max3A_40 : vector<10000x128xf32>
    %get3A_42 = arith.constant 0 : index
    %get3A_43 = arith.constant 0 : index
    %get3A_44 = vector.load %arg6[%get3A_42, %get3A_43] : memref<128x128xf32, #tpu.memory_space<vmem>>, vector<128x128xf32>
    %dot_general3A = arith.constant dense<0.000000e+00> : vector<10000x128xf32>
    %dot_general3A_45 = tpu.matmul %max3A_41, %get3A_44, %dot_general3A {dimension_numbers = #tpu.dot_dimension_numbers<[1], [0], [0], [1], [0, 0, 1, 1], [], []>, transpose_lhs_hint = false} : vector<10000x128xf32>, vector<128x128xf32>, vector<10000x128xf32> -> vector<10000x128xf32>
    %broadcast_in_dim3A_46 = arith.constant 0.000000e+00 : f32
    %broadcast_in_dim3A_47 = vector.broadcast %broadcast_in_dim3A_46 : f32 to vector<240x128xf32>
    %mul3A_48 = vector.broadcast %get3A_1 : vector<10000x1xf32> to vector<10000x128xf32>
    %mul3A_49 = arith.mulf %dot_general3A_45, %mul3A_48 : vector<10000x128xf32>
    %concatenate3A = tpu.concatenate %mul3A_49, %broadcast_in_dim3A_47 in 0 : vector<10000x128xf32>, vector<240x128xf32> -> vector<10240x128xf32>
    %swap3A = arith.constant 0 : index
    %swap3A_50 = arith.constant 0 : index
    %swap3A_51 = vector.load %arg7[%swap3A, %swap3A_50] : memref<10240x128xf32, #tpu.memory_space<vmem>>, vector<10240x128xf32>
    tpu.vector_store %arg7[%swap3A, %swap3A_50], %concatenate3A {strides = array<i32>} : memref<10240x128xf32, #tpu.memory_space<vmem>>, vector<10240x128xf32>,
    return
  }
}

module attributes {stable_mosaic.version = 14 : i64} {
  func.func @_tc_post_body(%arg0: memref<10240x128xf32, #tpu.memory_space<vmem>>, %arg1: memref<10240x128xf32, #tpu.memory_space<vmem>>, %arg2: memref<10000x1xf32, #tpu.memory_space<vmem>>, %arg3: memref<1x128xf32, #tpu.memory_space<vmem>>, %arg4: memref<10000x128xf32, #tpu.memory_space<vmem>>) attributes {dimension_semantics = [], scalar_prefetch = 0 : i64, scratch_operands = 0 : i64, tpu.core_type = #tpu.core_type<tc>} {
    %get3A = arith.constant 0 : index
    %get3A_0 = arith.constant 0 : index
    %get3A_1 = vector.load %arg0[%get3A, %get3A_0] : memref<10240x128xf32, #tpu.memory_space<vmem>>, vector<10000x128xf32>
    %get3A_2 = arith.constant 0 : index
    %get3A_3 = arith.constant 0 : index
    %get3A_4 = vector.load %arg1[%get3A_2, %get3A_3] : memref<10240x128xf32, #tpu.memory_space<vmem>>, vector<10000x128xf32>
    %add3A = arith.addf %get3A_1, %get3A_4 : vector<10000x128xf32>
    %get3A_5 = arith.constant 0 : index
    %get3A_6 = arith.constant 0 : index
    %get3A_7 = vector.load %arg2[%get3A_5, %get3A_6] : memref<10000x1xf32, #tpu.memory_space<vmem>>, vector<10000x1xf32>
    %mul3A = vector.broadcast %get3A_7 : vector<10000x1xf32> to vector<10000x128xf32>
    %mul3A_8 = arith.mulf %add3A, %mul3A : vector<10000x128xf32>
    %get3A_9 = arith.constant 0 : index
    %get3A_10 = arith.constant 0 : index
    %get3A_11 = vector.load %arg3[%get3A_9, %get3A_10] : memref<1x128xf32, #tpu.memory_space<vmem>>, vector<1x128xf32>
    %add3A_12 = vector.broadcast %get3A_11 : vector<1x128xf32> to vector<10000x128xf32>
    %add3A_13 = arith.addf %mul3A_8, %add3A_12 : vector<10000x128xf32>
    %swap3A = arith.constant 0 : index
    %swap3A_14 = arith.constant 0 : index
    %swap3A_15 = vector.load %arg4[%swap3A, %swap3A_14] : memref<10000x128xf32, #tpu.memory_space<vmem>>, vector<10000x128xf32>
    tpu.vector_store %arg4[%swap3A, %swap3A_14], %add3A_13 {strides = array<i32>} : memref<10000x128xf32, #tpu.memory_space<vmem>>, vector<10000x128xf32>,
    return
  }
}

</mosaic_0001>

<sc_bundles>
// kernel: kernel.11.cloned.1.call-start
scs
__scs_entry_jumppad:
0x0: {  	(pc) =	sbr.rel $0x88, $3  }
0x1: {  	(tag) =	ssettag $0x0;
	lr =	simm.s32 $0x1  }
0x2: {  	[smem:$0x3F99] =	sst lr;
	_ =	strace $0xD0000000  }
0x3: {  	_ = 	snop  }
0x4: {  	_ = 	snop  }
0x5: {  	_ = 	snop  }
0x6: {  	_ = 	snop  }
0x7: {  	_ = 	snop  }
__scs_overlays_trampoline_lowered:
0x8: {  	[smem:$0x3FA8] =	sst s0  }
0x9: {  	[smem:$0x3FA9] =	sst s1  }
0xa: {  	[smem:$0x3FAA] =	sst s2  }
0xb: {  	[smem:$0x3FAB] =	sst s3  }
0xc: {  	[smem:$0x3FAC] =	sst s4  }
0xd: {  	[smem:$0x3FAD] =	sst s5  }
0xe: {  	[smem:$0x3FAE] =	sst s6  }
0xf: {  	[smem:$0x3FAF] =	sst s7  }
0x10: {  	[smem:$0x3FB0] =	sst s8  }
0x11: {  	[smem:$0x3FB1] =	sst s9;
	s0 =	simm.s32 @!p0 $0x0  }
0x12: {  	s1 =	sld [smem:$0x3F97];
	s0 =	simm.s32 @p0 $0x1  }
0x13: {  	[smem:$0x3FB2] =	sst s0;
	s0 =	simm.s32 @!p1 $0x0  }
0x14: {  	s2 =	sld [smem:$0x3F96];
	s0 =	simm.s32 @p1 $0x1  }
0x15: {  	[smem:$0x3FB3] =	sst s0;
	s0 =	simm.s32 @!p2 $0x0  }
0x16: {  	s3 =	sld [smem:$0x3FDB];
	s0 =	simm.s32 @p2 $0x1  }
0x17: {  	s4 =	simm.s32 $0x1BF5;
	[smem:$0x3FB5] =	sst s0  }
0x18: {  	s0 =	sld [smem:$0x3F98];
	_ =	swait.ge [sflag:s4], $0x0  }
0x19: {  	s7 =	sld [smem:$0x3F99]  }
0x1a: {  	s8 =	sadd.s32 $0xFFFFE003, lr  }
0x1b: {  	s9 =	sadd.s32 $0xFFFFFEF7, lr;
	s5 =	simm.s32 $0xFFFFFFFF;
	p2 =	slt.u32 s8, $0xFFFFF086  }
0x1c: {  	p1 =	slt.u32 s9, $0xF7A;
	s5 =	simm.s32 @!p2 $0x0  }
0x1d: {  	s5 =	simm.s32 @p1 $0x1;
	p0 =	seq.s32 s7, s2  }
0x1e: {  	s7 =	smul.u32 @!p0 $0xF7A, s2;
	p2 =	seq.s32 @!p0 s5, $0x0  }
0x1f: {  	s9 =	smul.u32 $0xF7A, s1;
	s8 =	simm.s32 @!p0 $0x1BF5;
	p2 =	por !p2, p0  }
0x20: {  	[sflag:s8] =	ssyncset.s32 @!p0 $0xFFFFF086;
	s6 =	sadd.s32 @!p0 s3, s7;
	s7 =	simm.s32 @!p0 $0x108  }
0x21: {  	s3 =	sadd.s32 s3, s9;
	s6 =	sadd.s32 @!p0 $0x88, s6;
	s7 =	simm.s32 @p2 $0x1082  }
0x22: {  	[simem:s7], [sflag:s8] =	dma.local @!p0 [hbm:s6], $0xF7A  }
0x23: {  	s9 =	sor.u32 $0xD0000000, s2;
	s6 =	simm.s32 $0x108;
	_ =	swait.ge @!p0 [sflag:s8], $0x0  }
0x24: {  	s3 =	sadd.s32 $0x88, s3;
	s6 =	simm.s32 @!p1 $0x1082;
	[sflag:s4] =	ssyncset.s32 $0xFFFFF086  }
0x25: {  	[simem:s6], [sflag:s4] =	dma.local [hbm:s3], $0xF7A  }
0x26: {  	[smem:$0x3F99] =	sst s1;
	(tag) =	ssettag s2;
	_ =	strace s9  }
0x27: {  	s1 =	sld [smem:$0x3FA9]  }
0x28: {  	s2 =	sld [smem:$0x3FAA]  }
0x29: {  	s4 =	sld [smem:$0x3FAC]  }
0x2a: {  	p0 =	seq.s32 s5, $0x0;
	s5 =	sld [smem:$0x3FAD]  }
0x2b: {  	s6 =	sld [smem:$0x3FAE]  }
0x2c: {  	s7 =	sld [smem:$0x3FAF]  }
0x2d: {  	s3 =	simm.s32 $0x108;
	s8 =	sld [smem:$0x3FB0]  }
0x2e: {  	s3 =	simm.s32 @!p0 $0x1082;
	s9 =	sld [smem:$0x3FB1]  }
0x2f: {  	lr =	sadd.s32 s0, s3;
	s0 =	sld [smem:$0x3FA8]  }
0x30: {  	s3 =	sld [smem:$0x3FAB]  }
0x31: {  	[smem:$0x3FB4] =	sst s10  }
0x32: {  	s10 =	sld [smem:$0x3FB2];
	_ =	sdelay $0x3  }
0x33: {  	p0 =	seq.s32 s10, $0x1;
	s10 =	sld [smem:$0x3FB4];
	_ =	sdelay $0x3  }
0x34: {  	[smem:$0x3FB4] =	sst s10  }
0x35: {  	s10 =	sld [smem:$0x3FB3];
	_ =	sdelay $0x3  }
0x36: {  	p1 =	seq.s32 s10, $0x1;
	s10 =	sld [smem:$0x3FB4];
	_ =	sdelay $0x3  }
0x37: {  	[smem:$0x3FB4] =	sst s10  }
0x38: {  	s10 =	sld [smem:$0x3FB5]  }
0x39: {  	_ = 	snop;
	(pc) =	sbr.ind lr, $3  }
0x3a: {  	_ = 	snop  }
0x3b: {  	_ = 	snop  }
0x3c: {  	p2 =	seq.s32 s10, $0x1;
	s10 =	sld [smem:$0x3FB4]  }
0x3d: {  	_ =	shalt  }
0x3e: {  	_ =	shalt  }
0x3f: {  	_ =	shalt  }
0x40: {  	_ =	shalt  }
0x41: {  	_ =	shalt  }
0x42: {  	_ =	shalt  }
0x43: {  	_ =	shalt  }
0x44: {  	_ =	shalt  }
0x45: {  	_ =	shalt  }
0x46: {  	_ =	shalt  }
0x47: {  	_ =	shalt  }
0x48: {  	_ =	shalt  }
0x49: {  	_ =	shalt  }
0x4a: {  	_ =	shalt  }
0x4b: {  	_ =	shalt  }
0x4c: {  	_ =	shalt  }
0x4d: {  	_ =	shalt  }
0x4e: {  	_ =	shalt  }
0x4f: {  	_ =	shalt  }
0x50: {  	_ =	shalt  }
0x51: {  	_ =	shalt  }
0x52: {  	_ =	shalt  }
0x53: {  	_ =	shalt  }
0x54: {  	_ =	shalt  }
0x55: {  	_ =	shalt  }
0x56: {  	_ =	shalt  }
0x57: {  	_ =	shalt  }
0x58: {  	_ =	shalt  }
0x59: {  	_ =	shalt  }
0x5a: {  	_ =	shalt  }
0x5b: {  	_ =	shalt  }
0x5c: {  	_ =	shalt  }
0x5d: {  	_ =	shalt  }
0x5e: {  	_ =	shalt  }
0x5f: {  	_ =	shalt  }
0x60: {  	_ =	shalt  }
0x61: {  	_ =	shalt  }
0x62: {  	_ =	shalt  }
0x63: {  	_ =	shalt  }
0x64: {  	_ =	shalt  }
0x65: {  	_ =	shalt  }
0x66: {  	_ =	shalt  }
0x67: {  	_ =	shalt  }
0x68: {  	_ =	shalt  }
0x69: {  	_ =	shalt  }
0x6a: {  	_ =	shalt  }
0x6b: {  	_ =	shalt  }
0x6c: {  	_ =	shalt  }
0x6d: {  	_ =	shalt  }
0x6e: {  	_ =	shalt  }
0x6f: {  	_ =	shalt  }
0x70: {  	_ =	shalt  }
0x71: {  	_ =	shalt  }
0x72: {  	_ =	shalt  }
0x73: {  	_ =	shalt  }
0x74: {  	_ =	shalt  }
0x75: {  	_ =	shalt  }
0x76: {  	_ =	shalt  }
0x77: {  	_ =	shalt  }
0x78: {  	_ =	shalt  }
0x79: {  	_ =	shalt  }
0x7a: {  	_ =	shalt  }
0x7b: {  	_ =	shalt  }
0x7c: {  	_ =	shalt  }
0x7d: {  	_ =	shalt  }
0x7e: {  	_ =	shalt  }
0x7f: {  	_ =	shalt  }
0x80: {  	_ =	shalt  }
0x81: {  	_ =	shalt  }
0x82: {  	_ =	shalt  }
0x83: {  	_ =	shalt  }
0x84: {  	_ =	shalt  }
0x85: {  	_ =	shalt  }
0x86: {  	_ =	shalt  }
0x87: {  	_ =	shalt  }
.Lfunc_end0:
.L_simem_size_0:
called_computation.1_lowered:
.L_overlay_start_0:
0x88: {  	s2 =	sld [smem:$0x3FD9]  }
0x89: {  	s3 =	sld [smem:$0x3FFE];
	_ =	sdelay $0x1  }
0x8a: {  	s1 =	srdreg.scid  }
0x8b: {  	s0 =	sand.u32 $0x1, s1  }
0x8c: {  	s17 =	sshll.u32 s0, $0xA;
	s2 =	sadd.s32 s3, s2  }
0x8d: {  	s2 =	sadd.s32 s2, s17  }
0x8e: {  	[smem:$0x3FC0] =	sst s2  }
0x8f: {  	_ = 	snop  }
0x90: {  	s2 =	sld [smem:$0x3FD0];
	(tm) =	ssettm $0x1  }
0x91: {  	s18 =	sld [smem:$0x3FFB];
	_ =	sdelay $0x3  }
0x92: {  	_ =	strace s18  }
0x93: {  	s3 =	sld [smem:$0x3FFC];
	_ =	sdelay $0x3  }
0x94: {  	_ =	strace s3  }
0x95: {  	s3 =	sld [smem:$0x3FFD];
	_ =	sdelay $0x3  }
0x96: {  	_ =	strace s3  }
0x97: {  	_ =	strace $0x8FFFFFFF  }
0x98: {  	s19 =	sld [smem:$0x3FDB];
	_ =	sdelay $0x1  }
0x99: {  	s4 =	simm.s32 $_scs_section_size  }
0x9a: {  	s5 =	simm.s32 $_size__tile_overlayer_lowered;
	s6 =	simm.s32 $_tile_overlayer_lowered  }
0x9b: {  	s22 =	simm.s32 $0x1BFF;
	s21 =	sshll.u32 s6, $0x1;
	s3 =	sadd.s32 s4, s19  }
0x9c: {  	s7 =	simm.s32 $0x0;
	s20 =	sshll.u32 s5, $0x1;
	s5 =	sadd.s32 s21, s3  }
0x9d: {  	[timem:s7], [sflag:s22] =	dma.local [hbm:s5], s20  }
0x9e: {  	_ =	swait.ge [sflag:s22], s20  }
0x9f: {  	s4 =	ssub.s32 $0x0, s20;
	[sflag:s22] =	ssyncset.done $0x0  }
0xa0: {  	[sflag:s22] =	ssyncadd.s32 s4;
	_ =	sdelay $0x1  }
0xa1: {  	s23 =	simm.s32 $0x1B8B  }
0xa2: {  	_ =	swait.ge [sflag:s23], $0x1  }
0xa3: {  	[sflag:s23] =	ssyncset.done $0x0  }
0xa4: {  	s25 =	simm.s32 $0x1B8E;
	s24 =	sld [smem:$0x3FFE];
	[sflag:s23] =	ssyncadd.s32 $0xFFFFFFFF  }
0xa5: {  	s26 =	simm.s32 $execute0_lowered;
	[smem:$0x3FD2] =	sst s25  }
0xa6: {  	s5 =	sshll.u32 s26, $0x1;
	_ =	strace $0x80000049;
	[dreg:$0x1] =	wrdreg $0xFFFFFFFF  }
0xa7: {  	s28 =	simm.s32 $_size_execute0_lowered;
	s3 =	sadd.s32 s3, s5;
	[dreg:$0x0] =	wrdreg $0x0  }
0xa8: {  	s5 =	sshll.u32 s28, $0x1;
	[dreg:$0x2] =	wrdreg s3  }
0xa9: {  	[dreg:$0x3] =	wrdreg s5  }
0xaa: {  	[dreg:$0x4] =	wrdreg $0xC0  }
0xab: {  	_ =	task [dreg:s7], $0x5FFFF  }
0xac: {  	[dreg:$0x1] =	wrdreg $0xFFFFFFFF  }
0xad: {  	[dreg:$0x0] =	wrdreg $0x60  }
0xae: {  	[dreg:$0x2] =	wrdreg s24  }
0xaf: {  	[dreg:$0x3] =	wrdreg s2  }
0xb0: {  	[dreg:$0x4] =	wrdreg $0x88000  }
0xb1: {  	[dreg:$0x5] =	wrdreg $0x9  }
0xb2: {  	_ =	task.clear_ibuf [dreg:s7], $0x6FFFF;
	_ =	strace $0x90000049  }
0xb3: {  	s29 =	simm.s32 $0x9;
	_ =	strace $0x8000004B  }
0xb4: {  	_ =	swait.ge [sflag:s29], $0x1  }
0xb5: {  	[sflag:s29] =	ssyncadd.s32 $0xFFFFFFFF  }
0xb6: {  	_ =	strace $0x9000004B  }
0xb7: {  	_ =	sfence  }
0xb8: {  	s30 =	sld [smem:$0x0];
	_ =	sdelay $0x2  }
0xb9: {  	s31 =	sshll.u32 s1, $0xD;
	s1 =	sshrl.u32 s1, $0x2  }
0xba: {  	s3 =	sand.u32 $0x4000, s31;
	s1 =	sadd.s32 s1, s30  }
0xbb: {  	s0 =	sor.u32 s3, s0;
	s1 =	sshll.u32 s1, $0x11  }
0xbc: {  	s0 =	sor.u32 s1, s0  }
0xbd: {  	s0 =	sadd.s32 $0x8F2B, s0  }
0xbe: {  	[sflag:s0] =	ssyncadd.remote.s32 $0x1  }
0xbf: {  	_ =	sfence.sel $0xFFFF  }
0xc0: {  	[dreg:$0x0] =	wrdreg $0xFFFFFFFF;
	(pc) =	sbr.abs _section_cstart, $3  }
0xc1: {  	[dreg:$0x1] =	wrdreg $0xFFFFFFFF  }
0xc2: {  	_ =	task.clear_ibuf [dreg:s7], $0x2FFFF;
	_ =	strace $0x9FFFFFFF  }
0xc3: {  	(tm) =	ssettm $0x7FFFFFFF  }
tec
execute0_lowered:
.L_overlay_start_1:
0x0: {  	(tag) =	ssettag $0x1  }
0x1: {  	s0 =	rddreg [dreg:$0x0]  }
0x2: {  	s1 =	rddreg [dreg:$0x1]  }
0x3: {  	s2 =	rddreg [dreg:$0x2];
	s3 =	simm.s32 $0x0  }
0x4: {  	s14 =	stileid.u32;
	s4 =	srdreg.scid;
	s18 =	simm.s32 $0x3  }
0x5: {  	s19 =	simm.s32 $0x400;
	s28 =	simm.s32 $0x180;
	s29 =	simm.s32 $0x500  }
0x6: {  	s30 =	simm.s32 $0x200;
	s31 =	simm.s32 $0x580;
	s12 =	smul.u32 $0x2800, s14  }
0x7: {  	s17 =	simm.s32 $0x0;
	[smem:$0x7FF] =	sst s3;
	s6 =	smul.u32 $0xA00, s14  }
0x8: {  	s5 =	sadd.s32 $0xD200, s0;
	s4 =	sand.u32 $0x1, s4;
	s9 =	smul.u32 $0x50000, s14  }
0x9: {  	s11 =	sadd.s32 $0x5D200, s0;
	s26 =	sshll.u32 s14, $0x6;
	s14 =	simm.s32 $0x780  }
0xa: {  	_ =	strace $0x8000004A;
	s8 =	ssub.s32 $0x2, s4;
	[dreg:$0x5] =	wrdreg s11  }
0xb: {  	p0 =	seq.s32 s4, $0x1;
	[dreg:$0xc] =	wrdreg s26;
	s7 =	sadd.s32 s12, s0  }
0xc: {  	s10 =	sadd.s32 s6, s0;
	s20 =	sshrl.u32 s8, $0x1;
	s0 =	sadd.s32 $0x85200, s0  }
0xd: {  	s22 =	sshrl.u32 s9, $0x2;
	[dreg:$0x4] =	wrdreg s12;
	s24 =	sadd.s32 s5, s12  }
0xe: {  	s12 =	sadd.s32 s6, s1;
	s1 =	simm.s32 $0x600;
	s6 =	simm.s32 $0x680  }
0xf: {  	s9 =	simm.s32 $0x380;
	[dreg:$0x6] =	wrdreg s0;
	s21 =	ssub.s32 s8, s20  }
0x10: {  	s23 =	sadd.s32 s22, s2;
	[dreg:$0x7] =	wrdreg s24;
	s7 =	sadd.s32 $0x35200, s7  }
0x11: {  	s11 =	sadd.s32 $0x3200, s10;
	s25 =	sadd.s32 $0x500, s12;
	s15 =	sadd.s32 $0x3700, s10  }
0x12: {  	s20 =	simm.s32 $0x80;
	s22 =	simm.s32 $0x1;
	[dreg:$0xa] =	wrdreg s12  }
0x13: {  	s24 =	simm.s32 $0x2;
	s8 =	simm.s32 $0x300;
	[dreg:$0x8] =	wrdreg s7  }
.Ltmp0:
0x14: {  	s0 =	smax.u32 s21, $0x1;
	[dreg:$0xb] =	wrdreg s25;
	(pc) =	sbr.rel .LBB2_1-.Ltmp0, $4  }
0x15: {  	s16 =	sshrl.u32 s23, $0x3;
	s21 =	simm.s32 $0x800;
	s23 =	simm.s32 $0x4800  }
0x16: {  	s25 =	simm.s32 $0x100;
	s7 =	simm.s32 $0x700;
	[dreg:$0x9] =	wrdreg s0  }
0x17: {  	s13 =	smov.u32 s11;
	s0 =	sor.u32 $0x1C03, s26;
	[dreg:$0xe] =	wrdreg s16  }
0x18: {  	s26 =	simm.s32 $0x480;
	[dreg:$0xd] =	wrdreg s0;
	s0 =	simm.s32 $0x280  }
.LBB2_7:
0x19: {  	s10 =	sadd.s32 s4, s15;
	[sflag:s18] =	ssyncadd.s32 $0xFFFFC000  }
0x1a: {  	[tilespmem:s3], [sflag:$0x3] =	stream.linear.gather [hbm4b:s10+s3], $0x400, $0x38;
	[tilespmem:$0x1C800] =	vst v63  }
0x1b: {  	_ =	swait.ge [sflag:s18], $0x400  }
0x1c: {  	[sflag:s18] =	ssyncset.done $0x0  }
0x1d: {  	s17 =	sadd.s32 s4, s12;
	[sflag:s18] =	ssyncadd.s32 $0xFFFFFC00  }
0x1e: {  	[tilespmem:s19], [sflag:$0x3] =	stream.linear.gather [hbm4b:s17+s3], $0x400, $0x38;
	[tilespmem:$0x1C800] =	vst v63  }
0x1f: {  	_ =	swait.ge [sflag:s18], $0x400  }
0x20: {  	[sflag:s18] =	ssyncset.done $0x0  }
0x21: {  	[sflag:s18] =	ssyncadd.s32 $0xFFFFFC00  }
0x22: {  	[tilespmem:s21], [sflag:$0x1] =	stream.indirect.gather [hbm4b:s5+s20], $0x80, s3, s20, $0xb8;
	[tilespmem:$0x1C800] =	vst v63  }
0x23: {  	_ =	swait.ge [sflag:s22], $0x4000  }
0x24: {  	[sflag:s22] =	ssyncset.done $0x0  }
0x25: {  	[sflag:s22] =	ssyncadd.s32 $0xFFFFC000  }
0x26: {  	[tilespmem:s23], [sflag:$0x2] =	stream.indirect.gather [hbm4b:s5+s20], $0x80, s20, s20, $0xb8;
	[tilespmem:$0x1C800] =	vst v63  }
0x27: {  	_ = 	snop  }
0x28: {  	[spmem:s2] =	stream.indirect.scatter.add.f32 [tilespmem:s21], [sflag:$0x3], $0x80, s19, s20, $0xb8;
	[tilespmem:$0x1C800] =	vst v63  }
0x29: {  	_ =	swait.ge [sflag:s18], $0x4000  }
0x2a: {  	[sflag:s18] =	ssyncset.done $0x0  }
0x2b: {  	[sflag:s18] =	ssyncadd.s32 $0xFFFFC000  }
0x2c: {  	_ =	swait.ge [sflag:s24], $0x4000  }
0x2d: {  	[sflag:s24] =	ssyncset.done $0x0  }
0x2e: {  	[sflag:s24] =	ssyncadd.s32 $0xFFFFC000  }
0x2f: {  	[tilespmem:s21], [sflag:$0x1] =	stream.indirect.gather [hbm4b:s5+s20], $0x80, s25, s20, $0xb8;
	[tilespmem:$0x1C800] =	vst v63  }
0x30: {  	_ = 	snop  }
0x31: {  	[spmem:s2] =	stream.indirect.scatter.add.f32 [tilespmem:s23], [sflag:$0x3], $0x80, s26, s20, $0xb8;
	[tilespmem:$0x1C800] =	vst v63  }
0x32: {  	_ =	swait.ge [sflag:s18], $0x4000  }
0x33: {  	[sflag:s18] =	ssyncset.done $0x0  }
0x34: {  	[sflag:s18] =	ssyncadd.s32 $0xFFFFC000  }
0x35: {  	_ =	swait.ge [sflag:s22], $0x4000  }
0x36: {  	[sflag:s22] =	ssyncset.done $0x0  }
0x37: {  	[sflag:s22] =	ssyncadd.s32 $0xFFFFC000  }
0x38: {  	[tilespmem:s23], [sflag:$0x2] =	stream.indirect.gather [hbm4b:s5+s20], $0x80, s28, s20, $0xb8;
	[tilespmem:$0x1C800] =	vst v63  }
0x39: {  	_ = 	snop  }
0x3a: {  	[spmem:s2] =	stream.indirect.scatter.add.f32 [tilespmem:s21], [sflag:$0x3], $0x80, s29, s20, $0xb8;
	[tilespmem:$0x1C800] =	vst v63  }
0x3b: {  	_ =	swait.ge [sflag:s18], $0x4000  }
0x3c: {  	[sflag:s18] =	ssyncset.done $0x0  }
0x3d: {  	[sflag:s18] =	ssyncadd.s32 $0xFFFFC000  }
0x3e: {  	_ =	swait.ge [sflag:s24], $0x4000  }
0x3f: {  	[sflag:s24] =	ssyncset.done $0x0  }
0x40: {  	[sflag:s24] =	ssyncadd.s32 $0xFFFFC000  }
0x41: {  	[tilespmem:s21], [sflag:$0x1] =	stream.indirect.gather [hbm4b:s5+s20], $0x80, s30, s20, $0xb8;
	[tilespmem:$0x1C800] =	vst v63  }
0x42: {  	_ = 	snop  }
0x43: {  	[spmem:s2] =	stream.indirect.scatter.add.f32 [tilespmem:s23], [sflag:$0x3], $0x80, s31, s20, $0xb8;
	[tilespmem:$0x1C800] =	vst v63  }
0x44: {  	_ =	swait.ge [sflag:s18], $0x4000  }
0x45: {  	[sflag:s18] =	ssyncset.done $0x0  }
0x46: {  	[sflag:s18] =	ssyncadd.s32 $0xFFFFC000  }
0x47: {  	_ =	swait.ge [sflag:s22], $0x4000  }
0x48: {  	[sflag:s22] =	ssyncset.done $0x0  }
0x49: {  	[sflag:s22] =	ssyncadd.s32 $0xFFFFC000  }
0x4a: {  	[tilespmem:s23], [sflag:$0x2] =	stream.indirect.gather [hbm4b:s5+s20], $0x80, s0, s20, $0xb8;
	[tilespmem:$0x1C800] =	vst v63  }
0x4b: {  	_ = 	snop  }
0x4c: {  	[spmem:s2] =	stream.indirect.scatter.add.f32 [tilespmem:s21], [sflag:$0x3], $0x80, s1, s20, $0xb8;
	[tilespmem:$0x1C800] =	vst v63  }
0x4d: {  	_ =	swait.ge [sflag:s18], $0x4000  }
0x4e: {  	[sflag:s18] =	ssyncset.done $0x0  }
0x4f: {  	[sflag:s18] =	ssyncadd.s32 $0xFFFFC000  }
0x50: {  	_ =	swait.ge [sflag:s24], $0x4000  }
0x51: {  	[sflag:s24] =	ssyncset.done $0x0  }
0x52: {  	[sflag:s24] =	ssyncadd.s32 $0xFFFFC000  }
0x53: {  	[tilespmem:s21], [sflag:$0x1] =	stream.indirect.gather [hbm4b:s5+s20], $0x80, s8, s20, $0xb8;
	[tilespmem:$0x1C800] =	vst v63  }
0x54: {  	_ = 	snop  }
0x55: {  	[spmem:s2] =	stream.indirect.scatter.add.f32 [tilespmem:s23], [sflag:$0x3], $0x80, s6, s20, $0xb8;
	[tilespmem:$0x1C800] =	vst v63  }
0x56: {  	_ =	swait.ge [sflag:s18], $0x4000  }
0x57: {  	[sflag:s18] =	ssyncset.done $0x0  }
0x58: {  	[sflag:s18] =	ssyncadd.s32 $0xFFFFC000  }
0x59: {  	_ =	swait.ge [sflag:s22], $0x4000  }
0x5a: {  	[sflag:s22] =	ssyncset.done $0x0  }
0x5b: {  	[sflag:s22] =	ssyncadd.s32 $0xFFFFC000  }
0x5c: {  	[tilespmem:s23], [sflag:$0x2] =	stream.indirect.gather [hbm4b:s5+s20], $0x80, s9, s20, $0xb8;
	[tilespmem:$0x1C800] =	vst v63  }
0x5d: {  	_ = 	snop  }
0x5e: {  	[spmem:s2] =	stream.indirect.scatter.add.f32 [tilespmem:s21], [sflag:$0x3], $0x80, s7, s20, $0xb8;
	[tilespmem:$0x1C800] =	vst v63  }
0x5f: {  	_ =	swait.ge [sflag:s18], $0x4000  }
0x60: {  	[sflag:s18] =	ssyncset.done $0x0  }
0x61: {  	[sflag:s18] =	ssyncadd.s32 $0xFFFFC000  }
0x62: {  	_ =	swait.ge [sflag:s24], $0x4000  }
0x63: {  	[sflag:s24] =	ssyncset.done $0x0  }
0x64: {  	[sflag:s24] =	ssyncadd.s32 $0xFFFFC000  }
0x65: {  	[spmem:s2] =	stream.indirect.scatter.add.f32 [tilespmem:s23], [sflag:$0x3], $0x80, s14, s20, $0xb8;
	[tilespmem:$0x1C800] =	vst v63  }
0x66: {  	_ =	swait.ge [sflag:s18], $0x4000  }
0x67: {  	s4 =	rddreg [dreg:$0x6]  }
0x68: {  	[sflag:s18] =	ssyncset.done $0x0;
	s12 =	rddreg [dreg:$0xd]  }
0x69: {  	s11 =	smov.u32 s13;
	s17 =	rddreg [dreg:$0xf];
	[sflag:s18] =	ssyncadd.s32 $0xFFFFC000  }
.LBB2_8:
0x6a: {  	s10 =	rddreg [dreg:$0x4];
	[bflag:$0x0] =	sbarrier.arrive $0xFFFF  }
0x6b: {  	s4 =	sadd.s32 s4, s10;
	s16 =	rddreg [dreg:$0xe]  }
0x6c: {  	[hbm:s4], [sflag:s12] =	dma.local [spmem:s16], $0x2800  }
0x6d: {  	_ =	swait.ge [sflag:s18], $0x2800  }
0x6e: {  	s17 =	sadd.s32 $0x1, s17;
	s12 =	rddreg [dreg:$0x9]  }
0x6f: {  	p1 =	sne.s32 s17, s12  }
.Ltmp1:
0x70: {  	_ = 	snop;
	(pc) =	sbr.rel @!p1 .LBB2_9-.Ltmp1, $3  }
0x71: {  	_ =	sdelay $0x1  }
0x72: {  	[sflag:s18] =	ssyncset.done $0x0  }
0x73: {  	[sflag:s18] =	ssyncadd.s32 $0xFFFFD800;
	s12 =	rddreg [dreg:$0xa]  }
.LBB2_1:
.Ltmp2:
0x74: {  	(pc) =	sbr.rel @!p0 .LBB2_2-.Ltmp2, $2  }
0x75: {  	_ =	sdelay $0x2  }
0x76: {  	[dreg:$0xf] =	wrdreg s17  }
0x77: {  	s4 =	rddreg [dreg:$0x8]  }
0x78: {  	s10 =	rddreg [dreg:$0xd]  }
0x79: {  	[spmem:s16], [sflag:s10] =	dma.local [hbm:s4], $0x2800  }
0x7a: {  	_ =	swait.ge [sflag:s18], $0x2800  }
0x7b: {  	[sflag:s18] =	ssyncset.done $0x0  }
0x7c: {  	[sflag:s18] =	ssyncadd.s32 $0xFFFFD800  }
0x7d: {  	s16 =	sadd.s32 $0x0, s15;
	[bflag:$0x0] =	sbarrier.arrive $0xFFFF  }
0x7e: {  	[tilespmem:s3], [sflag:$0x3] =	stream.linear.gather [hbm4b:s16+s3], $0x400, $0x38;
	[tilespmem:$0x1C800] =	vst v63  }
0x7f: {  	_ =	swait.ge [sflag:s18], $0x400  }
0x80: {  	[sflag:s18] =	ssyncset.done $0x0;
	s12 =	rddreg [dreg:$0xb]  }
0x81: {  	[sflag:s18] =	ssyncadd.s32 $0xFFFFFC00;
	s17 =	sadd.s32 $0x0, s12  }
0x82: {  	[tilespmem:s19], [sflag:$0x3] =	stream.linear.gather [hbm4b:s17+s3], $0x400, $0x38;
	[tilespmem:$0x1C800] =	vst v63  }
0x83: {  	_ =	swait.ge [sflag:s18], $0x400  }
0x84: {  	[sflag:s18] =	ssyncset.done $0x0  }
0x85: {  	[sflag:s18] =	ssyncadd.s32 $0xFFFFFC00  }
0x86: {  	[tilespmem:s21], [sflag:$0x1] =	stream.indirect.gather [hbm4b:s5+s20], $0x80, s3, s20, $0xb8;
	[tilespmem:$0x1C800] =	vst v63  }
0x87: {  	_ =	swait.ge [sflag:s22], $0x4000  }
0x88: {  	[sflag:s22] =	ssyncset.done $0x0  }
0x89: {  	[sflag:s22] =	ssyncadd.s32 $0xFFFFC000  }
0x8a: {  	[tilespmem:s23], [sflag:$0x2] =	stream.indirect.gather [hbm4b:s5+s20], $0x80, s20, s20, $0xb8;
	[tilespmem:$0x1C800] =	vst v63  }
0x8b: {  	_ = 	snop  }
0x8c: {  	[spmem:s2] =	stream.indirect.scatter.add.f32 [tilespmem:s21], [sflag:$0x3], $0x80, s19, s20, $0xb8;
	[tilespmem:$0x1C800] =	vst v63  }
0x8d: {  	_ =	swait.ge [sflag:s18], $0x4000  }
0x8e: {  	[sflag:s18] =	ssyncset.done $0x0  }
0x8f: {  	[sflag:s18] =	ssyncadd.s32 $0xFFFFC000  }
0x90: {  	_ =	swait.ge [sflag:s24], $0x4000  }
0x91: {  	[sflag:s24] =	ssyncset.done $0x0  }
0x92: {  	[sflag:s24] =	ssyncadd.s32 $0xFFFFC000  }
0x93: {  	[tilespmem:s21], [sflag:$0x1] =	stream.indirect.gather [hbm4b:s5+s20], $0x80, s25, s20, $0xb8;
	[tilespmem:$0x1C800] =	vst v63  }
0x94: {  	_ = 	snop  }
0x95: {  	[spmem:s2] =	stream.indirect.scatter.add.f32 [tilespmem:s23], [sflag:$0x3], $0x80, s26, s20, $0xb8;
	[tilespmem:$0x1C800] =	vst v63  }
0x96: {  	_ =	swait.ge [sflag:s18], $0x4000  }
0x97: {  	[sflag:s18] =	ssyncset.done $0x0  }
0x98: {  	[sflag:s18] =	ssyncadd.s32 $0xFFFFC000  }
0x99: {  	_ =	swait.ge [sflag:s22], $0x4000  }
0x9a: {  	[sflag:s22] =	ssyncset.done $0x0  }
0x9b: {  	[sflag:s22] =	ssyncadd.s32 $0xFFFFC000  }
0x9c: {  	[tilespmem:s23], [sflag:$0x2] =	stream.indirect.gather [hbm4b:s5+s20], $0x80, s28, s20, $0xb8;
	[tilespmem:$0x1C800] =	vst v63  }
0x9d: {  	_ = 	snop  }
0x9e: {  	[spmem:s2] =	stream.indirect.scatter.add.f32 [tilespmem:s21], [sflag:$0x3], $0x80, s29, s20, $0xb8;
	[tilespmem:$0x1C800] =	vst v63  }
0x9f: {  	_ =	swait.ge [sflag:s18], $0x4000  }
0xa0: {  	[sflag:s18] =	ssyncset.done $0x0  }
0xa1: {  	[sflag:s18] =	ssyncadd.s32 $0xFFFFC000  }
0xa2: {  	_ =	swait.ge [sflag:s24], $0x4000  }
0xa3: {  	[sflag:s24] =	ssyncset.done $0x0  }
0xa4: {  	[sflag:s24] =	ssyncadd.s32 $0xFFFFC000  }
0xa5: {  	[tilespmem:s21], [sflag:$0x1] =	stream.indirect.gather [hbm4b:s5+s20], $0x80, s30, s20, $0xb8;
	[tilespmem:$0x1C800] =	vst v63  }
0xa6: {  	_ = 	snop  }
0xa7: {  	[spmem:s2] =	stream.indirect.scatter.add.f32 [tilespmem:s23], [sflag:$0x3], $0x80, s31, s20, $0xb8;
	[tilespmem:$0x1C800] =	vst v63  }
0xa8: {  	_ =	swait.ge [sflag:s18], $0x4000  }
0xa9: {  	[sflag:s18] =	ssyncset.done $0x0  }
0xaa: {  	[sflag:s18] =	ssyncadd.s32 $0xFFFFC000  }
0xab: {  	_ =	swait.ge [sflag:s22], $0x4000  }
0xac: {  	[sflag:s22] =	ssyncset.done $0x0  }
0xad: {  	[sflag:s22] =	ssyncadd.s32 $0xFFFFC000  }
0xae: {  	[tilespmem:s23], [sflag:$0x2] =	stream.indirect.gather [hbm4b:s5+s20], $0x80, s0, s20, $0xb8;
	[tilespmem:$0x1C800] =	vst v63  }
0xaf: {  	_ = 	snop  }
0xb0: {  	[spmem:s2] =	stream.indirect.scatter.add.f32 [tilespmem:s21], [sflag:$0x3], $0x80, s1, s20, $0xb8;
	[tilespmem:$0x1C800] =	vst v63  }
0xb1: {  	_ =	swait.ge [sflag:s18], $0x4000  }
0xb2: {  	[sflag:s18] =	ssyncset.done $0x0  }
0xb3: {  	[sflag:s18] =	ssyncadd.s32 $0xFFFFC000  }
0xb4: {  	_ =	swait.ge [sflag:s24], $0x4000  }
0xb5: {  	[sflag:s24] =	ssyncset.done $0x0  }
0xb6: {  	[sflag:s24] =	ssyncadd.s32 $0xFFFFC000  }
0xb7: {  	[tilespmem:s21], [sflag:$0x1] =	stream.indirect.gather [hbm4b:s5+s20], $0x80, s8, s20, $0xb8;
	[tilespmem:$0x1C800] =	vst v63  }
0xb8: {  	_ = 	snop  }
0xb9: {  	[spmem:s2] =	stream.indirect.scatter.add.f32 [tilespmem:s23], [sflag:$0x3], $0x80, s6, s20, $0xb8;
	[tilespmem:$0x1C800] =	vst v63  }
0xba: {  	_ =	swait.ge [sflag:s18], $0x4000  }
0xbb: {  	[sflag:s18] =	ssyncset.done $0x0  }
0xbc: {  	[sflag:s18] =	ssyncadd.s32 $0xFFFFC000  }
0xbd: {  	_ =	swait.ge [sflag:s22], $0x4000  }
0xbe: {  	[sflag:s22] =	ssyncset.done $0x0  }
0xbf: {  	[sflag:s22] =	ssyncadd.s32 $0xFFFFC000  }
0xc0: {  	[tilespmem:s23], [sflag:$0x2] =	stream.indirect.gather [hbm4b:s5+s20], $0x80, s9, s20, $0xb8;
	[tilespmem:$0x1C800] =	vst v63  }
0xc1: {  	_ = 	snop  }
0xc2: {  	[spmem:s2] =	stream.indirect.scatter.add.f32 [tilespmem:s21], [sflag:$0x3], $0x80, s7, s20, $0xb8;
	[tilespmem:$0x1C800] =	vst v63  }
0xc3: {  	_ =	swait.ge [sflag:s18], $0x4000  }
0xc4: {  	[sflag:s18] =	ssyncset.done $0x0  }
0xc5: {  	[sflag:s18] =	ssyncadd.s32 $0xFFFFC000  }
0xc6: {  	_ =	swait.ge [sflag:s24], $0x4000  }
0xc7: {  	[sflag:s24] =	ssyncset.done $0x0  }
0xc8: {  	[sflag:s24] =	ssyncadd.s32 $0xFFFFC000  }
0xc9: {  	[spmem:s2] =	stream.indirect.scatter.add.f32 [tilespmem:s23], [sflag:$0x3], $0x80, s14, s20, $0xb8;
	[tilespmem:$0x1C800] =	vst v63  }
0xca: {  	_ =	swait.ge [sflag:s18], $0x4000  }
0xcb: {  	s4 =	simm.s32 $0x80;
	s17 =	simm.s32 $0x100;
	[sflag:s18] =	ssyncset.done $0x0  }
.LBB2_6:
0xcc: {  	s10 =	sadd.s32 s4, s15  }
0xcd: {  	[sflag:s18] =	ssyncadd.s32 $0xFFFFC000;
	s11 =	smov.u32 s17;
	s16 =	sadd.s32 $0x80, s17  }
0xce: {  	[tilespmem:s3], [sflag:$0x3] =	stream.linear.gather [hbm4b:s10+s3], $0x400, $0x38;
	[tilespmem:$0x1C800] =	vst v63  }
0xcf: {  	p1 =	sne.s32 s17, $0x480;
	_ =	swait.ge [sflag:s18], $0x400  }
0xd0: {  	[sflag:s18] =	ssyncset.done $0x0  }
0xd1: {  	s10 =	sadd.s32 s4, s12;
	s4 =	smov.u32 s11;
	[sflag:s18] =	ssyncadd.s32 $0xFFFFFC00  }
0xd2: {  	[tilespmem:s19], [sflag:$0x3] =	stream.linear.gather [hbm4b:s10+s3], $0x400, $0x38;
	[tilespmem:$0x1C800] =	vst v63  }
0xd3: {  	_ =	swait.ge [sflag:s18], $0x400  }
0xd4: {  	[sflag:s18] =	ssyncset.done $0x0  }
0xd5: {  	[sflag:s18] =	ssyncadd.s32 $0xFFFFFC00  }
0xd6: {  	[tilespmem:s21], [sflag:$0x1] =	stream.indirect.gather [hbm4b:s5+s20], $0x80, s3, s20, $0xb8;
	[tilespmem:$0x1C800] =	vst v63  }
0xd7: {  	_ =	swait.ge [sflag:s22], $0x4000  }
0xd8: {  	[sflag:s22] =	ssyncset.done $0x0  }
0xd9: {  	[sflag:s22] =	ssyncadd.s32 $0xFFFFC000  }
0xda: {  	[tilespmem:s23], [sflag:$0x2] =	stream.indirect.gather [hbm4b:s5+s20], $0x80, s20, s20, $0xb8;
	[tilespmem:$0x1C800] =	vst v63  }
0xdb: {  	_ = 	snop  }
0xdc: {  	[spmem:s2] =	stream.indirect.scatter.add.f32 [tilespmem:s21], [sflag:$0x3], $0x80, s19, s20, $0xb8;
	[tilespmem:$0x1C800] =	vst v63  }
0xdd: {  	_ =	swait.ge [sflag:s18], $0x4000  }
0xde: {  	[sflag:s18] =	ssyncset.done $0x0  }
0xdf: {  	[sflag:s18] =	ssyncadd.s32 $0xFFFFC000  }
0xe0: {  	_ =	swait.ge [sflag:s24], $0x4000  }
0xe1: {  	[sflag:s24] =	ssyncset.done $0x0  }
0xe2: {  	[sflag:s24] =	ssyncadd.s32 $0xFFFFC000  }
0xe3: {  	[tilespmem:s21], [sflag:$0x1] =	stream.indirect.gather [hbm4b:s5+s20], $0x80, s25, s20, $0xb8;
	[tilespmem:$0x1C800] =	vst v63  }
0xe4: {  	_ = 	snop  }
0xe5: {  	[spmem:s2] =	stream.indirect.scatter.add.f32 [tilespmem:s23], [sflag:$0x3], $0x80, s26, s20, $0xb8;
	[tilespmem:$0x1C800] =	vst v63  }
0xe6: {  	_ =	swait.ge [sflag:s18], $0x4000  }
0xe7: {  	[sflag:s18] =	ssyncset.done $0x0  }
0xe8: {  	[sflag:s18] =	ssyncadd.s32 $0xFFFFC000  }
0xe9: {  	_ =	swait.ge [sflag:s22], $0x4000  }
0xea: {  	[sflag:s22] =	ssyncset.done $0x0  }
0xeb: {  	[sflag:s22] =	ssyncadd.s32 $0xFFFFC000  }
0xec: {  	[tilespmem:s23], [sflag:$0x2] =	stream.indirect.gather [hbm4b:s5+s20], $0x80, s28, s20, $0xb8;
	[tilespmem:$0x1C800] =	vst v63  }
0xed: {  	_ = 	snop  }
0xee: {  	[spmem:s2] =	stream.indirect.scatter.add.f32 [tilespmem:s21], [sflag:$0x3], $0x80, s29, s20, $0xb8;
	[tilespmem:$0x1C800] =	vst v63  }
0xef: {  	_ =	swait.ge [sflag:s18], $0x4000  }
0xf0: {  	[sflag:s18] =	ssyncset.done $0x0  }
0xf1: {  	[sflag:s18] =	ssyncadd.s32 $0xFFFFC000  }
0xf2: {  	_ =	swait.ge [sflag:s24], $0x4000  }
0xf3: {  	[sflag:s24] =	ssyncset.done $0x0  }
0xf4: {  	[sflag:s24] =	ssyncadd.s32 $0xFFFFC000  }
0xf5: {  	[tilespmem:s21], [sflag:$0x1] =	stream.indirect.gather [hbm4b:s5+s20], $0x80, s30, s20, $0xb8;
	[tilespmem:$0x1C800] =	vst v63  }
0xf6: {  	_ = 	snop  }
0xf7: {  	[spmem:s2] =	stream.indirect.scatter.add.f32 [tilespmem:s23], [sflag:$0x3], $0x80, s31, s20, $0xb8;
	[tilespmem:$0x1C800] =	vst v63  }
0xf8: {  	_ =	swait.ge [sflag:s18], $0x4000  }
0xf9: {  	[sflag:s18] =	ssyncset.done $0x0  }
0xfa: {  	[sflag:s18] =	ssyncadd.s32 $0xFFFFC000  }
0xfb: {  	_ =	swait.ge [sflag:s22], $0x4000  }
0xfc: {  	[sflag:s22] =	ssyncset.done $0x0  }
0xfd: {  	[sflag:s22] =	ssyncadd.s32 $0xFFFFC000  }
0xfe: {  	[tilespmem:s23], [sflag:$0x2] =	stream.indirect.gather [hbm4b:s5+s20], $0x80, s0, s20, $0xb8;
	[tilespmem:$0x1C800] =	vst v63  }
0xff: {  	_ = 	snop  }
0x100: {  	[spmem:s2] =	stream.indirect.scatter.add.f32 [tilespmem:s21], [sflag:$0x3], $0x80, s1, s20, $0xb8;
	[tilespmem:$0x1C800] =	vst v63  }
0x101: {  	_ =	swait.ge [sflag:s18], $0x4000  }
0x102: {  	[sflag:s18] =	ssyncset.done $0x0  }
0x103: {  	[sflag:s18] =	ssyncadd.s32 $0xFFFFC000  }
0x104: {  	_ =	swait.ge [sflag:s24], $0x4000  }
0x105: {  	[sflag:s24] =	ssyncset.done $0x0  }
0x106: {  	[sflag:s24] =	ssyncadd.s32 $0xFFFFC000  }
0x107: {  	[tilespmem:s21], [sflag:$0x1] =	stream.indirect.gather [hbm4b:s5+s20], $0x80, s8, s20, $0xb8;
	[tilespmem:$0x1C800] =	vst v63  }
0x108: {  	_ = 	snop  }
0x109: {  	[spmem:s2] =	stream.indirect.scatter.add.f32 [tilespmem:s23], [sflag:$0x3], $0x80, s6, s20, $0xb8;
	[tilespmem:$0x1C800] =	vst v63  }
0x10a: {  	_ =	swait.ge [sflag:s18], $0x4000  }
0x10b: {  	[sflag:s18] =	ssyncset.done $0x0  }
0x10c: {  	[sflag:s18] =	ssyncadd.s32 $0xFFFFC000  }
0x10d: {  	_ =	swait.ge [sflag:s22], $0x4000  }
0x10e: {  	[sflag:s22] =	ssyncset.done $0x0  }
0x10f: {  	[sflag:s22] =	ssyncadd.s32 $0xFFFFC000  }
0x110: {  	[tilespmem:s23], [sflag:$0x2] =	stream.indirect.gather [hbm4b:s5+s20], $0x80, s9, s20, $0xb8;
	[tilespmem:$0x1C800] =	vst v63  }
0x111: {  	_ = 	snop  }
0x112: {  	[spmem:s2] =	stream.indirect.scatter.add.f32 [tilespmem:s21], [sflag:$0x3], $0x80, s7, s20, $0xb8;
	[tilespmem:$0x1C800] =	vst v63  }
0x113: {  	_ =	swait.ge [sflag:s18], $0x4000  }
0x114: {  	[sflag:s18] =	ssyncset.done $0x0  }
0x115: {  	[sflag:s18] =	ssyncadd.s32 $0xFFFFC000  }
0x116: {  	_ =	swait.ge [sflag:s24], $0x4000  }
.Ltmp3:
0x117: {  	[sflag:s24] =	ssyncset.done $0x0;
	(pc) =	sbr.rel @p1 .LBB2_6-.Ltmp3, $4  }
0x118: {  	[sflag:s24] =	ssyncadd.s32 $0xFFFFC000  }
0x119: {  	[spmem:s2] =	stream.indirect.scatter.add.f32 [tilespmem:s23], [sflag:$0x3], $0x80, s14, s20, $0xb8;
	[tilespmem:$0x1C800] =	vst v63  }
0x11a: {  	_ =	swait.ge [sflag:s18], $0x4000  }
0x11b: {  	s17 =	smov.u32 s16;
	[sflag:s18] =	ssyncset.done $0x0  }
.Ltmp4:
0x11c: {  	_ = 	snop;
	(pc) =	sbr.rel .LBB2_7-.Ltmp4, $1  }
0x11d: {  	_ =	sdelay $0x3  }
.LBB2_2:
0x11e: {  	s4 =	rddreg [dreg:$0xc]  }
0x11f: {  	s17 =	rddreg [dreg:$0x7];
	s10 =	sor.u32 $0x1C03, s4  }
0x120: {  	[dreg:$0x10] =	wrdreg s10  }
0x121: {  	[spmem:s16], [sflag:s10] =	dma.local [hbm:s17], $0x2800  }
0x122: {  	_ =	swait.ge [sflag:s18], $0x2800  }
0x123: {  	[sflag:s18] =	ssyncset.done $0x0  }
0x124: {  	[sflag:s18] =	ssyncadd.s32 $0xFFFFD800  }
0x125: {  	s16 =	sadd.s32 $0x0, s11;
	[bflag:$0x0] =	sbarrier.arrive $0xFFFF  }
0x126: {  	[tilespmem:s3], [sflag:$0x3] =	stream.linear.gather [hbm4b:s16+s3], $0x400, $0x38;
	[tilespmem:$0x1C800] =	vst v63  }
0x127: {  	_ =	swait.ge [sflag:s18], $0x400  }
0x128: {  	[sflag:s18] =	ssyncset.done $0x0  }
0x129: {  	s17 =	sadd.s32 $0x0, s12;
	[sflag:s18] =	ssyncadd.s32 $0xFFFFFC00  }
0x12a: {  	[tilespmem:s19], [sflag:$0x3] =	stream.linear.gather [hbm4b:s17+s3], $0x400, $0x38;
	[tilespmem:$0x1C800] =	vst v63  }
0x12b: {  	_ =	swait.ge [sflag:s18], $0x400  }
0x12c: {  	[sflag:s18] =	ssyncset.done $0x0  }
0x12d: {  	[sflag:s18] =	ssyncadd.s32 $0xFFFFFC00  }
0x12e: {  	[tilespmem:s21], [sflag:$0x1] =	stream.indirect.gather [hbm4b:s5+s20], $0x80, s3, s20, $0xb8;
	[tilespmem:$0x1C800] =	vst v63  }
0x12f: {  	_ =	swait.ge [sflag:s22], $0x4000  }
0x130: {  	[sflag:s22] =	ssyncset.done $0x0  }
0x131: {  	[sflag:s22] =	ssyncadd.s32 $0xFFFFC000  }
0x132: {  	[tilespmem:s23], [sflag:$0x2] =	stream.indirect.gather [hbm4b:s5+s20], $0x80, s20, s20, $0xb8;
	[tilespmem:$0x1C800] =	vst v63  }
0x133: {  	_ = 	snop  }
0x134: {  	[spmem:s2] =	stream.indirect.scatter.add.f32 [tilespmem:s21], [sflag:$0x3], $0x80, s19, s20, $0xb8;
	[tilespmem:$0x1C800] =	vst v63  }
0x135: {  	_ =	swait.ge [sflag:s18], $0x4000  }
0x136: {  	[sflag:s18] =	ssyncset.done $0x0  }
0x137: {  	[sflag:s18] =	ssyncadd.s32 $0xFFFFC000  }
0x138: {  	_ =	swait.ge [sflag:s24], $0x4000  }
0x139: {  	[sflag:s24] =	ssyncset.done $0x0  }
0x13a: {  	[sflag:s24] =	ssyncadd.s32 $0xFFFFC000  }
0x13b: {  	[tilespmem:s21], [sflag:$0x1] =	stream.indirect.gather [hbm4b:s5+s20], $0x80, s25, s20, $0xb8;
	[tilespmem:$0x1C800] =	vst v63  }
0x13c: {  	_ = 	snop  }
0x13d: {  	[spmem:s2] =	stream.indirect.scatter.add.f32 [tilespmem:s23], [sflag:$0x3], $0x80, s26, s20, $0xb8;
	[tilespmem:$0x1C800] =	vst v63  }
0x13e: {  	_ =	swait.ge [sflag:s18], $0x4000  }
0x13f: {  	[sflag:s18] =	ssyncset.done $0x0  }
0x140: {  	[sflag:s18] =	ssyncadd.s32 $0xFFFFC000  }
0x141: {  	_ =	swait.ge [sflag:s22], $0x4000  }
0x142: {  	[sflag:s22] =	ssyncset.done $0x0  }
0x143: {  	[sflag:s22] =	ssyncadd.s32 $0xFFFFC000  }
0x144: {  	[tilespmem:s23], [sflag:$0x2] =	stream.indirect.gather [hbm4b:s5+s20], $0x80, s28, s20, $0xb8;
	[tilespmem:$0x1C800] =	vst v63  }
0x145: {  	_ = 	snop  }
0x146: {  	[spmem:s2] =	stream.indirect.scatter.add.f32 [tilespmem:s21], [sflag:$0x3], $0x80, s29, s20, $0xb8;
	[tilespmem:$0x1C800] =	vst v63  }
0x147: {  	_ =	swait.ge [sflag:s18], $0x4000  }
0x148: {  	[sflag:s18] =	ssyncset.done $0x0  }
0x149: {  	[sflag:s18] =	ssyncadd.s32 $0xFFFFC000  }
0x14a: {  	_ =	swait.ge [sflag:s24], $0x4000  }
0x14b: {  	[sflag:s24] =	ssyncset.done $0x0  }
0x14c: {  	[sflag:s24] =	ssyncadd.s32 $0xFFFFC000  }
0x14d: {  	[tilespmem:s21], [sflag:$0x1] =	stream.indirect.gather [hbm4b:s5+s20], $0x80, s30, s20, $0xb8;
	[tilespmem:$0x1C800] =	vst v63  }
0x14e: {  	_ = 	snop  }
0x14f: {  	[spmem:s2] =	stream.indirect.scatter.add.f32 [tilespmem:s23], [sflag:$0x3], $0x80, s31, s20, $0xb8;
	[tilespmem:$0x1C800] =	vst v63  }
0x150: {  	_ =	swait.ge [sflag:s18], $0x4000  }
0x151: {  	[sflag:s18] =	ssyncset.done $0x0  }
0x152: {  	[sflag:s18] =	ssyncadd.s32 $0xFFFFC000  }
0x153: {  	_ =	swait.ge [sflag:s22], $0x4000  }
0x154: {  	[sflag:s22] =	ssyncset.done $0x0  }
0x155: {  	[sflag:s22] =	ssyncadd.s32 $0xFFFFC000  }
0x156: {  	[tilespmem:s23], [sflag:$0x2] =	stream.indirect.gather [hbm4b:s5+s20], $0x80, s0, s20, $0xb8;
	[tilespmem:$0x1C800] =	vst v63  }
0x157: {  	_ = 	snop  }
0x158: {  	[spmem:s2] =	stream.indirect.scatter.add.f32 [tilespmem:s21], [sflag:$0x3], $0x80, s1, s20, $0xb8;
	[tilespmem:$0x1C800] =	vst v63  }
0x159: {  	_ =	swait.ge [sflag:s18], $0x4000  }
0x15a: {  	[sflag:s18] =	ssyncset.done $0x0  }
0x15b: {  	[sflag:s18] =	ssyncadd.s32 $0xFFFFC000  }
0x15c: {  	_ =	swait.ge [sflag:s24], $0x4000  }
0x15d: {  	[sflag:s24] =	ssyncset.done $0x0  }
0x15e: {  	[sflag:s24] =	ssyncadd.s32 $0xFFFFC000  }
0x15f: {  	[tilespmem:s21], [sflag:$0x1] =	stream.indirect.gather [hbm4b:s5+s20], $0x80, s8, s20, $0xb8;
	[tilespmem:$0x1C800] =	vst v63  }
0x160: {  	_ = 	snop  }
0x161: {  	[spmem:s2] =	stream.indirect.scatter.add.f32 [tilespmem:s23], [sflag:$0x3], $0x80, s6, s20, $0xb8;
	[tilespmem:$0x1C800] =	vst v63  }
0x162: {  	_ =	swait.ge [sflag:s18], $0x4000  }
0x163: {  	[sflag:s18] =	ssyncset.done $0x0  }
0x164: {  	[sflag:s18] =	ssyncadd.s32 $0xFFFFC000  }
0x165: {  	_ =	swait.ge [sflag:s22], $0x4000  }
0x166: {  	[sflag:s22] =	ssyncset.done $0x0  }
0x167: {  	[sflag:s22] =	ssyncadd.s32 $0xFFFFC000  }
0x168: {  	[tilespmem:s23], [sflag:$0x2] =	stream.indirect.gather [hbm4b:s5+s20], $0x80, s9, s20, $0xb8;
	[tilespmem:$0x1C800] =	vst v63  }
0x169: {  	_ = 	snop  }
0x16a: {  	[spmem:s2] =	stream.indirect.scatter.add.f32 [tilespmem:s21], [sflag:$0x3], $0x80, s7, s20, $0xb8;
	[tilespmem:$0x1C800] =	vst v63  }
0x16b: {  	_ =	swait.ge [sflag:s18], $0x4000  }
0x16c: {  	[sflag:s18] =	ssyncset.done $0x0  }
0x16d: {  	[sflag:s18] =	ssyncadd.s32 $0xFFFFC000  }
0x16e: {  	_ =	swait.ge [sflag:s24], $0x4000  }
0x16f: {  	[sflag:s24] =	ssyncset.done $0x0  }
0x170: {  	[sflag:s24] =	ssyncadd.s32 $0xFFFFC000  }
0x171: {  	[spmem:s2] =	stream.indirect.scatter.add.f32 [tilespmem:s23], [sflag:$0x3], $0x80, s14, s20, $0xb8;
	[tilespmem:$0x1C800] =	vst v63  }
0x172: {  	_ =	swait.ge [sflag:s18], $0x4000  }
0x173: {  	s4 =	simm.s32 $0x80;
	s17 =	simm.s32 $0x100;
	[sflag:s18] =	ssyncset.done $0x0  }
.LBB2_3:
0x174: {  	s10 =	sadd.s32 s4, s11  }
0x175: {  	[sflag:s18] =	ssyncadd.s32 $0xFFFFC000;
	s11 =	smov.u32 s17;
	s16 =	sadd.s32 $0x80, s17  }
0x176: {  	[tilespmem:s3], [sflag:$0x3] =	stream.linear.gather [hbm4b:s10+s3], $0x400, $0x38;
	[tilespmem:$0x1C800] =	vst v63  }
0x177: {  	p1 =	seq.s32 s17, $0x480;
	_ =	swait.ge [sflag:s18], $0x400  }
0x178: {  	s10 =	sadd.s32 s4, s12;
	[sflag:s18] =	ssyncset.done $0x0  }
0x179: {  	s4 =	smov.u32 s11;
	s11 =	smov.u32 s13;
	[sflag:s18] =	ssyncadd.s32 $0xFFFFFC00  }
0x17a: {  	[tilespmem:s19], [sflag:$0x3] =	stream.linear.gather [hbm4b:s10+s3], $0x400, $0x38;
	[tilespmem:$0x1C800] =	vst v63  }
0x17b: {  	_ =	swait.ge [sflag:s18], $0x400  }
0x17c: {  	[sflag:s18] =	ssyncset.done $0x0  }
0x17d: {  	[sflag:s18] =	ssyncadd.s32 $0xFFFFFC00  }
0x17e: {  	[tilespmem:s21], [sflag:$0x1] =	stream.indirect.gather [hbm4b:s5+s20], $0x80, s3, s20, $0xb8;
	[tilespmem:$0x1C800] =	vst v63  }
0x17f: {  	_ =	swait.ge [sflag:s22], $0x4000  }
0x180: {  	[sflag:s22] =	ssyncset.done $0x0  }
0x181: {  	[sflag:s22] =	ssyncadd.s32 $0xFFFFC000  }
0x182: {  	[tilespmem:s23], [sflag:$0x2] =	stream.indirect.gather [hbm4b:s5+s20], $0x80, s20, s20, $0xb8;
	[tilespmem:$0x1C800] =	vst v63  }
0x183: {  	_ = 	snop  }
0x184: {  	[spmem:s2] =	stream.indirect.scatter.add.f32 [tilespmem:s21], [sflag:$0x3], $0x80, s19, s20, $0xb8;
	[tilespmem:$0x1C800] =	vst v63  }
0x185: {  	_ =	swait.ge [sflag:s18], $0x4000  }
0x186: {  	[sflag:s18] =	ssyncset.done $0x0  }
0x187: {  	[sflag:s18] =	ssyncadd.s32 $0xFFFFC000  }
0x188: {  	_ =	swait.ge [sflag:s24], $0x4000  }
0x189: {  	[sflag:s24] =	ssyncset.done $0x0  }
0x18a: {  	[sflag:s24] =	ssyncadd.s32 $0xFFFFC000  }
0x18b: {  	[tilespmem:s21], [sflag:$0x1] =	stream.indirect.gather [hbm4b:s5+s20], $0x80, s25, s20, $0xb8;
	[tilespmem:$0x1C800] =	vst v63  }
0x18c: {  	_ = 	snop  }
0x18d: {  	[spmem:s2] =	stream.indirect.scatter.add.f32 [tilespmem:s23], [sflag:$0x3], $0x80, s26, s20, $0xb8;
	[tilespmem:$0x1C800] =	vst v63  }
0x18e: {  	_ =	swait.ge [sflag:s18], $0x4000  }
0x18f: {  	[sflag:s18] =	ssyncset.done $0x0  }
0x190: {  	[sflag:s18] =	ssyncadd.s32 $0xFFFFC000  }
0x191: {  	_ =	swait.ge [sflag:s22], $0x4000  }
0x192: {  	[sflag:s22] =	ssyncset.done $0x0  }
0x193: {  	[sflag:s22] =	ssyncadd.s32 $0xFFFFC000  }
0x194: {  	[tilespmem:s23], [sflag:$0x2] =	stream.indirect.gather [hbm4b:s5+s20], $0x80, s28, s20, $0xb8;
	[tilespmem:$0x1C800] =	vst v63  }
0x195: {  	_ = 	snop  }
0x196: {  	[spmem:s2] =	stream.indirect.scatter.add.f32 [tilespmem:s21], [sflag:$0x3], $0x80, s29, s20, $0xb8;
	[tilespmem:$0x1C800] =	vst v63  }
0x197: {  	_ =	swait.ge [sflag:s18], $0x4000  }
0x198: {  	[sflag:s18] =	ssyncset.done $0x0  }
0x199: {  	[sflag:s18] =	ssyncadd.s32 $0xFFFFC000  }
0x19a: {  	_ =	swait.ge [sflag:s24], $0x4000  }
0x19b: {  	[sflag:s24] =	ssyncset.done $0x0  }
0x19c: {  	[sflag:s24] =	ssyncadd.s32 $0xFFFFC000  }
0x19d: {  	[tilespmem:s21], [sflag:$0x1] =	stream.indirect.gather [hbm4b:s5+s20], $0x80, s30, s20, $0xb8;
	[tilespmem:$0x1C800] =	vst v63  }
0x19e: {  	_ = 	snop  }
0x19f: {  	[spmem:s2] =	stream.indirect.scatter.add.f32 [tilespmem:s23], [sflag:$0x3], $0x80, s31, s20, $0xb8;
	[tilespmem:$0x1C800] =	vst v63  }
0x1a0: {  	_ =	swait.ge [sflag:s18], $0x4000  }
0x1a1: {  	[sflag:s18] =	ssyncset.done $0x0  }
0x1a2: {  	[sflag:s18] =	ssyncadd.s32 $0xFFFFC000  }
0x1a3: {  	_ =	swait.ge [sflag:s22], $0x4000  }
0x1a4: {  	[sflag:s22] =	ssyncset.done $0x0  }
0x1a5: {  	[sflag:s22] =	ssyncadd.s32 $0xFFFFC000  }
0x1a6: {  	[tilespmem:s23], [sflag:$0x2] =	stream.indirect.gather [hbm4b:s5+s20], $0x80, s0, s20, $0xb8;
	[tilespmem:$0x1C800] =	vst v63  }
0x1a7: {  	_ = 	snop  }
0x1a8: {  	[spmem:s2] =	stream.indirect.scatter.add.f32 [tilespmem:s21], [sflag:$0x3], $0x80, s1, s20, $0xb8;
	[tilespmem:$0x1C800] =	vst v63  }
0x1a9: {  	_ =	swait.ge [sflag:s18], $0x4000  }
0x1aa: {  	[sflag:s18] =	ssyncset.done $0x0  }
0x1ab: {  	[sflag:s18] =	ssyncadd.s32 $0xFFFFC000  }
0x1ac: {  	_ =	swait.ge [sflag:s24], $0x4000  }
0x1ad: {  	[sflag:s24] =	ssyncset.done $0x0  }
0x1ae: {  	[sflag:s24] =	ssyncadd.s32 $0xFFFFC000  }
0x1af: {  	[tilespmem:s21], [sflag:$0x1] =	stream.indirect.gather [hbm4b:s5+s20], $0x80, s8, s20, $0xb8;
	[tilespmem:$0x1C800] =	vst v63  }
0x1b0: {  	_ = 	snop  }
0x1b1: {  	[spmem:s2] =	stream.indirect.scatter.add.f32 [tilespmem:s23], [sflag:$0x3], $0x80, s6, s20, $0xb8;
	[tilespmem:$0x1C800] =	vst v63  }
0x1b2: {  	_ =	swait.ge [sflag:s18], $0x4000  }
0x1b3: {  	[sflag:s18] =	ssyncset.done $0x0  }
0x1b4: {  	[sflag:s18] =	ssyncadd.s32 $0xFFFFC000  }
0x1b5: {  	_ =	swait.ge [sflag:s22], $0x4000  }
0x1b6: {  	[sflag:s22] =	ssyncset.done $0x0  }
0x1b7: {  	[sflag:s22] =	ssyncadd.s32 $0xFFFFC000  }
0x1b8: {  	[tilespmem:s23], [sflag:$0x2] =	stream.indirect.gather [hbm4b:s5+s20], $0x80, s9, s20, $0xb8;
	[tilespmem:$0x1C800] =	vst v63  }
0x1b9: {  	_ = 	snop  }
0x1ba: {  	[spmem:s2] =	stream.indirect.scatter.add.f32 [tilespmem:s21], [sflag:$0x3], $0x80, s7, s20, $0xb8;
	[tilespmem:$0x1C800] =	vst v63  }
0x1bb: {  	_ =	swait.ge [sflag:s18], $0x4000  }
0x1bc: {  	[sflag:s18] =	ssyncset.done $0x0  }
0x1bd: {  	[sflag:s18] =	ssyncadd.s32 $0xFFFFC000  }
0x1be: {  	_ =	swait.ge [sflag:s24], $0x4000  }
.Ltmp5:
0x1bf: {  	[sflag:s24] =	ssyncset.done $0x0;
	(pc) =	sbr.rel @!p1 .LBB2_3-.Ltmp5, $4  }
0x1c0: {  	[sflag:s24] =	ssyncadd.s32 $0xFFFFC000  }
0x1c1: {  	[spmem:s2] =	stream.indirect.scatter.add.f32 [tilespmem:s23], [sflag:$0x3], $0x80, s14, s20, $0xb8;
	[tilespmem:$0x1C800] =	vst v63  }
0x1c2: {  	_ =	swait.ge [sflag:s18], $0x4000  }
0x1c3: {  	s17 =	smov.u32 s16;
	[sflag:s18] =	ssyncset.done $0x0  }
0x1c4: {  	s10 =	sadd.s32 s4, s11;
	[sflag:s18] =	ssyncadd.s32 $0xFFFFC000  }
0x1c5: {  	[tilespmem:s3], [sflag:$0x3] =	stream.linear.gather [hbm4b:s10+s3], $0x400, $0x38;
	[tilespmem:$0x1C800] =	vst v63  }
0x1c6: {  	_ =	swait.ge [sflag:s18], $0x400  }
0x1c7: {  	[sflag:s18] =	ssyncset.done $0x0  }
0x1c8: {  	s17 =	sadd.s32 s4, s12;
	[sflag:s18] =	ssyncadd.s32 $0xFFFFFC00  }
0x1c9: {  	[tilespmem:s19], [sflag:$0x3] =	stream.linear.gather [hbm4b:s17+s3], $0x400, $0x38;
	[tilespmem:$0x1C800] =	vst v63  }
0x1ca: {  	_ =	swait.ge [sflag:s18], $0x400  }
0x1cb: {  	[sflag:s18] =	ssyncset.done $0x0  }
0x1cc: {  	[sflag:s18] =	ssyncadd.s32 $0xFFFFFC00  }
0x1cd: {  	[tilespmem:s21], [sflag:$0x1] =	stream.indirect.gather [hbm4b:s5+s20], $0x80, s3, s20, $0xb8;
	[tilespmem:$0x1C800] =	vst v63  }
0x1ce: {  	_ =	swait.ge [sflag:s22], $0x4000  }
0x1cf: {  	[sflag:s22] =	ssyncset.done $0x0  }
0x1d0: {  	[sflag:s22] =	ssyncadd.s32 $0xFFFFC000  }
0x1d1: {  	[tilespmem:s23], [sflag:$0x2] =	stream.indirect.gather [hbm4b:s5+s20], $0x80, s20, s20, $0xb8;
	[tilespmem:$0x1C800] =	vst v63  }
0x1d2: {  	_ = 	snop  }
0x1d3: {  	[spmem:s2] =	stream.indirect.scatter.add.f32 [tilespmem:s21], [sflag:$0x3], $0x80, s19, s20, $0xb8;
	[tilespmem:$0x1C800] =	vst v63  }
0x1d4: {  	_ =	swait.ge [sflag:s18], $0x4000  }
0x1d5: {  	[sflag:s18] =	ssyncset.done $0x0  }
0x1d6: {  	[sflag:s18] =	ssyncadd.s32 $0xFFFFC000  }
0x1d7: {  	_ =	swait.ge [sflag:s24], $0x4000  }
0x1d8: {  	[sflag:s24] =	ssyncset.done $0x0  }
0x1d9: {  	[sflag:s24] =	ssyncadd.s32 $0xFFFFC000  }
0x1da: {  	[tilespmem:s21], [sflag:$0x1] =	stream.indirect.gather [hbm4b:s5+s20], $0x80, s25, s20, $0xb8;
	[tilespmem:$0x1C800] =	vst v63  }
0x1db: {  	_ = 	snop  }
0x1dc: {  	[spmem:s2] =	stream.indirect.scatter.add.f32 [tilespmem:s23], [sflag:$0x3], $0x80, s26, s20, $0xb8;
	[tilespmem:$0x1C800] =	vst v63  }
0x1dd: {  	_ =	swait.ge [sflag:s18], $0x4000  }
0x1de: {  	[sflag:s18] =	ssyncset.done $0x0  }
0x1df: {  	[sflag:s18] =	ssyncadd.s32 $0xFFFFC000  }
0x1e0: {  	_ =	swait.ge [sflag:s22], $0x4000  }
0x1e1: {  	[sflag:s22] =	ssyncset.done $0x0  }
0x1e2: {  	[sflag:s22] =	ssyncadd.s32 $0xFFFFC000  }
0x1e3: {  	[tilespmem:s23], [sflag:$0x2] =	stream.indirect.gather [hbm4b:s5+s20], $0x80, s28, s20, $0xb8;
	[tilespmem:$0x1C800] =	vst v63  }
0x1e4: {  	_ = 	snop  }
0x1e5: {  	[spmem:s2] =	stream.indirect.scatter.add.f32 [tilespmem:s21], [sflag:$0x3], $0x80, s29, s20, $0xb8;
	[tilespmem:$0x1C800] =	vst v63  }
0x1e6: {  	_ =	swait.ge [sflag:s18], $0x4000  }
0x1e7: {  	[sflag:s18] =	ssyncset.done $0x0  }
0x1e8: {  	[sflag:s18] =	ssyncadd.s32 $0xFFFFC000  }
0x1e9: {  	_ =	swait.ge [sflag:s24], $0x4000  }
0x1ea: {  	[sflag:s24] =	ssyncset.done $0x0  }
0x1eb: {  	[sflag:s24] =	ssyncadd.s32 $0xFFFFC000  }
0x1ec: {  	[tilespmem:s21], [sflag:$0x1] =	stream.indirect.gather [hbm4b:s5+s20], $0x80, s30, s20, $0xb8;
	[tilespmem:$0x1C800] =	vst v63  }
0x1ed: {  	_ = 	snop  }
0x1ee: {  	[spmem:s2] =	stream.indirect.scatter.add.f32 [tilespmem:s23], [sflag:$0x3], $0x80, s31, s20, $0xb8;
	[tilespmem:$0x1C800] =	vst v63  }
0x1ef: {  	_ =	swait.ge [sflag:s18], $0x4000  }
0x1f0: {  	[sflag:s18] =	ssyncset.done $0x0  }
0x1f1: {  	[sflag:s18] =	ssyncadd.s32 $0xFFFFC000  }
0x1f2: {  	_ =	swait.ge [sflag:s22], $0x4000  }
0x1f3: {  	[sflag:s22] =	ssyncset.done $0x0  }
0x1f4: {  	[sflag:s22] =	ssyncadd.s32 $0xFFFFC000  }
0x1f5: {  	[tilespmem:s23], [sflag:$0x2] =	stream.indirect.gather [hbm4b:s5+s20], $0x80, s0, s20, $0xb8;
	[tilespmem:$0x1C800] =	vst v63  }
0x1f6: {  	_ = 	snop  }
0x1f7: {  	[spmem:s2] =	stream.indirect.scatter.add.f32 [tilespmem:s21], [sflag:$0x3], $0x80, s1, s20, $0xb8;
	[tilespmem:$0x1C800] =	vst v63  }
0x1f8: {  	_ =	swait.ge [sflag:s18], $0x4000  }
0x1f9: {  	[sflag:s18] =	ssyncset.done $0x0  }
0x1fa: {  	[sflag:s18] =	ssyncadd.s32 $0xFFFFC000  }
0x1fb: {  	_ =	swait.ge [sflag:s24], $0x4000  }
0x1fc: {  	[sflag:s24] =	ssyncset.done $0x0  }
0x1fd: {  	[sflag:s24] =	ssyncadd.s32 $0xFFFFC000  }
0x1fe: {  	[tilespmem:s21], [sflag:$0x1] =	stream.indirect.gather [hbm4b:s5+s20], $0x80, s8, s20, $0xb8;
	[tilespmem:$0x1C800] =	vst v63  }
0x1ff: {  	_ = 	snop  }
0x200: {  	[spmem:s2] =	stream.indirect.scatter.add.f32 [tilespmem:s23], [sflag:$0x3], $0x80, s6, s20, $0xb8;
	[tilespmem:$0x1C800] =	vst v63  }
0x201: {  	_ =	swait.ge [sflag:s18], $0x4000  }
0x202: {  	[sflag:s18] =	ssyncset.done $0x0  }
0x203: {  	[sflag:s18] =	ssyncadd.s32 $0xFFFFC000  }
0x204: {  	_ =	swait.ge [sflag:s22], $0x4000  }
0x205: {  	[sflag:s22] =	ssyncset.done $0x0  }
0x206: {  	[sflag:s22] =	ssyncadd.s32 $0xFFFFC000  }
0x207: {  	[tilespmem:s23], [sflag:$0x2] =	stream.indirect.gather [hbm4b:s5+s20], $0x80, s9, s20, $0xb8;
	[tilespmem:$0x1C800] =	vst v63  }
0x208: {  	_ = 	snop  }
0x209: {  	[spmem:s2] =	stream.indirect.scatter.add.f32 [tilespmem:s21], [sflag:$0x3], $0x80, s7, s20, $0xb8;
	[tilespmem:$0x1C800] =	vst v63  }
0x20a: {  	_ =	swait.ge [sflag:s18], $0x4000  }
0x20b: {  	[sflag:s18] =	ssyncset.done $0x0  }
0x20c: {  	[sflag:s18] =	ssyncadd.s32 $0xFFFFC000  }
0x20d: {  	_ =	swait.ge [sflag:s24], $0x4000  }
0x20e: {  	[sflag:s24] =	ssyncset.done $0x0  }
0x20f: {  	[sflag:s24] =	ssyncadd.s32 $0xFFFFC000  }
0x210: {  	[spmem:s2] =	stream.indirect.scatter.add.f32 [tilespmem:s23], [sflag:$0x3], $0x80, s14, s20, $0xb8;
	[tilespmem:$0x1C800] =	vst v63  }
.Ltmp6:
0x211: {  	_ = 	snop;
	(pc) =	sbr.rel .LBB2_8-.Ltmp6, $4  }
0x212: {  	_ =	swait.ge [sflag:s18], $0x4000  }
0x213: {  	s4 =	rddreg [dreg:$0x5]  }
0x214: {  	[sflag:s18] =	ssyncset.done $0x0;
	s17 =	rddreg [dreg:$0xf]  }
0x215: {  	s12 =	rddreg [dreg:$0x10];
	[sflag:s18] =	ssyncadd.s32 $0xFFFFC000  }
.LBB2_9:
0x216: {  	_ =	sfence.sel $0x180000  }
0x217: {  	[bflag:$0x0] =	sbarrier.arrive $0xFFFF  }
0x218: {  	_ =	strace $0x9000004A  }
0x219: {  	s0 =	stileid.u32;
	[bflag:$0x2] =	sbarrier.arrive $0xFFFF  }
0x21a: {  	p0 =	sne.s32 s0, $0x0;
	s0 =	rddreg [dreg:$0x3]  }
0x21b: {  	s0 =	sadd.s32 @!p0 $0x100000, s0  }
0x21c: {  	[sflag:s0] =	ssyncadd.tile.s32 @!p0 $0x1;
	_ =	shalt  }
.Lfunc_end2:
_tile_overlayer_lowered:
.L_overlay_start_2:
0x21d: {  	(tag) =	ssettag $0x2  }
0x21e: {  	s0 =	rddreg [dreg:$0x0];
	s2 =	stileid.u32  }
0x21f: {  	s1 =	rddreg [dreg:$0x1];
	p0 =	sne.s32 s2, $0x0  }
0x220: {  	s3 =	rddreg [dreg:$0x2];
	[bflag:$0x3] =	sbarrier.arrive $0xFFFF;
	s2 =	simm.s32 @!p0 $0x1C03  }
0x221: {  	[timem:s3], [sflag:s2] =	dma.local @!p0 [hbm:s0], s1  }
0x222: {  	s0 =	simm.s32 @!p0 $0x3  }
0x223: {  	_ =	swait.ge @!p0 [sflag:s0], s1  }
0x224: {  	s1 =	ssub.s32 @!p0 $0x0, s1;
	[sflag:s0] =	ssyncset.done @!p0 $0x0  }
0x225: {  	[sflag:s0] =	ssyncadd.s32 @!p0 s1  }
0x226: {  	[bflag:$0x3] =	sbarrier.arrive $0xFFFF  }
0x227: {  	_ =	shalt  }

// kernel: kernel.14.cloned.1.call-start
scs
__scs_entry_jumppad:
0x0: {  	(pc) =	sbr.rel $0x88, $3  }
0x1: {  	(tag) =	ssettag $0x0;
	lr =	simm.s32 $0x1  }
0x2: {  	[smem:$0x3F99] =	sst lr;
	_ =	strace $0xD0000000  }
0x3: {  	_ = 	snop  }
0x4: {  	_ = 	snop  }
0x5: {  	_ = 	snop  }
0x6: {  	_ = 	snop  }
0x7: {  	_ = 	snop  }
__scs_overlays_trampoline_lowered:
0x8: {  	[smem:$0x3FA8] =	sst s0  }
0x9: {  	[smem:$0x3FA9] =	sst s1  }
0xa: {  	[smem:$0x3FAA] =	sst s2  }
0xb: {  	[smem:$0x3FAB] =	sst s3  }
0xc: {  	[smem:$0x3FAC] =	sst s4  }
0xd: {  	[smem:$0x3FAD] =	sst s5  }
0xe: {  	[smem:$0x3FAE] =	sst s6  }
0xf: {  	[smem:$0x3FAF] =	sst s7  }
0x10: {  	[smem:$0x3FB0] =	sst s8  }
0x11: {  	[smem:$0x3FB1] =	sst s9;
	s0 =	simm.s32 @!p0 $0x0  }
0x12: {  	s1 =	sld [smem:$0x3F97];
	s0 =	simm.s32 @p0 $0x1  }
0x13: {  	[smem:$0x3FB2] =	sst s0;
	s0 =	simm.s32 @!p1 $0x0  }
0x14: {  	s2 =	sld [smem:$0x3F96];
	s0 =	simm.s32 @p1 $0x1  }
0x15: {  	[smem:$0x3FB3] =	sst s0;
	s0 =	simm.s32 @!p2 $0x0  }
0x16: {  	s3 =	sld [smem:$0x3FDB];
	s0 =	simm.s32 @p2 $0x1  }
0x17: {  	s4 =	simm.s32 $0x1BF5;
	[smem:$0x3FB5] =	sst s0  }
0x18: {  	s0 =	sld [smem:$0x3F98];
	_ =	swait.ge [sflag:s4], $0x0  }
0x19: {  	s7 =	sld [smem:$0x3F99]  }
0x1a: {  	s8 =	sadd.s32 $0xFFFFE003, lr  }
0x1b: {  	s9 =	sadd.s32 $0xFFFFFEF7, lr;
	s5 =	simm.s32 $0xFFFFFFFF;
	p2 =	slt.u32 s8, $0xFFFFF086  }
0x1c: {  	p1 =	slt.u32 s9, $0xF7A;
	s5 =	simm.s32 @!p2 $0x0  }
0x1d: {  	s5 =	simm.s32 @p1 $0x1;
	p0 =	seq.s32 s7, s2  }
0x1e: {  	s7 =	smul.u32 @!p0 $0xF7A, s2;
	p2 =	seq.s32 @!p0 s5, $0x0  }
0x1f: {  	s9 =	smul.u32 $0xF7A, s1;
	s8 =	simm.s32 @!p0 $0x1BF5;
	p2 =	por !p2, p0  }
0x20: {  	[sflag:s8] =	ssyncset.s32 @!p0 $0xFFFFF086;
	s6 =	sadd.s32 @!p0 s3, s7;
	s7 =	simm.s32 @!p0 $0x108  }
0x21: {  	s3 =	sadd.s32 s3, s9;
	s6 =	sadd.s32 @!p0 $0x88, s6;
	s7 =	simm.s32 @p2 $0x1082  }
0x22: {  	[simem:s7], [sflag:s8] =	dma.local @!p0 [hbm:s6], $0xF7A  }
0x23: {  	s9 =	sor.u32 $0xD0000000, s2;
	s6 =	simm.s32 $0x108;
	_ =	swait.ge @!p0 [sflag:s8], $0x0  }
0x24: {  	s3 =	sadd.s32 $0x88, s3;
	s6 =	simm.s32 @!p1 $0x1082;
	[sflag:s4] =	ssyncset.s32 $0xFFFFF086  }
0x25: {  	[simem:s6], [sflag:s4] =	dma.local [hbm:s3], $0xF7A  }
0x26: {  	[smem:$0x3F99] =	sst s1;
	(tag) =	ssettag s2;
	_ =	strace s9  }
0x27: {  	s1 =	sld [smem:$0x3FA9]  }
0x28: {  	s2 =	sld [smem:$0x3FAA]  }
0x29: {  	s4 =	sld [smem:$0x3FAC]  }
0x2a: {  	p0 =	seq.s32 s5, $0x0;
	s5 =	sld [smem:$0x3FAD]  }
0x2b: {  	s6 =	sld [smem:$0x3FAE]  }
0x2c: {  	s7 =	sld [smem:$0x3FAF]  }
0x2d: {  	s3 =	simm.s32 $0x108;
	s8 =	sld [smem:$0x3FB0]  }
0x2e: {  	s3 =	simm.s32 @!p0 $0x1082;
	s9 =	sld [smem:$0x3FB1]  }
0x2f: {  	lr =	sadd.s32 s0, s3;
	s0 =	sld [smem:$0x3FA8]  }
0x30: {  	s3 =	sld [smem:$0x3FAB]  }
0x31: {  	[smem:$0x3FB4] =	sst s10  }
0x32: {  	s10 =	sld [smem:$0x3FB2];
	_ =	sdelay $0x3  }
0x33: {  	p0 =	seq.s32 s10, $0x1;
	s10 =	sld [smem:$0x3FB4];
	_ =	sdelay $0x3  }
0x34: {  	[smem:$0x3FB4] =	sst s10  }
0x35: {  	s10 =	sld [smem:$0x3FB3];
	_ =	sdelay $0x3  }
0x36: {  	p1 =	seq.s32 s10, $0x1;
	s10 =	sld [smem:$0x3FB4];
	_ =	sdelay $0x3  }
0x37: {  	[smem:$0x3FB4] =	sst s10  }
0x38: {  	s10 =	sld [smem:$0x3FB5]  }
0x39: {  	_ = 	snop;
	(pc) =	sbr.ind lr, $3  }
0x3a: {  	_ = 	snop  }
0x3b: {  	_ = 	snop  }
0x3c: {  	p2 =	seq.s32 s10, $0x1;
	s10 =	sld [smem:$0x3FB4]  }
0x3d: {  	_ =	shalt  }
0x3e: {  	_ =	shalt  }
0x3f: {  	_ =	shalt  }
0x40: {  	_ =	shalt  }
0x41: {  	_ =	shalt  }
0x42: {  	_ =	shalt  }
0x43: {  	_ =	shalt  }
0x44: {  	_ =	shalt  }
0x45: {  	_ =	shalt  }
0x46: {  	_ =	shalt  }
0x47: {  	_ =	shalt  }
0x48: {  	_ =	shalt  }
0x49: {  	_ =	shalt  }
0x4a: {  	_ =	shalt  }
0x4b: {  	_ =	shalt  }
0x4c: {  	_ =	shalt  }
0x4d: {  	_ =	shalt  }
0x4e: {  	_ =	shalt  }
0x4f: {  	_ =	shalt  }
0x50: {  	_ =	shalt  }
0x51: {  	_ =	shalt  }
0x52: {  	_ =	shalt  }
0x53: {  	_ =	shalt  }
0x54: {  	_ =	shalt  }
0x55: {  	_ =	shalt  }
0x56: {  	_ =	shalt  }
0x57: {  	_ =	shalt  }
0x58: {  	_ =	shalt  }
0x59: {  	_ =	shalt  }
0x5a: {  	_ =	shalt  }
0x5b: {  	_ =	shalt  }
0x5c: {  	_ =	shalt  }
0x5d: {  	_ =	shalt  }
0x5e: {  	_ =	shalt  }
0x5f: {  	_ =	shalt  }
0x60: {  	_ =	shalt  }
0x61: {  	_ =	shalt  }
0x62: {  	_ =	shalt  }
0x63: {  	_ =	shalt  }
0x64: {  	_ =	shalt  }
0x65: {  	_ =	shalt  }
0x66: {  	_ =	shalt  }
0x67: {  	_ =	shalt  }
0x68: {  	_ =	shalt  }
0x69: {  	_ =	shalt  }
0x6a: {  	_ =	shalt  }
0x6b: {  	_ =	shalt  }
0x6c: {  	_ =	shalt  }
0x6d: {  	_ =	shalt  }
0x6e: {  	_ =	shalt  }
0x6f: {  	_ =	shalt  }
0x70: {  	_ =	shalt  }
0x71: {  	_ =	shalt  }
0x72: {  	_ =	shalt  }
0x73: {  	_ =	shalt  }
0x74: {  	_ =	shalt  }
0x75: {  	_ =	shalt  }
0x76: {  	_ =	shalt  }
0x77: {  	_ =	shalt  }
0x78: {  	_ =	shalt  }
0x79: {  	_ =	shalt  }
0x7a: {  	_ =	shalt  }
0x7b: {  	_ =	shalt  }
0x7c: {  	_ =	shalt  }
0x7d: {  	_ =	shalt  }
0x7e: {  	_ =	shalt  }
0x7f: {  	_ =	shalt  }
0x80: {  	_ =	shalt  }
0x81: {  	_ =	shalt  }
0x82: {  	_ =	shalt  }
0x83: {  	_ =	shalt  }
0x84: {  	_ =	shalt  }
0x85: {  	_ =	shalt  }
0x86: {  	_ =	shalt  }
0x87: {  	_ =	shalt  }
.Lfunc_end0:
.L_simem_size_0:
called_computation.2_lowered:
.L_overlay_start_0:
0x88: {  	s2 =	sld [smem:$0x3FD9]  }
0x89: {  	s3 =	sld [smem:$0x3FFE];
	_ =	sdelay $0x1  }
0x8a: {  	s1 =	srdreg.scid  }
0x8b: {  	s0 =	sand.u32 $0x1, s1  }
0x8c: {  	s17 =	sshll.u32 s0, $0xA;
	s2 =	sadd.s32 s3, s2  }
0x8d: {  	s2 =	sadd.s32 s2, s17  }
0x8e: {  	[smem:$0x3FC0] =	sst s2  }
0x8f: {  	_ = 	snop  }
0x90: {  	s2 =	sld [smem:$0x3FD0];
	(tm) =	ssettm $0x1  }
0x91: {  	s18 =	sld [smem:$0x3FFB];
	_ =	sdelay $0x3  }
0x92: {  	_ =	strace s18  }
0x93: {  	s3 =	sld [smem:$0x3FFC];
	_ =	sdelay $0x3  }
0x94: {  	_ =	strace s3  }
0x95: {  	s3 =	sld [smem:$0x3FFD];
	_ =	sdelay $0x3  }
0x96: {  	_ =	strace s3  }
0x97: {  	_ =	strace $0x8FFFFFFF  }
0x98: {  	s19 =	sld [smem:$0x3FDB];
	_ =	sdelay $0x1  }
0x99: {  	s4 =	simm.s32 $_scs_section_size  }
0x9a: {  	s5 =	simm.s32 $_size__tile_overlayer_lowered;
	s6 =	simm.s32 $_tile_overlayer_lowered  }
0x9b: {  	s22 =	simm.s32 $0x1BFF;
	s21 =	sshll.u32 s6, $0x1;
	s3 =	sadd.s32 s4, s19  }
0x9c: {  	s7 =	simm.s32 $0x0;
	s20 =	sshll.u32 s5, $0x1;
	s5 =	sadd.s32 s21, s3  }
0x9d: {  	[timem:s7], [sflag:s22] =	dma.local [hbm:s5], s20  }
0x9e: {  	_ =	swait.ge [sflag:s22], s20  }
0x9f: {  	s4 =	ssub.s32 $0x0, s20;
	[sflag:s22] =	ssyncset.done $0x0  }
0xa0: {  	[sflag:s22] =	ssyncadd.s32 s4;
	_ =	sdelay $0x1  }
0xa1: {  	s23 =	simm.s32 $0x1B8B  }
0xa2: {  	_ =	swait.ge [sflag:s23], $0x1  }
0xa3: {  	[sflag:s23] =	ssyncset.done $0x0  }
0xa4: {  	s25 =	simm.s32 $0x1B8E;
	s24 =	sld [smem:$0x3FFE];
	[sflag:s23] =	ssyncadd.s32 $0xFFFFFFFF  }
0xa5: {  	s26 =	simm.s32 $execute0_lowered;
	[smem:$0x3FD2] =	sst s25  }
0xa6: {  	s5 =	sshll.u32 s26, $0x1;
	_ =	strace $0x8000004C;
	[dreg:$0x1] =	wrdreg $0xFFFFFFFF  }
0xa7: {  	s28 =	simm.s32 $_size_execute0_lowered;
	s3 =	sadd.s32 s3, s5;
	[dreg:$0x0] =	wrdreg $0x0  }
0xa8: {  	s5 =	sshll.u32 s28, $0x1;
	[dreg:$0x2] =	wrdreg s3  }
0xa9: {  	[dreg:$0x3] =	wrdreg s5  }
0xaa: {  	[dreg:$0x4] =	wrdreg $0xC0  }
0xab: {  	_ =	task [dreg:s7], $0x5FFFF  }
0xac: {  	[dreg:$0x1] =	wrdreg $0xFFFFFFFF  }
0xad: {  	[dreg:$0x0] =	wrdreg $0x60  }
0xae: {  	[dreg:$0x2] =	wrdreg s24  }
0xaf: {  	[dreg:$0x3] =	wrdreg s2  }
0xb0: {  	[dreg:$0x4] =	wrdreg $0x88000  }
0xb1: {  	[dreg:$0x5] =	wrdreg $0x9  }
0xb2: {  	_ =	task.clear_ibuf [dreg:s7], $0x6FFFF;
	_ =	strace $0x9000004C  }
0xb3: {  	s29 =	simm.s32 $0x9;
	_ =	strace $0x8000004E  }
0xb4: {  	_ =	swait.ge [sflag:s29], $0x1  }
0xb5: {  	[sflag:s29] =	ssyncadd.s32 $0xFFFFFFFF  }
0xb6: {  	_ =	strace $0x9000004E  }
0xb7: {  	_ =	sfence  }
0xb8: {  	s30 =	sld [smem:$0x0];
	_ =	sdelay $0x2  }
0xb9: {  	s31 =	sshll.u32 s1, $0xD;
	s1 =	sshrl.u32 s1, $0x2  }
0xba: {  	s3 =	sand.u32 $0x4000, s31;
	s1 =	sadd.s32 s1, s30  }
0xbb: {  	s0 =	sor.u32 s3, s0;
	s1 =	sshll.u32 s1, $0x11  }
0xbc: {  	s0 =	sor.u32 s1, s0  }
0xbd: {  	s0 =	sadd.s32 $0x8F2B, s0  }
0xbe: {  	[sflag:s0] =	ssyncadd.remote.s32 $0x1  }
0xbf: {  	_ =	sfence.sel $0xFFFF  }
0xc0: {  	[dreg:$0x0] =	wrdreg $0xFFFFFFFF;
	(pc) =	sbr.abs _section_cstart, $3  }
0xc1: {  	[dreg:$0x1] =	wrdreg $0xFFFFFFFF  }
0xc2: {  	_ =	task.clear_ibuf [dreg:s7], $0x2FFFF;
	_ =	strace $0x9FFFFFFF  }
0xc3: {  	(tm) =	ssettm $0x7FFFFFFF  }
tec
execute0_lowered:
.L_overlay_start_1:
0x0: {  	(tag) =	ssettag $0x1  }
0x1: {  	s0 =	rddreg [dreg:$0x0]  }
0x2: {  	s1 =	rddreg [dreg:$0x1]  }
0x3: {  	s2 =	rddreg [dreg:$0x2];
	s3 =	simm.s32 $0x0  }
0x4: {  	s14 =	stileid.u32;
	s4 =	srdreg.scid;
	s18 =	simm.s32 $0x3  }
0x5: {  	s19 =	simm.s32 $0x400;
	s28 =	simm.s32 $0x180;
	s29 =	simm.s32 $0x500  }
0x6: {  	s30 =	simm.s32 $0x200;
	s31 =	simm.s32 $0x580;
	s12 =	smul.u32 $0x2800, s14  }
0x7: {  	s17 =	simm.s32 $0x0;
	[smem:$0x7FF] =	sst s3;
	s6 =	smul.u32 $0xA00, s14  }
0x8: {  	s5 =	sadd.s32 $0xD200, s0;
	s4 =	sand.u32 $0x1, s4;
	s9 =	smul.u32 $0x50000, s14  }
0x9: {  	s11 =	sadd.s32 $0x5D200, s0;
	s26 =	sshll.u32 s14, $0x6;
	s14 =	simm.s32 $0x780  }
0xa: {  	_ =	strace $0x8000004D;
	s8 =	ssub.s32 $0x2, s4;
	[dreg:$0x5] =	wrdreg s11  }
0xb: {  	p0 =	seq.s32 s4, $0x1;
	[dreg:$0xc] =	wrdreg s26;
	s7 =	sadd.s32 s12, s0  }
0xc: {  	s10 =	sadd.s32 s6, s0;
	s20 =	sshrl.u32 s8, $0x1;
	s0 =	sadd.s32 $0x85200, s0  }
0xd: {  	s22 =	sshrl.u32 s9, $0x2;
	[dreg:$0x4] =	wrdreg s12;
	s24 =	sadd.s32 s5, s12  }
0xe: {  	s12 =	sadd.s32 s6, s1;
	s1 =	simm.s32 $0x600;
	s6 =	simm.s32 $0x680  }
0xf: {  	s9 =	simm.s32 $0x380;
	[dreg:$0x6] =	wrdreg s0;
	s21 =	ssub.s32 s8, s20  }
0x10: {  	s23 =	sadd.s32 s22, s2;
	[dreg:$0x7] =	wrdreg s24;
	s7 =	sadd.s32 $0x35200, s7  }
0x11: {  	s11 =	sadd.s32 $0x3200, s10;
	s25 =	sadd.s32 $0x500, s12;
	s15 =	sadd.s32 $0x3700, s10  }
0x12: {  	s20 =	simm.s32 $0x80;
	s22 =	simm.s32 $0x1;
	[dreg:$0xa] =	wrdreg s12  }
0x13: {  	s24 =	simm.s32 $0x2;
	s8 =	simm.s32 $0x300;
	[dreg:$0x8] =	wrdreg s7  }
.Ltmp0:
0x14: {  	s0 =	smax.u32 s21, $0x1;
	[dreg:$0xb] =	wrdreg s25;
	(pc) =	sbr.rel .LBB2_1-.Ltmp0, $4  }
0x15: {  	s16 =	sshrl.u32 s23, $0x3;
	s21 =	simm.s32 $0x800;
	s23 =	simm.s32 $0x4800  }
0x16: {  	s25 =	simm.s32 $0x100;
	s7 =	simm.s32 $0x700;
	[dreg:$0x9] =	wrdreg s0  }
0x17: {  	s13 =	smov.u32 s11;
	s0 =	sor.u32 $0x1C03, s26;
	[dreg:$0xe] =	wrdreg s16  }
0x18: {  	s26 =	simm.s32 $0x480;
	[dreg:$0xd] =	wrdreg s0;
	s0 =	simm.s32 $0x280  }
.LBB2_7:
0x19: {  	s10 =	sadd.s32 s4, s15;
	[sflag:s18] =	ssyncadd.s32 $0xFFFFC000  }
0x1a: {  	[tilespmem:s3], [sflag:$0x3] =	stream.linear.gather [hbm4b:s10+s3], $0x400, $0x38;
	[tilespmem:$0x1C800] =	vst v63  }
0x1b: {  	_ =	swait.ge [sflag:s18], $0x400  }
0x1c: {  	[sflag:s18] =	ssyncset.done $0x0  }
0x1d: {  	s17 =	sadd.s32 s4, s12;
	[sflag:s18] =	ssyncadd.s32 $0xFFFFFC00  }
0x1e: {  	[tilespmem:s19], [sflag:$0x3] =	stream.linear.gather [hbm4b:s17+s3], $0x400, $0x38;
	[tilespmem:$0x1C800] =	vst v63  }
0x1f: {  	_ =	swait.ge [sflag:s18], $0x400  }
0x20: {  	[sflag:s18] =	ssyncset.done $0x0  }
0x21: {  	[sflag:s18] =	ssyncadd.s32 $0xFFFFFC00  }
0x22: {  	[tilespmem:s21], [sflag:$0x1] =	stream.indirect.gather [hbm4b:s5+s20], $0x80, s3, s20, $0xb8;
	[tilespmem:$0x1C800] =	vst v63  }
0x23: {  	_ =	swait.ge [sflag:s22], $0x4000  }
0x24: {  	[sflag:s22] =	ssyncset.done $0x0  }
0x25: {  	[sflag:s22] =	ssyncadd.s32 $0xFFFFC000  }
0x26: {  	[tilespmem:s23], [sflag:$0x2] =	stream.indirect.gather [hbm4b:s5+s20], $0x80, s20, s20, $0xb8;
	[tilespmem:$0x1C800] =	vst v63  }
0x27: {  	_ = 	snop  }
0x28: {  	[spmem:s2] =	stream.indirect.scatter.add.f32 [tilespmem:s21], [sflag:$0x3], $0x80, s19, s20, $0xb8;
	[tilespmem:$0x1C800] =	vst v63  }
0x29: {  	_ =	swait.ge [sflag:s18], $0x4000  }
0x2a: {  	[sflag:s18] =	ssyncset.done $0x0  }
0x2b: {  	[sflag:s18] =	ssyncadd.s32 $0xFFFFC000  }
0x2c: {  	_ =	swait.ge [sflag:s24], $0x4000  }
0x2d: {  	[sflag:s24] =	ssyncset.done $0x0  }
0x2e: {  	[sflag:s24] =	ssyncadd.s32 $0xFFFFC000  }
0x2f: {  	[tilespmem:s21], [sflag:$0x1] =	stream.indirect.gather [hbm4b:s5+s20], $0x80, s25, s20, $0xb8;
	[tilespmem:$0x1C800] =	vst v63  }
0x30: {  	_ = 	snop  }
0x31: {  	[spmem:s2] =	stream.indirect.scatter.add.f32 [tilespmem:s23], [sflag:$0x3], $0x80, s26, s20, $0xb8;
	[tilespmem:$0x1C800] =	vst v63  }
0x32: {  	_ =	swait.ge [sflag:s18], $0x4000  }
0x33: {  	[sflag:s18] =	ssyncset.done $0x0  }
0x34: {  	[sflag:s18] =	ssyncadd.s32 $0xFFFFC000  }
0x35: {  	_ =	swait.ge [sflag:s22], $0x4000  }
0x36: {  	[sflag:s22] =	ssyncset.done $0x0  }
0x37: {  	[sflag:s22] =	ssyncadd.s32 $0xFFFFC000  }
0x38: {  	[tilespmem:s23], [sflag:$0x2] =	stream.indirect.gather [hbm4b:s5+s20], $0x80, s28, s20, $0xb8;
	[tilespmem:$0x1C800] =	vst v63  }
0x39: {  	_ = 	snop  }
0x3a: {  	[spmem:s2] =	stream.indirect.scatter.add.f32 [tilespmem:s21], [sflag:$0x3], $0x80, s29, s20, $0xb8;
	[tilespmem:$0x1C800] =	vst v63  }
0x3b: {  	_ =	swait.ge [sflag:s18], $0x4000  }
0x3c: {  	[sflag:s18] =	ssyncset.done $0x0  }
0x3d: {  	[sflag:s18] =	ssyncadd.s32 $0xFFFFC000  }
0x3e: {  	_ =	swait.ge [sflag:s24], $0x4000  }
0x3f: {  	[sflag:s24] =	ssyncset.done $0x0  }
0x40: {  	[sflag:s24] =	ssyncadd.s32 $0xFFFFC000  }
0x41: {  	[tilespmem:s21], [sflag:$0x1] =	stream.indirect.gather [hbm4b:s5+s20], $0x80, s30, s20, $0xb8;
	[tilespmem:$0x1C800] =	vst v63  }
0x42: {  	_ = 	snop  }
0x43: {  	[spmem:s2] =	stream.indirect.scatter.add.f32 [tilespmem:s23], [sflag:$0x3], $0x80, s31, s20, $0xb8;
	[tilespmem:$0x1C800] =	vst v63  }
0x44: {  	_ =	swait.ge [sflag:s18], $0x4000  }
0x45: {  	[sflag:s18] =	ssyncset.done $0x0  }
0x46: {  	[sflag:s18] =	ssyncadd.s32 $0xFFFFC000  }
0x47: {  	_ =	swait.ge [sflag:s22], $0x4000  }
0x48: {  	[sflag:s22] =	ssyncset.done $0x0  }
0x49: {  	[sflag:s22] =	ssyncadd.s32 $0xFFFFC000  }
0x4a: {  	[tilespmem:s23], [sflag:$0x2] =	stream.indirect.gather [hbm4b:s5+s20], $0x80, s0, s20, $0xb8;
	[tilespmem:$0x1C800] =	vst v63  }
0x4b: {  	_ = 	snop  }
0x4c: {  	[spmem:s2] =	stream.indirect.scatter.add.f32 [tilespmem:s21], [sflag:$0x3], $0x80, s1, s20, $0xb8;
	[tilespmem:$0x1C800] =	vst v63  }
0x4d: {  	_ =	swait.ge [sflag:s18], $0x4000  }
0x4e: {  	[sflag:s18] =	ssyncset.done $0x0  }
0x4f: {  	[sflag:s18] =	ssyncadd.s32 $0xFFFFC000  }
0x50: {  	_ =	swait.ge [sflag:s24], $0x4000  }
0x51: {  	[sflag:s24] =	ssyncset.done $0x0  }
0x52: {  	[sflag:s24] =	ssyncadd.s32 $0xFFFFC000  }
0x53: {  	[tilespmem:s21], [sflag:$0x1] =	stream.indirect.gather [hbm4b:s5+s20], $0x80, s8, s20, $0xb8;
	[tilespmem:$0x1C800] =	vst v63  }
0x54: {  	_ = 	snop  }
0x55: {  	[spmem:s2] =	stream.indirect.scatter.add.f32 [tilespmem:s23], [sflag:$0x3], $0x80, s6, s20, $0xb8;
	[tilespmem:$0x1C800] =	vst v63  }
0x56: {  	_ =	swait.ge [sflag:s18], $0x4000  }
0x57: {  	[sflag:s18] =	ssyncset.done $0x0  }
0x58: {  	[sflag:s18] =	ssyncadd.s32 $0xFFFFC000  }
0x59: {  	_ =	swait.ge [sflag:s22], $0x4000  }
0x5a: {  	[sflag:s22] =	ssyncset.done $0x0  }
0x5b: {  	[sflag:s22] =	ssyncadd.s32 $0xFFFFC000  }
0x5c: {  	[tilespmem:s23], [sflag:$0x2] =	stream.indirect.gather [hbm4b:s5+s20], $0x80, s9, s20, $0xb8;
	[tilespmem:$0x1C800] =	vst v63  }
0x5d: {  	_ = 	snop  }
0x5e: {  	[spmem:s2] =	stream.indirect.scatter.add.f32 [tilespmem:s21], [sflag:$0x3], $0x80, s7, s20, $0xb8;
	[tilespmem:$0x1C800] =	vst v63  }
0x5f: {  	_ =	swait.ge [sflag:s18], $0x4000  }
0x60: {  	[sflag:s18] =	ssyncset.done $0x0  }
0x61: {  	[sflag:s18] =	ssyncadd.s32 $0xFFFFC000  }
0x62: {  	_ =	swait.ge [sflag:s24], $0x4000  }
0x63: {  	[sflag:s24] =	ssyncset.done $0x0  }
0x64: {  	[sflag:s24] =	ssyncadd.s32 $0xFFFFC000  }
0x65: {  	[spmem:s2] =	stream.indirect.scatter.add.f32 [tilespmem:s23], [sflag:$0x3], $0x80, s14, s20, $0xb8;
	[tilespmem:$0x1C800] =	vst v63  }
0x66: {  	_ =	swait.ge [sflag:s18], $0x4000  }
0x67: {  	s4 =	rddreg [dreg:$0x6]  }
0x68: {  	[sflag:s18] =	ssyncset.done $0x0;
	s12 =	rddreg [dreg:$0xd]  }
0x69: {  	s11 =	smov.u32 s13;
	s17 =	rddreg [dreg:$0xf];
	[sflag:s18] =	ssyncadd.s32 $0xFFFFC000  }
.LBB2_8:
0x6a: {  	s10 =	rddreg [dreg:$0x4];
	[bflag:$0x0] =	sbarrier.arrive $0xFFFF  }
0x6b: {  	s4 =	sadd.s32 s4, s10;
	s16 =	rddreg [dreg:$0xe]  }
0x6c: {  	[hbm:s4], [sflag:s12] =	dma.local [spmem:s16], $0x2800  }
0x6d: {  	_ =	swait.ge [sflag:s18], $0x2800  }
0x6e: {  	s17 =	sadd.s32 $0x1, s17;
	s12 =	rddreg [dreg:$0x9]  }
0x6f: {  	p1 =	sne.s32 s17, s12  }
.Ltmp1:
0x70: {  	_ = 	snop;
	(pc) =	sbr.rel @!p1 .LBB2_9-.Ltmp1, $3  }
0x71: {  	_ =	sdelay $0x1  }
0x72: {  	[sflag:s18] =	ssyncset.done $0x0  }
0x73: {  	[sflag:s18] =	ssyncadd.s32 $0xFFFFD800;
	s12 =	rddreg [dreg:$0xa]  }
.LBB2_1:
.Ltmp2:
0x74: {  	(pc) =	sbr.rel @!p0 .LBB2_2-.Ltmp2, $2  }
0x75: {  	_ =	sdelay $0x2  }
0x76: {  	[dreg:$0xf] =	wrdreg s17  }
0x77: {  	s4 =	rddreg [dreg:$0x8]  }
0x78: {  	s10 =	rddreg [dreg:$0xd]  }
0x79: {  	[spmem:s16], [sflag:s10] =	dma.local [hbm:s4], $0x2800  }
0x7a: {  	_ =	swait.ge [sflag:s18], $0x2800  }
0x7b: {  	[sflag:s18] =	ssyncset.done $0x0  }
0x7c: {  	[sflag:s18] =	ssyncadd.s32 $0xFFFFD800  }
0x7d: {  	s16 =	sadd.s32 $0x0, s15;
	[bflag:$0x0] =	sbarrier.arrive $0xFFFF  }
0x7e: {  	[tilespmem:s3], [sflag:$0x3] =	stream.linear.gather [hbm4b:s16+s3], $0x400, $0x38;
	[tilespmem:$0x1C800] =	vst v63  }
0x7f: {  	_ =	swait.ge [sflag:s18], $0x400  }
0x80: {  	[sflag:s18] =	ssyncset.done $0x0;
	s12 =	rddreg [dreg:$0xb]  }
0x81: {  	[sflag:s18] =	ssyncadd.s32 $0xFFFFFC00;
	s17 =	sadd.s32 $0x0, s12  }
0x82: {  	[tilespmem:s19], [sflag:$0x3] =	stream.linear.gather [hbm4b:s17+s3], $0x400, $0x38;
	[tilespmem:$0x1C800] =	vst v63  }
0x83: {  	_ =	swait.ge [sflag:s18], $0x400  }
0x84: {  	[sflag:s18] =	ssyncset.done $0x0  }
0x85: {  	[sflag:s18] =	ssyncadd.s32 $0xFFFFFC00  }
0x86: {  	[tilespmem:s21], [sflag:$0x1] =	stream.indirect.gather [hbm4b:s5+s20], $0x80, s3, s20, $0xb8;
	[tilespmem:$0x1C800] =	vst v63  }
0x87: {  	_ =	swait.ge [sflag:s22], $0x4000  }
0x88: {  	[sflag:s22] =	ssyncset.done $0x0  }
0x89: {  	[sflag:s22] =	ssyncadd.s32 $0xFFFFC000  }
0x8a: {  	[tilespmem:s23], [sflag:$0x2] =	stream.indirect.gather [hbm4b:s5+s20], $0x80, s20, s20, $0xb8;
	[tilespmem:$0x1C800] =	vst v63  }
0x8b: {  	_ = 	snop  }
0x8c: {  	[spmem:s2] =	stream.indirect.scatter.add.f32 [tilespmem:s21], [sflag:$0x3], $0x80, s19, s20, $0xb8;
	[tilespmem:$0x1C800] =	vst v63  }
0x8d: {  	_ =	swait.ge [sflag:s18], $0x4000  }
0x8e: {  	[sflag:s18] =	ssyncset.done $0x0  }
0x8f: {  	[sflag:s18] =	ssyncadd.s32 $0xFFFFC000  }
0x90: {  	_ =	swait.ge [sflag:s24], $0x4000  }
0x91: {  	[sflag:s24] =	ssyncset.done $0x0  }
0x92: {  	[sflag:s24] =	ssyncadd.s32 $0xFFFFC000  }
0x93: {  	[tilespmem:s21], [sflag:$0x1] =	stream.indirect.gather [hbm4b:s5+s20], $0x80, s25, s20, $0xb8;
	[tilespmem:$0x1C800] =	vst v63  }
0x94: {  	_ = 	snop  }
0x95: {  	[spmem:s2] =	stream.indirect.scatter.add.f32 [tilespmem:s23], [sflag:$0x3], $0x80, s26, s20, $0xb8;
	[tilespmem:$0x1C800] =	vst v63  }
0x96: {  	_ =	swait.ge [sflag:s18], $0x4000  }
0x97: {  	[sflag:s18] =	ssyncset.done $0x0  }
0x98: {  	[sflag:s18] =	ssyncadd.s32 $0xFFFFC000  }
0x99: {  	_ =	swait.ge [sflag:s22], $0x4000  }
0x9a: {  	[sflag:s22] =	ssyncset.done $0x0  }
0x9b: {  	[sflag:s22] =	ssyncadd.s32 $0xFFFFC000  }
0x9c: {  	[tilespmem:s23], [sflag:$0x2] =	stream.indirect.gather [hbm4b:s5+s20], $0x80, s28, s20, $0xb8;
	[tilespmem:$0x1C800] =	vst v63  }
0x9d: {  	_ = 	snop  }
0x9e: {  	[spmem:s2] =	stream.indirect.scatter.add.f32 [tilespmem:s21], [sflag:$0x3], $0x80, s29, s20, $0xb8;
	[tilespmem:$0x1C800] =	vst v63  }
0x9f: {  	_ =	swait.ge [sflag:s18], $0x4000  }
0xa0: {  	[sflag:s18] =	ssyncset.done $0x0  }
0xa1: {  	[sflag:s18] =	ssyncadd.s32 $0xFFFFC000  }
0xa2: {  	_ =	swait.ge [sflag:s24], $0x4000  }
0xa3: {  	[sflag:s24] =	ssyncset.done $0x0  }
0xa4: {  	[sflag:s24] =	ssyncadd.s32 $0xFFFFC000  }
0xa5: {  	[tilespmem:s21], [sflag:$0x1] =	stream.indirect.gather [hbm4b:s5+s20], $0x80, s30, s20, $0xb8;
	[tilespmem:$0x1C800] =	vst v63  }
0xa6: {  	_ = 	snop  }
0xa7: {  	[spmem:s2] =	stream.indirect.scatter.add.f32 [tilespmem:s23], [sflag:$0x3], $0x80, s31, s20, $0xb8;
	[tilespmem:$0x1C800] =	vst v63  }
0xa8: {  	_ =	swait.ge [sflag:s18], $0x4000  }
0xa9: {  	[sflag:s18] =	ssyncset.done $0x0  }
0xaa: {  	[sflag:s18] =	ssyncadd.s32 $0xFFFFC000  }
0xab: {  	_ =	swait.ge [sflag:s22], $0x4000  }
0xac: {  	[sflag:s22] =	ssyncset.done $0x0  }
0xad: {  	[sflag:s22] =	ssyncadd.s32 $0xFFFFC000  }
0xae: {  	[tilespmem:s23], [sflag:$0x2] =	stream.indirect.gather [hbm4b:s5+s20], $0x80, s0, s20, $0xb8;
	[tilespmem:$0x1C800] =	vst v63  }
0xaf: {  	_ = 	snop  }
0xb0: {  	[spmem:s2] =	stream.indirect.scatter.add.f32 [tilespmem:s21], [sflag:$0x3], $0x80, s1, s20, $0xb8;
	[tilespmem:$0x1C800] =	vst v63  }
0xb1: {  	_ =	swait.ge [sflag:s18], $0x4000  }
0xb2: {  	[sflag:s18] =	ssyncset.done $0x0  }
0xb3: {  	[sflag:s18] =	ssyncadd.s32 $0xFFFFC000  }
0xb4: {  	_ =	swait.ge [sflag:s24], $0x4000  }
0xb5: {  	[sflag:s24] =	ssyncset.done $0x0  }
0xb6: {  	[sflag:s24] =	ssyncadd.s32 $0xFFFFC000  }
0xb7: {  	[tilespmem:s21], [sflag:$0x1] =	stream.indirect.gather [hbm4b:s5+s20], $0x80, s8, s20, $0xb8;
	[tilespmem:$0x1C800] =	vst v63  }
0xb8: {  	_ = 	snop  }
0xb9: {  	[spmem:s2] =	stream.indirect.scatter.add.f32 [tilespmem:s23], [sflag:$0x3], $0x80, s6, s20, $0xb8;
	[tilespmem:$0x1C800] =	vst v63  }
0xba: {  	_ =	swait.ge [sflag:s18], $0x4000  }
0xbb: {  	[sflag:s18] =	ssyncset.done $0x0  }
0xbc: {  	[sflag:s18] =	ssyncadd.s32 $0xFFFFC000  }
0xbd: {  	_ =	swait.ge [sflag:s22], $0x4000  }
0xbe: {  	[sflag:s22] =	ssyncset.done $0x0  }
0xbf: {  	[sflag:s22] =	ssyncadd.s32 $0xFFFFC000  }
0xc0: {  	[tilespmem:s23], [sflag:$0x2] =	stream.indirect.gather [hbm4b:s5+s20], $0x80, s9, s20, $0xb8;
	[tilespmem:$0x1C800] =	vst v63  }
0xc1: {  	_ = 	snop  }
0xc2: {  	[spmem:s2] =	stream.indirect.scatter.add.f32 [tilespmem:s21], [sflag:$0x3], $0x80, s7, s20, $0xb8;
	[tilespmem:$0x1C800] =	vst v63  }
0xc3: {  	_ =	swait.ge [sflag:s18], $0x4000  }
0xc4: {  	[sflag:s18] =	ssyncset.done $0x0  }
0xc5: {  	[sflag:s18] =	ssyncadd.s32 $0xFFFFC000  }
0xc6: {  	_ =	swait.ge [sflag:s24], $0x4000  }
0xc7: {  	[sflag:s24] =	ssyncset.done $0x0  }
0xc8: {  	[sflag:s24] =	ssyncadd.s32 $0xFFFFC000  }
0xc9: {  	[spmem:s2] =	stream.indirect.scatter.add.f32 [tilespmem:s23], [sflag:$0x3], $0x80, s14, s20, $0xb8;
	[tilespmem:$0x1C800] =	vst v63  }
0xca: {  	_ =	swait.ge [sflag:s18], $0x4000  }
0xcb: {  	s4 =	simm.s32 $0x80;
	s17 =	simm.s32 $0x100;
	[sflag:s18] =	ssyncset.done $0x0  }
.LBB2_6:
0xcc: {  	s10 =	sadd.s32 s4, s15  }
0xcd: {  	[sflag:s18] =	ssyncadd.s32 $0xFFFFC000;
	s11 =	smov.u32 s17;
	s16 =	sadd.s32 $0x80, s17  }
0xce: {  	[tilespmem:s3], [sflag:$0x3] =	stream.linear.gather [hbm4b:s10+s3], $0x400, $0x38;
	[tilespmem:$0x1C800] =	vst v63  }
0xcf: {  	p1 =	sne.s32 s17, $0x480;
	_ =	swait.ge [sflag:s18], $0x400  }
0xd0: {  	[sflag:s18] =	ssyncset.done $0x0  }
0xd1: {  	s10 =	sadd.s32 s4, s12;
	s4 =	smov.u32 s11;
	[sflag:s18] =	ssyncadd.s32 $0xFFFFFC00  }
0xd2: {  	[tilespmem:s19], [sflag:$0x3] =	stream.linear.gather [hbm4b:s10+s3], $0x400, $0x38;
	[tilespmem:$0x1C800] =	vst v63  }
0xd3: {  	_ =	swait.ge [sflag:s18], $0x400  }
0xd4: {  	[sflag:s18] =	ssyncset.done $0x0  }
0xd5: {  	[sflag:s18] =	ssyncadd.s32 $0xFFFFFC00  }
0xd6: {  	[tilespmem:s21], [sflag:$0x1] =	stream.indirect.gather [hbm4b:s5+s20], $0x80, s3, s20, $0xb8;
	[tilespmem:$0x1C800] =	vst v63  }
0xd7: {  	_ =	swait.ge [sflag:s22], $0x4000  }
0xd8: {  	[sflag:s22] =	ssyncset.done $0x0  }
0xd9: {  	[sflag:s22] =	ssyncadd.s32 $0xFFFFC000  }
0xda: {  	[tilespmem:s23], [sflag:$0x2] =	stream.indirect.gather [hbm4b:s5+s20], $0x80, s20, s20, $0xb8;
	[tilespmem:$0x1C800] =	vst v63  }
0xdb: {  	_ = 	snop  }
0xdc: {  	[spmem:s2] =	stream.indirect.scatter.add.f32 [tilespmem:s21], [sflag:$0x3], $0x80, s19, s20, $0xb8;
	[tilespmem:$0x1C800] =	vst v63  }
0xdd: {  	_ =	swait.ge [sflag:s18], $0x4000  }
0xde: {  	[sflag:s18] =	ssyncset.done $0x0  }
0xdf: {  	[sflag:s18] =	ssyncadd.s32 $0xFFFFC000  }
0xe0: {  	_ =	swait.ge [sflag:s24], $0x4000  }
0xe1: {  	[sflag:s24] =	ssyncset.done $0x0  }
0xe2: {  	[sflag:s24] =	ssyncadd.s32 $0xFFFFC000  }
0xe3: {  	[tilespmem:s21], [sflag:$0x1] =	stream.indirect.gather [hbm4b:s5+s20], $0x80, s25, s20, $0xb8;
	[tilespmem:$0x1C800] =	vst v63  }
0xe4: {  	_ = 	snop  }
0xe5: {  	[spmem:s2] =	stream.indirect.scatter.add.f32 [tilespmem:s23], [sflag:$0x3], $0x80, s26, s20, $0xb8;
	[tilespmem:$0x1C800] =	vst v63  }
0xe6: {  	_ =	swait.ge [sflag:s18], $0x4000  }
0xe7: {  	[sflag:s18] =	ssyncset.done $0x0  }
0xe8: {  	[sflag:s18] =	ssyncadd.s32 $0xFFFFC000  }
0xe9: {  	_ =	swait.ge [sflag:s22], $0x4000  }
0xea: {  	[sflag:s22] =	ssyncset.done $0x0  }
0xeb: {  	[sflag:s22] =	ssyncadd.s32 $0xFFFFC000  }
0xec: {  	[tilespmem:s23], [sflag:$0x2] =	stream.indirect.gather [hbm4b:s5+s20], $0x80, s28, s20, $0xb8;
	[tilespmem:$0x1C800] =	vst v63  }
0xed: {  	_ = 	snop  }
0xee: {  	[spmem:s2] =	stream.indirect.scatter.add.f32 [tilespmem:s21], [sflag:$0x3], $0x80, s29, s20, $0xb8;
	[tilespmem:$0x1C800] =	vst v63  }
0xef: {  	_ =	swait.ge [sflag:s18], $0x4000  }
0xf0: {  	[sflag:s18] =	ssyncset.done $0x0  }
0xf1: {  	[sflag:s18] =	ssyncadd.s32 $0xFFFFC000  }
0xf2: {  	_ =	swait.ge [sflag:s24], $0x4000  }
0xf3: {  	[sflag:s24] =	ssyncset.done $0x0  }
0xf4: {  	[sflag:s24] =	ssyncadd.s32 $0xFFFFC000  }
0xf5: {  	[tilespmem:s21], [sflag:$0x1] =	stream.indirect.gather [hbm4b:s5+s20], $0x80, s30, s20, $0xb8;
	[tilespmem:$0x1C800] =	vst v63  }
0xf6: {  	_ = 	snop  }
0xf7: {  	[spmem:s2] =	stream.indirect.scatter.add.f32 [tilespmem:s23], [sflag:$0x3], $0x80, s31, s20, $0xb8;
	[tilespmem:$0x1C800] =	vst v63  }
0xf8: {  	_ =	swait.ge [sflag:s18], $0x4000  }
0xf9: {  	[sflag:s18] =	ssyncset.done $0x0  }
0xfa: {  	[sflag:s18] =	ssyncadd.s32 $0xFFFFC000  }
0xfb: {  	_ =	swait.ge [sflag:s22], $0x4000  }
0xfc: {  	[sflag:s22] =	ssyncset.done $0x0  }
0xfd: {  	[sflag:s22] =	ssyncadd.s32 $0xFFFFC000  }
0xfe: {  	[tilespmem:s23], [sflag:$0x2] =	stream.indirect.gather [hbm4b:s5+s20], $0x80, s0, s20, $0xb8;
	[tilespmem:$0x1C800] =	vst v63  }
0xff: {  	_ = 	snop  }
0x100: {  	[spmem:s2] =	stream.indirect.scatter.add.f32 [tilespmem:s21], [sflag:$0x3], $0x80, s1, s20, $0xb8;
	[tilespmem:$0x1C800] =	vst v63  }
0x101: {  	_ =	swait.ge [sflag:s18], $0x4000  }
0x102: {  	[sflag:s18] =	ssyncset.done $0x0  }
0x103: {  	[sflag:s18] =	ssyncadd.s32 $0xFFFFC000  }
0x104: {  	_ =	swait.ge [sflag:s24], $0x4000  }
0x105: {  	[sflag:s24] =	ssyncset.done $0x0  }
0x106: {  	[sflag:s24] =	ssyncadd.s32 $0xFFFFC000  }
0x107: {  	[tilespmem:s21], [sflag:$0x1] =	stream.indirect.gather [hbm4b:s5+s20], $0x80, s8, s20, $0xb8;
	[tilespmem:$0x1C800] =	vst v63  }
0x108: {  	_ = 	snop  }
0x109: {  	[spmem:s2] =	stream.indirect.scatter.add.f32 [tilespmem:s23], [sflag:$0x3], $0x80, s6, s20, $0xb8;
	[tilespmem:$0x1C800] =	vst v63  }
0x10a: {  	_ =	swait.ge [sflag:s18], $0x4000  }
0x10b: {  	[sflag:s18] =	ssyncset.done $0x0  }
0x10c: {  	[sflag:s18] =	ssyncadd.s32 $0xFFFFC000  }
0x10d: {  	_ =	swait.ge [sflag:s22], $0x4000  }
0x10e: {  	[sflag:s22] =	ssyncset.done $0x0  }
0x10f: {  	[sflag:s22] =	ssyncadd.s32 $0xFFFFC000  }
0x110: {  	[tilespmem:s23], [sflag:$0x2] =	stream.indirect.gather [hbm4b:s5+s20], $0x80, s9, s20, $0xb8;
	[tilespmem:$0x1C800] =	vst v63  }
0x111: {  	_ = 	snop  }
0x112: {  	[spmem:s2] =	stream.indirect.scatter.add.f32 [tilespmem:s21], [sflag:$0x3], $0x80, s7, s20, $0xb8;
	[tilespmem:$0x1C800] =	vst v63  }
0x113: {  	_ =	swait.ge [sflag:s18], $0x4000  }
0x114: {  	[sflag:s18] =	ssyncset.done $0x0  }
0x115: {  	[sflag:s18] =	ssyncadd.s32 $0xFFFFC000  }
0x116: {  	_ =	swait.ge [sflag:s24], $0x4000  }
.Ltmp3:
0x117: {  	[sflag:s24] =	ssyncset.done $0x0;
	(pc) =	sbr.rel @p1 .LBB2_6-.Ltmp3, $4  }
0x118: {  	[sflag:s24] =	ssyncadd.s32 $0xFFFFC000  }
0x119: {  	[spmem:s2] =	stream.indirect.scatter.add.f32 [tilespmem:s23], [sflag:$0x3], $0x80, s14, s20, $0xb8;
	[tilespmem:$0x1C800] =	vst v63  }
0x11a: {  	_ =	swait.ge [sflag:s18], $0x4000  }
0x11b: {  	s17 =	smov.u32 s16;
	[sflag:s18] =	ssyncset.done $0x0  }
.Ltmp4:
0x11c: {  	_ = 	snop;
	(pc) =	sbr.rel .LBB2_7-.Ltmp4, $1  }
0x11d: {  	_ =	sdelay $0x3  }
.LBB2_2:
0x11e: {  	s4 =	rddreg [dreg:$0xc]  }
0x11f: {  	s17 =	rddreg [dreg:$0x7];
	s10 =	sor.u32 $0x1C03, s4  }
0x120: {  	[dreg:$0x10] =	wrdreg s10  }
0x121: {  	[spmem:s16], [sflag:s10] =	dma.local [hbm:s17], $0x2800  }
0x122: {  	_ =	swait.ge [sflag:s18], $0x2800  }
0x123: {  	[sflag:s18] =	ssyncset.done $0x0  }
0x124: {  	[sflag:s18] =	ssyncadd.s32 $0xFFFFD800  }
0x125: {  	s16 =	sadd.s32 $0x0, s11;
	[bflag:$0x0] =	sbarrier.arrive $0xFFFF  }
0x126: {  	[tilespmem:s3], [sflag:$0x3] =	stream.linear.gather [hbm4b:s16+s3], $0x400, $0x38;
	[tilespmem:$0x1C800] =	vst v63  }
0x127: {  	_ =	swait.ge [sflag:s18], $0x400  }
0x128: {  	[sflag:s18] =	ssyncset.done $0x0  }
0x129: {  	s17 =	sadd.s32 $0x0, s12;
	[sflag:s18] =	ssyncadd.s32 $0xFFFFFC00  }
0x12a: {  	[tilespmem:s19], [sflag:$0x3] =	stream.linear.gather [hbm4b:s17+s3], $0x400, $0x38;
	[tilespmem:$0x1C800] =	vst v63  }
0x12b: {  	_ =	swait.ge [sflag:s18], $0x400  }
0x12c: {  	[sflag:s18] =	ssyncset.done $0x0  }
0x12d: {  	[sflag:s18] =	ssyncadd.s32 $0xFFFFFC00  }
0x12e: {  	[tilespmem:s21], [sflag:$0x1] =	stream.indirect.gather [hbm4b:s5+s20], $0x80, s3, s20, $0xb8;
	[tilespmem:$0x1C800] =	vst v63  }
0x12f: {  	_ =	swait.ge [sflag:s22], $0x4000  }
0x130: {  	[sflag:s22] =	ssyncset.done $0x0  }
0x131: {  	[sflag:s22] =	ssyncadd.s32 $0xFFFFC000  }
0x132: {  	[tilespmem:s23], [sflag:$0x2] =	stream.indirect.gather [hbm4b:s5+s20], $0x80, s20, s20, $0xb8;
	[tilespmem:$0x1C800] =	vst v63  }
0x133: {  	_ = 	snop  }
0x134: {  	[spmem:s2] =	stream.indirect.scatter.add.f32 [tilespmem:s21], [sflag:$0x3], $0x80, s19, s20, $0xb8;
	[tilespmem:$0x1C800] =	vst v63  }
0x135: {  	_ =	swait.ge [sflag:s18], $0x4000  }
0x136: {  	[sflag:s18] =	ssyncset.done $0x0  }
0x137: {  	[sflag:s18] =	ssyncadd.s32 $0xFFFFC000  }
0x138: {  	_ =	swait.ge [sflag:s24], $0x4000  }
0x139: {  	[sflag:s24] =	ssyncset.done $0x0  }
0x13a: {  	[sflag:s24] =	ssyncadd.s32 $0xFFFFC000  }
0x13b: {  	[tilespmem:s21], [sflag:$0x1] =	stream.indirect.gather [hbm4b:s5+s20], $0x80, s25, s20, $0xb8;
	[tilespmem:$0x1C800] =	vst v63  }
0x13c: {  	_ = 	snop  }
0x13d: {  	[spmem:s2] =	stream.indirect.scatter.add.f32 [tilespmem:s23], [sflag:$0x3], $0x80, s26, s20, $0xb8;
	[tilespmem:$0x1C800] =	vst v63  }
0x13e: {  	_ =	swait.ge [sflag:s18], $0x4000  }
0x13f: {  	[sflag:s18] =	ssyncset.done $0x0  }
0x140: {  	[sflag:s18] =	ssyncadd.s32 $0xFFFFC000  }
0x141: {  	_ =	swait.ge [sflag:s22], $0x4000  }
0x142: {  	[sflag:s22] =	ssyncset.done $0x0  }
0x143: {  	[sflag:s22] =	ssyncadd.s32 $0xFFFFC000  }
0x144: {  	[tilespmem:s23], [sflag:$0x2] =	stream.indirect.gather [hbm4b:s5+s20], $0x80, s28, s20, $0xb8;
	[tilespmem:$0x1C800] =	vst v63  }
0x145: {  	_ = 	snop  }
0x146: {  	[spmem:s2] =	stream.indirect.scatter.add.f32 [tilespmem:s21], [sflag:$0x3], $0x80, s29, s20, $0xb8;
	[tilespmem:$0x1C800] =	vst v63  }
0x147: {  	_ =	swait.ge [sflag:s18], $0x4000  }
0x148: {  	[sflag:s18] =	ssyncset.done $0x0  }
0x149: {  	[sflag:s18] =	ssyncadd.s32 $0xFFFFC000  }
0x14a: {  	_ =	swait.ge [sflag:s24], $0x4000  }
0x14b: {  	[sflag:s24] =	ssyncset.done $0x0  }
0x14c: {  	[sflag:s24] =	ssyncadd.s32 $0xFFFFC000  }
0x14d: {  	[tilespmem:s21], [sflag:$0x1] =	stream.indirect.gather [hbm4b:s5+s20], $0x80, s30, s20, $0xb8;
	[tilespmem:$0x1C800] =	vst v63  }
0x14e: {  	_ = 	snop  }
0x14f: {  	[spmem:s2] =	stream.indirect.scatter.add.f32 [tilespmem:s23], [sflag:$0x3], $0x80, s31, s20, $0xb8;
	[tilespmem:$0x1C800] =	vst v63  }
0x150: {  	_ =	swait.ge [sflag:s18], $0x4000  }
0x151: {  	[sflag:s18] =	ssyncset.done $0x0  }
0x152: {  	[sflag:s18] =	ssyncadd.s32 $0xFFFFC000  }
0x153: {  	_ =	swait.ge [sflag:s22], $0x4000  }
0x154: {  	[sflag:s22] =	ssyncset.done $0x0  }
0x155: {  	[sflag:s22] =	ssyncadd.s32 $0xFFFFC000  }
0x156: {  	[tilespmem:s23], [sflag:$0x2] =	stream.indirect.gather [hbm4b:s5+s20], $0x80, s0, s20, $0xb8;
	[tilespmem:$0x1C800] =	vst v63  }
0x157: {  	_ = 	snop  }
0x158: {  	[spmem:s2] =	stream.indirect.scatter.add.f32 [tilespmem:s21], [sflag:$0x3], $0x80, s1, s20, $0xb8;
	[tilespmem:$0x1C800] =	vst v63  }
0x159: {  	_ =	swait.ge [sflag:s18], $0x4000  }
0x15a: {  	[sflag:s18] =	ssyncset.done $0x0  }
0x15b: {  	[sflag:s18] =	ssyncadd.s32 $0xFFFFC000  }
0x15c: {  	_ =	swait.ge [sflag:s24], $0x4000  }
0x15d: {  	[sflag:s24] =	ssyncset.done $0x0  }
0x15e: {  	[sflag:s24] =	ssyncadd.s32 $0xFFFFC000  }
0x15f: {  	[tilespmem:s21], [sflag:$0x1] =	stream.indirect.gather [hbm4b:s5+s20], $0x80, s8, s20, $0xb8;
	[tilespmem:$0x1C800] =	vst v63  }
0x160: {  	_ = 	snop  }
0x161: {  	[spmem:s2] =	stream.indirect.scatter.add.f32 [tilespmem:s23], [sflag:$0x3], $0x80, s6, s20, $0xb8;
	[tilespmem:$0x1C800] =	vst v63  }
0x162: {  	_ =	swait.ge [sflag:s18], $0x4000  }
0x163: {  	[sflag:s18] =	ssyncset.done $0x0  }
0x164: {  	[sflag:s18] =	ssyncadd.s32 $0xFFFFC000  }
0x165: {  	_ =	swait.ge [sflag:s22], $0x4000  }
0x166: {  	[sflag:s22] =	ssyncset.done $0x0  }
0x167: {  	[sflag:s22] =	ssyncadd.s32 $0xFFFFC000  }
0x168: {  	[tilespmem:s23], [sflag:$0x2] =	stream.indirect.gather [hbm4b:s5+s20], $0x80, s9, s20, $0xb8;
	[tilespmem:$0x1C800] =	vst v63  }
0x169: {  	_ = 	snop  }
0x16a: {  	[spmem:s2] =	stream.indirect.scatter.add.f32 [tilespmem:s21], [sflag:$0x3], $0x80, s7, s20, $0xb8;
	[tilespmem:$0x1C800] =	vst v63  }
0x16b: {  	_ =	swait.ge [sflag:s18], $0x4000  }
0x16c: {  	[sflag:s18] =	ssyncset.done $0x0  }
0x16d: {  	[sflag:s18] =	ssyncadd.s32 $0xFFFFC000  }
0x16e: {  	_ =	swait.ge [sflag:s24], $0x4000  }
0x16f: {  	[sflag:s24] =	ssyncset.done $0x0  }
0x170: {  	[sflag:s24] =	ssyncadd.s32 $0xFFFFC000  }
0x171: {  	[spmem:s2] =	stream.indirect.scatter.add.f32 [tilespmem:s23], [sflag:$0x3], $0x80, s14, s20, $0xb8;
	[tilespmem:$0x1C800] =	vst v63  }
0x172: {  	_ =	swait.ge [sflag:s18], $0x4000  }
0x173: {  	s4 =	simm.s32 $0x80;
	s17 =	simm.s32 $0x100;
	[sflag:s18] =	ssyncset.done $0x0  }
.LBB2_3:
0x174: {  	s10 =	sadd.s32 s4, s11  }
0x175: {  	[sflag:s18] =	ssyncadd.s32 $0xFFFFC000;
	s11 =	smov.u32 s17;
	s16 =	sadd.s32 $0x80, s17  }
0x176: {  	[tilespmem:s3], [sflag:$0x3] =	stream.linear.gather [hbm4b:s10+s3], $0x400, $0x38;
	[tilespmem:$0x1C800] =	vst v63  }
0x177: {  	p1 =	seq.s32 s17, $0x480;
	_ =	swait.ge [sflag:s18], $0x400  }
0x178: {  	s10 =	sadd.s32 s4, s12;
	[sflag:s18] =	ssyncset.done $0x0  }
0x179: {  	s4 =	smov.u32 s11;
	s11 =	smov.u32 s13;
	[sflag:s18] =	ssyncadd.s32 $0xFFFFFC00  }
0x17a: {  	[tilespmem:s19], [sflag:$0x3] =	stream.linear.gather [hbm4b:s10+s3], $0x400, $0x38;
	[tilespmem:$0x1C800] =	vst v63  }
0x17b: {  	_ =	swait.ge [sflag:s18], $0x400  }
0x17c: {  	[sflag:s18] =	ssyncset.done $0x0  }
0x17d: {  	[sflag:s18] =	ssyncadd.s32 $0xFFFFFC00  }
0x17e: {  	[tilespmem:s21], [sflag:$0x1] =	stream.indirect.gather [hbm4b:s5+s20], $0x80, s3, s20, $0xb8;
	[tilespmem:$0x1C800] =	vst v63  }
0x17f: {  	_ =	swait.ge [sflag:s22], $0x4000  }
0x180: {  	[sflag:s22] =	ssyncset.done $0x0  }
0x181: {  	[sflag:s22] =	ssyncadd.s32 $0xFFFFC000  }
0x182: {  	[tilespmem:s23], [sflag:$0x2] =	stream.indirect.gather [hbm4b:s5+s20], $0x80, s20, s20, $0xb8;
	[tilespmem:$0x1C800] =	vst v63  }
0x183: {  	_ = 	snop  }
0x184: {  	[spmem:s2] =	stream.indirect.scatter.add.f32 [tilespmem:s21], [sflag:$0x3], $0x80, s19, s20, $0xb8;
	[tilespmem:$0x1C800] =	vst v63  }
0x185: {  	_ =	swait.ge [sflag:s18], $0x4000  }
0x186: {  	[sflag:s18] =	ssyncset.done $0x0  }
0x187: {  	[sflag:s18] =	ssyncadd.s32 $0xFFFFC000  }
0x188: {  	_ =	swait.ge [sflag:s24], $0x4000  }
0x189: {  	[sflag:s24] =	ssyncset.done $0x0  }
0x18a: {  	[sflag:s24] =	ssyncadd.s32 $0xFFFFC000  }
0x18b: {  	[tilespmem:s21], [sflag:$0x1] =	stream.indirect.gather [hbm4b:s5+s20], $0x80, s25, s20, $0xb8;
	[tilespmem:$0x1C800] =	vst v63  }
0x18c: {  	_ = 	snop  }
0x18d: {  	[spmem:s2] =	stream.indirect.scatter.add.f32 [tilespmem:s23], [sflag:$0x3], $0x80, s26, s20, $0xb8;
	[tilespmem:$0x1C800] =	vst v63  }
0x18e: {  	_ =	swait.ge [sflag:s18], $0x4000  }
0x18f: {  	[sflag:s18] =	ssyncset.done $0x0  }
0x190: {  	[sflag:s18] =	ssyncadd.s32 $0xFFFFC000  }
0x191: {  	_ =	swait.ge [sflag:s22], $0x4000  }
0x192: {  	[sflag:s22] =	ssyncset.done $0x0  }
0x193: {  	[sflag:s22] =	ssyncadd.s32 $0xFFFFC000  }
0x194: {  	[tilespmem:s23], [sflag:$0x2] =	stream.indirect.gather [hbm4b:s5+s20], $0x80, s28, s20, $0xb8;
	[tilespmem:$0x1C800] =	vst v63  }
0x195: {  	_ = 	snop  }
0x196: {  	[spmem:s2] =	stream.indirect.scatter.add.f32 [tilespmem:s21], [sflag:$0x3], $0x80, s29, s20, $0xb8;
	[tilespmem:$0x1C800] =	vst v63  }
0x197: {  	_ =	swait.ge [sflag:s18], $0x4000  }
0x198: {  	[sflag:s18] =	ssyncset.done $0x0  }
0x199: {  	[sflag:s18] =	ssyncadd.s32 $0xFFFFC000  }
0x19a: {  	_ =	swait.ge [sflag:s24], $0x4000  }
0x19b: {  	[sflag:s24] =	ssyncset.done $0x0  }
0x19c: {  	[sflag:s24] =	ssyncadd.s32 $0xFFFFC000  }
0x19d: {  	[tilespmem:s21], [sflag:$0x1] =	stream.indirect.gather [hbm4b:s5+s20], $0x80, s30, s20, $0xb8;
	[tilespmem:$0x1C800] =	vst v63  }
0x19e: {  	_ = 	snop  }
0x19f: {  	[spmem:s2] =	stream.indirect.scatter.add.f32 [tilespmem:s23], [sflag:$0x3], $0x80, s31, s20, $0xb8;
	[tilespmem:$0x1C800] =	vst v63  }
0x1a0: {  	_ =	swait.ge [sflag:s18], $0x4000  }
0x1a1: {  	[sflag:s18] =	ssyncset.done $0x0  }
0x1a2: {  	[sflag:s18] =	ssyncadd.s32 $0xFFFFC000  }
0x1a3: {  	_ =	swait.ge [sflag:s22], $0x4000  }
0x1a4: {  	[sflag:s22] =	ssyncset.done $0x0  }
0x1a5: {  	[sflag:s22] =	ssyncadd.s32 $0xFFFFC000  }
0x1a6: {  	[tilespmem:s23], [sflag:$0x2] =	stream.indirect.gather [hbm4b:s5+s20], $0x80, s0, s20, $0xb8;
	[tilespmem:$0x1C800] =	vst v63  }
0x1a7: {  	_ = 	snop  }
0x1a8: {  	[spmem:s2] =	stream.indirect.scatter.add.f32 [tilespmem:s21], [sflag:$0x3], $0x80, s1, s20, $0xb8;
	[tilespmem:$0x1C800] =	vst v63  }
0x1a9: {  	_ =	swait.ge [sflag:s18], $0x4000  }
0x1aa: {  	[sflag:s18] =	ssyncset.done $0x0  }
0x1ab: {  	[sflag:s18] =	ssyncadd.s32 $0xFFFFC000  }
0x1ac: {  	_ =	swait.ge [sflag:s24], $0x4000  }
0x1ad: {  	[sflag:s24] =	ssyncset.done $0x0  }
0x1ae: {  	[sflag:s24] =	ssyncadd.s32 $0xFFFFC000  }
0x1af: {  	[tilespmem:s21], [sflag:$0x1] =	stream.indirect.gather [hbm4b:s5+s20], $0x80, s8, s20, $0xb8;
	[tilespmem:$0x1C800] =	vst v63  }
0x1b0: {  	_ = 	snop  }
0x1b1: {  	[spmem:s2] =	stream.indirect.scatter.add.f32 [tilespmem:s23], [sflag:$0x3], $0x80, s6, s20, $0xb8;
	[tilespmem:$0x1C800] =	vst v63  }
0x1b2: {  	_ =	swait.ge [sflag:s18], $0x4000  }
0x1b3: {  	[sflag:s18] =	ssyncset.done $0x0  }
0x1b4: {  	[sflag:s18] =	ssyncadd.s32 $0xFFFFC000  }
0x1b5: {  	_ =	swait.ge [sflag:s22], $0x4000  }
0x1b6: {  	[sflag:s22] =	ssyncset.done $0x0  }
0x1b7: {  	[sflag:s22] =	ssyncadd.s32 $0xFFFFC000  }
0x1b8: {  	[tilespmem:s23], [sflag:$0x2] =	stream.indirect.gather [hbm4b:s5+s20], $0x80, s9, s20, $0xb8;
	[tilespmem:$0x1C800] =	vst v63  }
0x1b9: {  	_ = 	snop  }
0x1ba: {  	[spmem:s2] =	stream.indirect.scatter.add.f32 [tilespmem:s21], [sflag:$0x3], $0x80, s7, s20, $0xb8;
	[tilespmem:$0x1C800] =	vst v63  }
0x1bb: {  	_ =	swait.ge [sflag:s18], $0x4000  }
0x1bc: {  	[sflag:s18] =	ssyncset.done $0x0  }
0x1bd: {  	[sflag:s18] =	ssyncadd.s32 $0xFFFFC000  }
0x1be: {  	_ =	swait.ge [sflag:s24], $0x4000  }
.Ltmp5:
0x1bf: {  	[sflag:s24] =	ssyncset.done $0x0;
	(pc) =	sbr.rel @!p1 .LBB2_3-.Ltmp5, $4  }
0x1c0: {  	[sflag:s24] =	ssyncadd.s32 $0xFFFFC000  }
0x1c1: {  	[spmem:s2] =	stream.indirect.scatter.add.f32 [tilespmem:s23], [sflag:$0x3], $0x80, s14, s20, $0xb8;
	[tilespmem:$0x1C800] =	vst v63  }
0x1c2: {  	_ =	swait.ge [sflag:s18], $0x4000  }
0x1c3: {  	s17 =	smov.u32 s16;
	[sflag:s18] =	ssyncset.done $0x0  }
0x1c4: {  	s10 =	sadd.s32 s4, s11;
	[sflag:s18] =	ssyncadd.s32 $0xFFFFC000  }
0x1c5: {  	[tilespmem:s3], [sflag:$0x3] =	stream.linear.gather [hbm4b:s10+s3], $0x400, $0x38;
	[tilespmem:$0x1C800] =	vst v63  }
0x1c6: {  	_ =	swait.ge [sflag:s18], $0x400  }
0x1c7: {  	[sflag:s18] =	ssyncset.done $0x0  }
0x1c8: {  	s17 =	sadd.s32 s4, s12;
	[sflag:s18] =	ssyncadd.s32 $0xFFFFFC00  }
0x1c9: {  	[tilespmem:s19], [sflag:$0x3] =	stream.linear.gather [hbm4b:s17+s3], $0x400, $0x38;
	[tilespmem:$0x1C800] =	vst v63  }
0x1ca: {  	_ =	swait.ge [sflag:s18], $0x400  }
0x1cb: {  	[sflag:s18] =	ssyncset.done $0x0  }
0x1cc: {  	[sflag:s18] =	ssyncadd.s32 $0xFFFFFC00  }
0x1cd: {  	[tilespmem:s21], [sflag:$0x1] =	stream.indirect.gather [hbm4b:s5+s20], $0x80, s3, s20, $0xb8;
	[tilespmem:$0x1C800] =	vst v63  }
0x1ce: {  	_ =	swait.ge [sflag:s22], $0x4000  }
0x1cf: {  	[sflag:s22] =	ssyncset.done $0x0  }
0x1d0: {  	[sflag:s22] =	ssyncadd.s32 $0xFFFFC000  }
0x1d1: {  	[tilespmem:s23], [sflag:$0x2] =	stream.indirect.gather [hbm4b:s5+s20], $0x80, s20, s20, $0xb8;
	[tilespmem:$0x1C800] =	vst v63  }
0x1d2: {  	_ = 	snop  }
0x1d3: {  	[spmem:s2] =	stream.indirect.scatter.add.f32 [tilespmem:s21], [sflag:$0x3], $0x80, s19, s20, $0xb8;
	[tilespmem:$0x1C800] =	vst v63  }
0x1d4: {  	_ =	swait.ge [sflag:s18], $0x4000  }
0x1d5: {  	[sflag:s18] =	ssyncset.done $0x0  }
0x1d6: {  	[sflag:s18] =	ssyncadd.s32 $0xFFFFC000  }
0x1d7: {  	_ =	swait.ge [sflag:s24], $0x4000  }
0x1d8: {  	[sflag:s24] =	ssyncset.done $0x0  }
0x1d9: {  	[sflag:s24] =	ssyncadd.s32 $0xFFFFC000  }
0x1da: {  	[tilespmem:s21], [sflag:$0x1] =	stream.indirect.gather [hbm4b:s5+s20], $0x80, s25, s20, $0xb8;
	[tilespmem:$0x1C800] =	vst v63  }
0x1db: {  	_ = 	snop  }
0x1dc: {  	[spmem:s2] =	stream.indirect.scatter.add.f32 [tilespmem:s23], [sflag:$0x3], $0x80, s26, s20, $0xb8;
	[tilespmem:$0x1C800] =	vst v63  }
0x1dd: {  	_ =	swait.ge [sflag:s18], $0x4000  }
0x1de: {  	[sflag:s18] =	ssyncset.done $0x0  }
0x1df: {  	[sflag:s18] =	ssyncadd.s32 $0xFFFFC000  }
0x1e0: {  	_ =	swait.ge [sflag:s22], $0x4000  }
0x1e1: {  	[sflag:s22] =	ssyncset.done $0x0  }
0x1e2: {  	[sflag:s22] =	ssyncadd.s32 $0xFFFFC000  }
0x1e3: {  	[tilespmem:s23], [sflag:$0x2] =	stream.indirect.gather [hbm4b:s5+s20], $0x80, s28, s20, $0xb8;
	[tilespmem:$0x1C800] =	vst v63  }
0x1e4: {  	_ = 	snop  }
0x1e5: {  	[spmem:s2] =	stream.indirect.scatter.add.f32 [tilespmem:s21], [sflag:$0x3], $0x80, s29, s20, $0xb8;
	[tilespmem:$0x1C800] =	vst v63  }
0x1e6: {  	_ =	swait.ge [sflag:s18], $0x4000  }
0x1e7: {  	[sflag:s18] =	ssyncset.done $0x0  }
0x1e8: {  	[sflag:s18] =	ssyncadd.s32 $0xFFFFC000  }
0x1e9: {  	_ =	swait.ge [sflag:s24], $0x4000  }
0x1ea: {  	[sflag:s24] =	ssyncset.done $0x0  }
0x1eb: {  	[sflag:s24] =	ssyncadd.s32 $0xFFFFC000  }
0x1ec: {  	[tilespmem:s21], [sflag:$0x1] =	stream.indirect.gather [hbm4b:s5+s20], $0x80, s30, s20, $0xb8;
	[tilespmem:$0x1C800] =	vst v63  }
0x1ed: {  	_ = 	snop  }
0x1ee: {  	[spmem:s2] =	stream.indirect.scatter.add.f32 [tilespmem:s23], [sflag:$0x3], $0x80, s31, s20, $0xb8;
	[tilespmem:$0x1C800] =	vst v63  }
0x1ef: {  	_ =	swait.ge [sflag:s18], $0x4000  }
0x1f0: {  	[sflag:s18] =	ssyncset.done $0x0  }
0x1f1: {  	[sflag:s18] =	ssyncadd.s32 $0xFFFFC000  }
0x1f2: {  	_ =	swait.ge [sflag:s22], $0x4000  }
0x1f3: {  	[sflag:s22] =	ssyncset.done $0x0  }
0x1f4: {  	[sflag:s22] =	ssyncadd.s32 $0xFFFFC000  }
0x1f5: {  	[tilespmem:s23], [sflag:$0x2] =	stream.indirect.gather [hbm4b:s5+s20], $0x80, s0, s20, $0xb8;
	[tilespmem:$0x1C800] =	vst v63  }
0x1f6: {  	_ = 	snop  }
0x1f7: {  	[spmem:s2] =	stream.indirect.scatter.add.f32 [tilespmem:s21], [sflag:$0x3], $0x80, s1, s20, $0xb8;
	[tilespmem:$0x1C800] =	vst v63  }
0x1f8: {  	_ =	swait.ge [sflag:s18], $0x4000  }
0x1f9: {  	[sflag:s18] =	ssyncset.done $0x0  }
0x1fa: {  	[sflag:s18] =	ssyncadd.s32 $0xFFFFC000  }
0x1fb: {  	_ =	swait.ge [sflag:s24], $0x4000  }
0x1fc: {  	[sflag:s24] =	ssyncset.done $0x0  }
0x1fd: {  	[sflag:s24] =	ssyncadd.s32 $0xFFFFC000  }
0x1fe: {  	[tilespmem:s21], [sflag:$0x1] =	stream.indirect.gather [hbm4b:s5+s20], $0x80, s8, s20, $0xb8;
	[tilespmem:$0x1C800] =	vst v63  }
0x1ff: {  	_ = 	snop  }
0x200: {  	[spmem:s2] =	stream.indirect.scatter.add.f32 [tilespmem:s23], [sflag:$0x3], $0x80, s6, s20, $0xb8;
	[tilespmem:$0x1C800] =	vst v63  }
0x201: {  	_ =	swait.ge [sflag:s18], $0x4000  }
0x202: {  	[sflag:s18] =	ssyncset.done $0x0  }
0x203: {  	[sflag:s18] =	ssyncadd.s32 $0xFFFFC000  }
0x204: {  	_ =	swait.ge [sflag:s22], $0x4000  }
0x205: {  	[sflag:s22] =	ssyncset.done $0x0  }
0x206: {  	[sflag:s22] =	ssyncadd.s32 $0xFFFFC000  }
0x207: {  	[tilespmem:s23], [sflag:$0x2] =	stream.indirect.gather [hbm4b:s5+s20], $0x80, s9, s20, $0xb8;
	[tilespmem:$0x1C800] =	vst v63  }
0x208: {  	_ = 	snop  }
0x209: {  	[spmem:s2] =	stream.indirect.scatter.add.f32 [tilespmem:s21], [sflag:$0x3], $0x80, s7, s20, $0xb8;
	[tilespmem:$0x1C800] =	vst v63  }
0x20a: {  	_ =	swait.ge [sflag:s18], $0x4000  }
0x20b: {  	[sflag:s18] =	ssyncset.done $0x0  }
0x20c: {  	[sflag:s18] =	ssyncadd.s32 $0xFFFFC000  }
0x20d: {  	_ =	swait.ge [sflag:s24], $0x4000  }
0x20e: {  	[sflag:s24] =	ssyncset.done $0x0  }
0x20f: {  	[sflag:s24] =	ssyncadd.s32 $0xFFFFC000  }
0x210: {  	[spmem:s2] =	stream.indirect.scatter.add.f32 [tilespmem:s23], [sflag:$0x3], $0x80, s14, s20, $0xb8;
	[tilespmem:$0x1C800] =	vst v63  }
.Ltmp6:
0x211: {  	_ = 	snop;
	(pc) =	sbr.rel .LBB2_8-.Ltmp6, $4  }
0x212: {  	_ =	swait.ge [sflag:s18], $0x4000  }
0x213: {  	s4 =	rddreg [dreg:$0x5]  }
0x214: {  	[sflag:s18] =	ssyncset.done $0x0;
	s17 =	rddreg [dreg:$0xf]  }
0x215: {  	s12 =	rddreg [dreg:$0x10];
	[sflag:s18] =	ssyncadd.s32 $0xFFFFC000  }
.LBB2_9:
0x216: {  	_ =	sfence.sel $0x180000  }
0x217: {  	[bflag:$0x0] =	sbarrier.arrive $0xFFFF  }
0x218: {  	_ =	strace $0x9000004D  }
0x219: {  	s0 =	stileid.u32;
	[bflag:$0x2] =	sbarrier.arrive $0xFFFF  }
0x21a: {  	p0 =	sne.s32 s0, $0x0;
	s0 =	rddreg [dreg:$0x3]  }
0x21b: {  	s0 =	sadd.s32 @!p0 $0x100000, s0  }
0x21c: {  	[sflag:s0] =	ssyncadd.tile.s32 @!p0 $0x1;
	_ =	shalt  }
.Lfunc_end2:
_tile_overlayer_lowered:
.L_overlay_start_2:
0x21d: {  	(tag) =	ssettag $0x2  }
0x21e: {  	s0 =	rddreg [dreg:$0x0];
	s2 =	stileid.u32  }
0x21f: {  	s1 =	rddreg [dreg:$0x1];
	p0 =	sne.s32 s2, $0x0  }
0x220: {  	s3 =	rddreg [dreg:$0x2];
	[bflag:$0x3] =	sbarrier.arrive $0xFFFF;
	s2 =	simm.s32 @!p0 $0x1C03  }
0x221: {  	[timem:s3], [sflag:s2] =	dma.local @!p0 [hbm:s0], s1  }
0x222: {  	s0 =	simm.s32 @!p0 $0x3  }
0x223: {  	_ =	swait.ge @!p0 [sflag:s0], s1  }
0x224: {  	s1 =	ssub.s32 @!p0 $0x0, s1;
	[sflag:s0] =	ssyncset.done @!p0 $0x0  }
0x225: {  	[sflag:s0] =	ssyncadd.s32 @!p0 s1  }
0x226: {  	[bflag:$0x3] =	sbarrier.arrive $0xFFFF  }
0x227: {  	_ =	shalt  }

// kernel: kernel.8.cloned.1.call-start
scs
__scs_entry_jumppad:
0x0: {  	(pc) =	sbr.rel $0x88, $3  }
0x1: {  	(tag) =	ssettag $0x0;
	lr =	simm.s32 $0x1  }
0x2: {  	[smem:$0x3F99] =	sst lr;
	_ =	strace $0xD0000000  }
0x3: {  	_ = 	snop  }
0x4: {  	_ = 	snop  }
0x5: {  	_ = 	snop  }
0x6: {  	_ = 	snop  }
0x7: {  	_ = 	snop  }
__scs_overlays_trampoline_lowered:
0x8: {  	[smem:$0x3FA8] =	sst s0  }
0x9: {  	[smem:$0x3FA9] =	sst s1  }
0xa: {  	[smem:$0x3FAA] =	sst s2  }
0xb: {  	[smem:$0x3FAB] =	sst s3  }
0xc: {  	[smem:$0x3FAC] =	sst s4  }
0xd: {  	[smem:$0x3FAD] =	sst s5  }
0xe: {  	[smem:$0x3FAE] =	sst s6  }
0xf: {  	[smem:$0x3FAF] =	sst s7  }
0x10: {  	[smem:$0x3FB0] =	sst s8  }
0x11: {  	[smem:$0x3FB1] =	sst s9;
	s0 =	simm.s32 @!p0 $0x0  }
0x12: {  	s1 =	sld [smem:$0x3F97];
	s0 =	simm.s32 @p0 $0x1  }
0x13: {  	[smem:$0x3FB2] =	sst s0;
	s0 =	simm.s32 @!p1 $0x0  }
0x14: {  	s2 =	sld [smem:$0x3F96];
	s0 =	simm.s32 @p1 $0x1  }
0x15: {  	[smem:$0x3FB3] =	sst s0;
	s0 =	simm.s32 @!p2 $0x0  }
0x16: {  	s3 =	sld [smem:$0x3FDB];
	s0 =	simm.s32 @p2 $0x1  }
0x17: {  	s4 =	simm.s32 $0x1BF5;
	[smem:$0x3FB5] =	sst s0  }
0x18: {  	s0 =	sld [smem:$0x3F98];
	_ =	swait.ge [sflag:s4], $0x0  }
0x19: {  	s7 =	sld [smem:$0x3F99]  }
0x1a: {  	s8 =	sadd.s32 $0xFFFFE003, lr  }
0x1b: {  	s9 =	sadd.s32 $0xFFFFFEF7, lr;
	s5 =	simm.s32 $0xFFFFFFFF;
	p2 =	slt.u32 s8, $0xFFFFF086  }
0x1c: {  	p1 =	slt.u32 s9, $0xF7A;
	s5 =	simm.s32 @!p2 $0x0  }
0x1d: {  	s5 =	simm.s32 @p1 $0x1;
	p0 =	seq.s32 s7, s2  }
0x1e: {  	s7 =	smul.u32 @!p0 $0xF7A, s2;
	p2 =	seq.s32 @!p0 s5, $0x0  }
0x1f: {  	s9 =	smul.u32 $0xF7A, s1;
	s8 =	simm.s32 @!p0 $0x1BF5;
	p2 =	por !p2, p0  }
0x20: {  	[sflag:s8] =	ssyncset.s32 @!p0 $0xFFFFF086;
	s6 =	sadd.s32 @!p0 s3, s7;
	s7 =	simm.s32 @!p0 $0x108  }
0x21: {  	s3 =	sadd.s32 s3, s9;
	s6 =	sadd.s32 @!p0 $0x88, s6;
	s7 =	simm.s32 @p2 $0x1082  }
0x22: {  	[simem:s7], [sflag:s8] =	dma.local @!p0 [hbm:s6], $0xF7A  }
0x23: {  	s9 =	sor.u32 $0xD0000000, s2;
	s6 =	simm.s32 $0x108;
	_ =	swait.ge @!p0 [sflag:s8], $0x0  }
0x24: {  	s3 =	sadd.s32 $0x88, s3;
	s6 =	simm.s32 @!p1 $0x1082;
	[sflag:s4] =	ssyncset.s32 $0xFFFFF086  }
0x25: {  	[simem:s6], [sflag:s4] =	dma.local [hbm:s3], $0xF7A  }
0x26: {  	[smem:$0x3F99] =	sst s1;
	(tag) =	ssettag s2;
	_ =	strace s9  }
0x27: {  	s1 =	sld [smem:$0x3FA9]  }
0x28: {  	s2 =	sld [smem:$0x3FAA]  }
0x29: {  	s4 =	sld [smem:$0x3FAC]  }
0x2a: {  	p0 =	seq.s32 s5, $0x0;
	s5 =	sld [smem:$0x3FAD]  }
0x2b: {  	s6 =	sld [smem:$0x3FAE]  }
0x2c: {  	s7 =	sld [smem:$0x3FAF]  }
0x2d: {  	s3 =	simm.s32 $0x108;
	s8 =	sld [smem:$0x3FB0]  }
0x2e: {  	s3 =	simm.s32 @!p0 $0x1082;
	s9 =	sld [smem:$0x3FB1]  }
0x2f: {  	lr =	sadd.s32 s0, s3;
	s0 =	sld [smem:$0x3FA8]  }
0x30: {  	s3 =	sld [smem:$0x3FAB]  }
0x31: {  	[smem:$0x3FB4] =	sst s10  }
0x32: {  	s10 =	sld [smem:$0x3FB2];
	_ =	sdelay $0x3  }
0x33: {  	p0 =	seq.s32 s10, $0x1;
	s10 =	sld [smem:$0x3FB4];
	_ =	sdelay $0x3  }
0x34: {  	[smem:$0x3FB4] =	sst s10  }
0x35: {  	s10 =	sld [smem:$0x3FB3];
	_ =	sdelay $0x3  }
0x36: {  	p1 =	seq.s32 s10, $0x1;
	s10 =	sld [smem:$0x3FB4];
	_ =	sdelay $0x3  }
0x37: {  	[smem:$0x3FB4] =	sst s10  }
0x38: {  	s10 =	sld [smem:$0x3FB5]  }
0x39: {  	_ = 	snop;
	(pc) =	sbr.ind lr, $3  }
0x3a: {  	_ = 	snop  }
0x3b: {  	_ = 	snop  }
0x3c: {  	p2 =	seq.s32 s10, $0x1;
	s10 =	sld [smem:$0x3FB4]  }
0x3d: {  	_ =	shalt  }
0x3e: {  	_ =	shalt  }
0x3f: {  	_ =	shalt  }
0x40: {  	_ =	shalt  }
0x41: {  	_ =	shalt  }
0x42: {  	_ =	shalt  }
0x43: {  	_ =	shalt  }
0x44: {  	_ =	shalt  }
0x45: {  	_ =	shalt  }
0x46: {  	_ =	shalt  }
0x47: {  	_ =	shalt  }
0x48: {  	_ =	shalt  }
0x49: {  	_ =	shalt  }
0x4a: {  	_ =	shalt  }
0x4b: {  	_ =	shalt  }
0x4c: {  	_ =	shalt  }
0x4d: {  	_ =	shalt  }
0x4e: {  	_ =	shalt  }
0x4f: {  	_ =	shalt  }
0x50: {  	_ =	shalt  }
0x51: {  	_ =	shalt  }
0x52: {  	_ =	shalt  }
0x53: {  	_ =	shalt  }
0x54: {  	_ =	shalt  }
0x55: {  	_ =	shalt  }
0x56: {  	_ =	shalt  }
0x57: {  	_ =	shalt  }
0x58: {  	_ =	shalt  }
0x59: {  	_ =	shalt  }
0x5a: {  	_ =	shalt  }
0x5b: {  	_ =	shalt  }
0x5c: {  	_ =	shalt  }
0x5d: {  	_ =	shalt  }
0x5e: {  	_ =	shalt  }
0x5f: {  	_ =	shalt  }
0x60: {  	_ =	shalt  }
0x61: {  	_ =	shalt  }
0x62: {  	_ =	shalt  }
0x63: {  	_ =	shalt  }
0x64: {  	_ =	shalt  }
0x65: {  	_ =	shalt  }
0x66: {  	_ =	shalt  }
0x67: {  	_ =	shalt  }
0x68: {  	_ =	shalt  }
0x69: {  	_ =	shalt  }
0x6a: {  	_ =	shalt  }
0x6b: {  	_ =	shalt  }
0x6c: {  	_ =	shalt  }
0x6d: {  	_ =	shalt  }
0x6e: {  	_ =	shalt  }
0x6f: {  	_ =	shalt  }
0x70: {  	_ =	shalt  }
0x71: {  	_ =	shalt  }
0x72: {  	_ =	shalt  }
0x73: {  	_ =	shalt  }
0x74: {  	_ =	shalt  }
0x75: {  	_ =	shalt  }
0x76: {  	_ =	shalt  }
0x77: {  	_ =	shalt  }
0x78: {  	_ =	shalt  }
0x79: {  	_ =	shalt  }
0x7a: {  	_ =	shalt  }
0x7b: {  	_ =	shalt  }
0x7c: {  	_ =	shalt  }
0x7d: {  	_ =	shalt  }
0x7e: {  	_ =	shalt  }
0x7f: {  	_ =	shalt  }
0x80: {  	_ =	shalt  }
0x81: {  	_ =	shalt  }
0x82: {  	_ =	shalt  }
0x83: {  	_ =	shalt  }
0x84: {  	_ =	shalt  }
0x85: {  	_ =	shalt  }
0x86: {  	_ =	shalt  }
0x87: {  	_ =	shalt  }
.Lfunc_end0:
.L_simem_size_0:
called_computation_lowered:
.L_overlay_start_0:
0x88: {  	s2 =	sld [smem:$0x3FD9]  }
0x89: {  	s3 =	sld [smem:$0x3FFE];
	_ =	sdelay $0x1  }
0x8a: {  	s1 =	srdreg.scid  }
0x8b: {  	s0 =	sand.u32 $0x1, s1  }
0x8c: {  	s17 =	sshll.u32 s0, $0xA;
	s2 =	sadd.s32 s3, s2  }
0x8d: {  	s2 =	sadd.s32 s2, s17  }
0x8e: {  	[smem:$0x3FC0] =	sst s2  }
0x8f: {  	_ = 	snop  }
0x90: {  	s2 =	sld [smem:$0x3FD0];
	(tm) =	ssettm $0x1  }
0x91: {  	s18 =	sld [smem:$0x3FFB];
	_ =	sdelay $0x3  }
0x92: {  	_ =	strace s18  }
0x93: {  	s3 =	sld [smem:$0x3FFC];
	_ =	sdelay $0x3  }
0x94: {  	_ =	strace s3  }
0x95: {  	s3 =	sld [smem:$0x3FFD];
	_ =	sdelay $0x3  }
0x96: {  	_ =	strace s3  }
0x97: {  	_ =	strace $0x8FFFFFFF  }
0x98: {  	s19 =	sld [smem:$0x3FDB];
	_ =	sdelay $0x1  }
0x99: {  	s4 =	simm.s32 $_scs_section_size  }
0x9a: {  	s5 =	simm.s32 $_size__tile_overlayer_lowered;
	s6 =	simm.s32 $_tile_overlayer_lowered  }
0x9b: {  	s22 =	simm.s32 $0x1BFF;
	s21 =	sshll.u32 s6, $0x1;
	s3 =	sadd.s32 s4, s19  }
0x9c: {  	s7 =	simm.s32 $0x0;
	s20 =	sshll.u32 s5, $0x1;
	s5 =	sadd.s32 s21, s3  }
0x9d: {  	[timem:s7], [sflag:s22] =	dma.local [hbm:s5], s20  }
0x9e: {  	_ =	swait.ge [sflag:s22], s20  }
0x9f: {  	s4 =	ssub.s32 $0x0, s20;
	[sflag:s22] =	ssyncset.done $0x0  }
0xa0: {  	[sflag:s22] =	ssyncadd.s32 s4;
	_ =	sdelay $0x1  }
0xa1: {  	s23 =	simm.s32 $0x1B8B  }
0xa2: {  	_ =	swait.ge [sflag:s23], $0x1  }
0xa3: {  	[sflag:s23] =	ssyncset.done $0x0  }
0xa4: {  	s25 =	simm.s32 $0x1B8E;
	s24 =	sld [smem:$0x3FFE];
	[sflag:s23] =	ssyncadd.s32 $0xFFFFFFFF  }
0xa5: {  	s26 =	simm.s32 $execute0_lowered;
	[smem:$0x3FD2] =	sst s25  }
0xa6: {  	s5 =	sshll.u32 s26, $0x1;
	_ =	strace $0x80000046;
	[dreg:$0x1] =	wrdreg $0xFFFFFFFF  }
0xa7: {  	s28 =	simm.s32 $_size_execute0_lowered;
	s3 =	sadd.s32 s3, s5;
	[dreg:$0x0] =	wrdreg $0x0  }
0xa8: {  	s5 =	sshll.u32 s28, $0x1;
	[dreg:$0x2] =	wrdreg s3  }
0xa9: {  	[dreg:$0x3] =	wrdreg s5  }
0xaa: {  	[dreg:$0x4] =	wrdreg $0xC0  }
0xab: {  	_ =	task [dreg:s7], $0x5FFFF  }
0xac: {  	[dreg:$0x1] =	wrdreg $0xFFFFFFFF  }
0xad: {  	[dreg:$0x0] =	wrdreg $0x60  }
0xae: {  	[dreg:$0x2] =	wrdreg s2  }
0xaf: {  	[dreg:$0x3] =	wrdreg s24  }
0xb0: {  	[dreg:$0x4] =	wrdreg $0x50800  }
0xb1: {  	[dreg:$0x5] =	wrdreg $0x9  }
0xb2: {  	_ =	task.clear_ibuf [dreg:s7], $0x6FFFF;
	_ =	strace $0x90000046  }
0xb3: {  	s29 =	simm.s32 $0x9;
	_ =	strace $0x80000048  }
0xb4: {  	_ =	swait.ge [sflag:s29], $0x1  }
0xb5: {  	[sflag:s29] =	ssyncadd.s32 $0xFFFFFFFF  }
0xb6: {  	_ =	strace $0x90000048  }
0xb7: {  	_ =	sfence  }
0xb8: {  	s30 =	sld [smem:$0x0];
	_ =	sdelay $0x2  }
0xb9: {  	s31 =	sshll.u32 s1, $0xD;
	s1 =	sshrl.u32 s1, $0x2  }
0xba: {  	s3 =	sand.u32 $0x4000, s31;
	s1 =	sadd.s32 s1, s30  }
0xbb: {  	s0 =	sor.u32 s3, s0;
	s1 =	sshll.u32 s1, $0x11  }
0xbc: {  	s0 =	sor.u32 s1, s0  }
0xbd: {  	s0 =	sadd.s32 $0x8F2B, s0  }
0xbe: {  	[sflag:s0] =	ssyncadd.remote.s32 $0x1  }
0xbf: {  	_ =	sfence.sel $0xFFFF  }
0xc0: {  	[dreg:$0x0] =	wrdreg $0xFFFFFFFF;
	(pc) =	sbr.abs _section_cstart, $3  }
0xc1: {  	[dreg:$0x1] =	wrdreg $0xFFFFFFFF  }
0xc2: {  	_ =	task.clear_ibuf [dreg:s7], $0x2FFFF;
	_ =	strace $0x9FFFFFFF  }
0xc3: {  	(tm) =	ssettm $0x7FFFFFFF  }
tec
execute0_lowered:
.L_overlay_start_1:
0x0: {  	(tag) =	ssettag $0x1  }
0x1: {  	s1 =	srdreg.scid  }
0x2: {  	s1 =	sand.u32 $0x1, s1  }
0x3: {  	p0 =	seq.s32 s1, $0x1  }
.Ltmp0:
0x4: {  	s8 =	rddreg [dreg:$0x0];
	(pc) =	sbr.rel @p0 .LBB2_4-.Ltmp0, $4  }
0x5: {  	s5 =	rddreg [dreg:$0x1]  }
0x6: {  	s2 =	rddreg [dreg:$0x2];
	s7 =	simm.s32 $0x0  }
0x7: {  	[smem:$0x7FF] =	sst s7  }
0x8: {  	s0 =	rddreg [dreg:$0x3];
	_ =	strace $0x80000047;
	s1 =	stileid.u32  }
0x9: {  	s3 =	smul.u32 $0x280, s1  }
0xa: {  	s4 =	sadd.s32 $0xD200, s5;
	s26 =	sshll.u32 s1, $0x6  }
0xb: {  	s9 =	sshrl.u32 s3, $0x3;
	s6 =	sadd.s32 s3, s2;
	s3 =	sor.u32 $0x1C01, s26  }
0xc: {  	s10 =	sadd.s32 s4, s9;
	s4 =	sshrl.u32 s6, $0x3;
	s6 =	simm.s32 $0x1  }
0xd: {  	[spmem:s4], [sflag:s3] =	dma.local [hbm:s10], $0x50  }
0xe: {  	s28 =	smul.u32 $0xA00, s1;
	_ =	swait.ge [sflag:s6], $0x50  }
0xf: {  	[sflag:s6] =	ssyncset.done $0x0  }
0x10: {  	s8 =	sadd.s32 s8, s28;
	[sflag:s6] =	ssyncadd.s32 $0xFFFFFFB0  }
0x11: {  	[tilespmem:s7], [sflag:$0x1] =	stream.linear.gather [hbm4b:s8+s7], $0x5000, $0x38;
	[tilespmem:$0x5300] =	vst v63  }
0x12: {  	_ =	swait.ge [sflag:s6], $0x5000  }
0x13: {  	[sflag:s6] =	ssyncset.done $0x0  }
0x14: {  	s29 =	sadd.s32 $0xD800, s5;
	s8 =	simm.s32 $0x5000;
	[sflag:s6] =	ssyncadd.s32 $0xFFFFB000  }
0x15: {  	[tilespmem:s8], [sflag:$0x1] =	stream.linear.gather [hbm4b:s29+s7], $0x80, $0x38;
	[tilespmem:$0x5300] =	vst v63  }
0x16: {  	_ =	swait.ge [sflag:s6], $0x80  }
0x17: {  	[sflag:s6] =	ssyncset.done $0x0  }
0x18: {  	[sflag:s6] =	ssyncadd.s32 $0xFFFFFF80  }
0x19: {  	s30 =	simm.s32 $0x0;
	s7 =	simm.s32 $0x80;
	[bflag:$0x0] =	sbarrier.arrive $0xFFFF  }
0x1a: {  	[spmem:s2] =	stream.indirect.scatter.add.f32 [tilespmem:s8], [sflag:$0x1], $0x1, s30, s7, $0xb8;
	[tilespmem:$0x5300] =	vst v63  }
0x1b: {  	s31 =	sadd.s32 s9, s5;
	_ =	swait.ge [sflag:s6], $0x80  }
0x1c: {  	s9 =	simm.s32 $0x200;
	s5 =	sadd.s32 $0xDA00, s31;
	[sflag:s6] =	ssyncset.done $0x0  }
.LBB2_2:
0x1d: {  	s10 =	sshra.s32 s9, $0x2;
	[sflag:s6] =	ssyncadd.s32 $0xFFFFFF80;
	p0 =	sne.s32 s9, $0x13E00  }
0x1e: {  	[spmem:s2] =	stream.indirect.scatter.add.f32 [tilespmem:s8], [sflag:$0x1], $0x1, s10, s7, $0xb8;
	[tilespmem:$0x5300] =	vst v63  }
.Ltmp1:
0x1f: {  	_ = 	snop;
	(pc) =	sbr.rel @p0 .LBB2_2-.Ltmp1, $4  }
0x20: {  	_ = 	snop  }
0x21: {  	s9 =	sadd.s32 $0x200, s9  }
0x22: {  	_ =	swait.ge [sflag:s6], $0x80  }
0x23: {  	[sflag:s6] =	ssyncset.done $0x0  }
0x24: {  	[sflag:s6] =	ssyncadd.s32 $0xFFFFFF80  }
0x25: {  	s2 =	simm.s32 $0x1;
	[bflag:$0x0] =	sbarrier.arrive $0xFFFF  }
0x26: {  	[hbm:s5], [sflag:s3] =	dma.local [spmem:s4], $0x50  }
0x27: {  	_ =	swait.ge [sflag:s2], $0x50  }
0x28: {  	[sflag:s2] =	ssyncset.done $0x0  }
0x29: {  	[sflag:s2] =	ssyncadd.s32 $0xFFFFFFB0  }
.LBB2_4:
0x2a: {  	_ =	sfence.sel $0x180000  }
0x2b: {  	[bflag:$0x0] =	sbarrier.arrive $0xFFFF  }
0x2c: {  	p0 =	sne.s32 s1, $0x0;
	_ =	strace $0x90000047  }
0x2d: {  	s0 =	sadd.s32 @!p0 $0x100000, s0;
	[bflag:$0x2] =	sbarrier.arrive $0xFFFF  }
0x2e: {  	[sflag:s0] =	ssyncadd.tile.s32 @!p0 $0x1;
	_ =	shalt  }
.Lfunc_end2:
_tile_overlayer_lowered:
.L_overlay_start_2:
0x2f: {  	(tag) =	ssettag $0x2  }
0x30: {  	s0 =	rddreg [dreg:$0x0];
	s2 =	stileid.u32  }
0x31: {  	s1 =	rddreg [dreg:$0x1];
	p0 =	sne.s32 s2, $0x0  }
0x32: {  	s3 =	rddreg [dreg:$0x2];
	[bflag:$0x3] =	sbarrier.arrive $0xFFFF;
	s2 =	simm.s32 @!p0 $0x1C01  }
0x33: {  	[timem:s3], [sflag:s2] =	dma.local @!p0 [hbm:s0], s1  }
0x34: {  	s0 =	simm.s32 @!p0 $0x1  }
0x35: {  	_ =	swait.ge @!p0 [sflag:s0], s1  }
0x36: {  	s1 =	ssub.s32 @!p0 $0x0, s1;
	[sflag:s0] =	ssyncset.done @!p0 $0x0  }
0x37: {  	[sflag:s0] =	ssyncadd.s32 @!p0 s1  }
0x38: {  	[bflag:$0x3] =	sbarrier.arrive $0xFFFF  }
0x39: {  	_ =	shalt  }

</sc_bundles>
